<compile_context>
chip_gen: v7x
topology: tpu7x:2x2x1
jax: 0.10.2.dev20260603
libtpu: 0.0.44.dev20260713+nightly
codegen_flags: <defaults>
</compile_context>

<pallas_src>
import functools

import jax
import jax.numpy as jnp
import numpy as np
from jax import lax
from jax.experimental import pallas as pl
from jax.experimental.pallas import tpu as pltpu
from jax.experimental.pallas import tpu_sc as plsc

H_DIM = 32
W_DIM = 32
HW = H_DIM * W_DIM

NC = 2
NS = 16
NW = NC * NS
L = 16

CPU = 32
HC = 4
S_CHUNK = HC * W_DIM
N_CHUNK = H_DIM // HC


def _diag_perm(mode):
    idx = []
    for d in range(H_DIM + W_DIM - 1):
        for i in range(H_DIM):
            j = d - i if mode == "rd" else i - (H_DIM - 1 - d)
            if 0 <= j < W_DIM:
                idx.append(i * W_DIM + j)
    return np.asarray(idx, dtype=np.int32)


def _inv(p):
    inv = np.empty_like(p)
    inv[p] = np.arange(p.size, dtype=p.dtype)
    return inv


_RD_INV = _inv(_diag_perm("rd"))
_LD_INV = _inv(_diag_perm("ld"))


@functools.partial(jax.jit, static_argnums=(3, 4))
def _diag_scan(x6, rd_inv, ld_inv, b_dim, c_dim):
    rows = b_dim * c_dim
    upb = c_dim // CPU
    steps = upb * N_CHUNK
    mesh = plsc.VectorSubcoreMesh(core_axis_name="c", subcore_axis_name="s")

    @functools.partial(
        pl.kernel,
        mesh=mesh,
        compiler_params=pltpu.CompilerParams(
            needs_layout_passes=False, use_tc_tiling_on_sc=True
        ),
        out_type=(
            jax.ShapeDtypeStruct((rows, HW), jnp.float32),
            jax.ShapeDtypeStruct((rows, HW), jnp.float32),
        ),
        scratch_types=[
            pltpu.VMEM((HW,), jnp.int32),
            pltpu.VMEM((HW,), jnp.int32),
            pltpu.VMEM((HC, 4, 8, 128), jnp.float32),
            pltpu.VMEM((HC, 4, 8, 128), jnp.float32),
            pltpu.VMEM((HC, 4, 8, 128), jnp.float32),
            pltpu.VMEM((CPU, HW), jnp.float32),
            pltpu.VMEM((CPU, HW), jnp.float32),
            pltpu.SemaphoreType.DMA,
            pltpu.SemaphoreType.DMA,
            pltpu.SemaphoreType.DMA,
            pltpu.SemaphoreType.DMA,
            pltpu.SemaphoreType.DMA,
        ],
    )
    def k(x_hbm, rdi_hbm, ldi_hbm, yrd_hbm, yld_hbm,
          rd_v, ld_v, in0, in1, in2, or_v, ol_v,
          in_s0, in_s1, in_s2, or_s, ol_s):
        b = lax.axis_index("s") * NC + lax.axis_index("c")
        pltpu.sync_copy(rdi_hbm, rd_v)
        pltpu.sync_copy(ldi_hbm, ld_v)

        def start_in(step, in_v, in_s):
            sc = jnp.minimum(step, steps - 1)
            cq = sc // N_CHUNK
            hc = sc % N_CHUNK
            pltpu.async_copy(
                x_hbm.at[b, pl.ds(hc * HC, HC), slice(None), cq // 4], in_v, in_s
            )

        iota = lax.iota(jnp.int32, L)

        def scatter_chunk(step, in_v):
            cq = step // N_CHUNK
            hc = step % N_CHUNK
            lane0 = (cq % 4) * CPU
            s0 = hc * S_CHUNK

            nrun = S_CHUNK // L
            krs = [rd_v[pl.ds(s0 + r * L, L)] for r in range(nrun)]
            kls = [ld_v[pl.ds(s0 + r * L, L)] for r in range(nrun)]
            iota128 = lax.shift_left(iota, 7)
            zero = jnp.zeros((L,), jnp.int32)

            @plsc.parallel_loop(0, CPU)
            def _(c0):
                cv = jnp.bitwise_and(c0 + iota, CPU - 1)
                base = cv + lane0 + iota128
                for r in range(nrun):
                    flat = base + jnp.int32(r * L * 128)
                    v = plsc.load_gather(in_v, [zero, zero, zero, flat])
                    plsc.store_scatter(or_v, [cv, krs[r]], v)
                    plsc.store_scatter(ol_v, [cv, kls[r]], v)

        def flush(cq):
            row0 = b * c_dim + cq * CPU
            pltpu.async_copy(or_v, yrd_hbm.at[pl.ds(row0, CPU)], or_s)
            pltpu.async_copy(ol_v, yld_hbm.at[pl.ds(row0, CPU)], ol_s)

        def wait_flush():
            pltpu.make_async_copy(or_v, yrd_hbm.at[pl.ds(0, CPU)], or_s).wait()
            pltpu.make_async_copy(ol_v, yld_hbm.at[pl.ds(0, CPU)], ol_s).wait()

        start_in(0, in0, in_s0)
        start_in(1, in1, in_s1)
        start_in(2, in2, in_s2)

        def half(step, in_v, in_s):
            pltpu.make_async_copy(
                x_hbm.at[b, pl.ds(0, HC), slice(None), 0], in_v, in_s
            ).wait()

            @pl.when(jnp.logical_and(step % N_CHUNK == 0, step > 0))
            def _():
                wait_flush()

            scatter_chunk(step, in_v)
            start_in(step + 3, in_v, in_s)

            @pl.when(step % N_CHUNK == N_CHUNK - 1)
            def _():
                flush(step // N_CHUNK)

        def body(i, carry):
            half(3 * i, in0, in_s0)
            half(3 * i + 1, in1, in_s1)
            half(3 * i + 2, in2, in_s2)
            return carry

        lax.fori_loop(0, steps // 3, body, 0)

        pltpu.make_async_copy(x_hbm.at[b, pl.ds(0, HC), slice(None), 0], in0, in_s0).wait()
        pltpu.make_async_copy(x_hbm.at[b, pl.ds(0, HC), slice(None), 0], in1, in_s1).wait()
        pltpu.make_async_copy(x_hbm.at[b, pl.ds(0, HC), slice(None), 0], in2, in_s2).wait()
        wait_flush()

    return k(x6, rd_inv, ld_inv)


def kernel(x):
    B, C, H, W = x.shape
    x6 = (
        jnp.transpose(x, (0, 2, 3, 1))
        .reshape(B, H, 4, 8, C // 128, 128)
        .transpose(0, 1, 2, 4, 3, 5)
    )
    yrd, yld = _diag_scan(x6, jnp.asarray(_RD_INV), jnp.asarray(_LD_INV), B, C)
    return yrd.reshape(B, C, HW), yld.reshape(B, C, HW)

# --- scband reference (transcript-rebuilt; emitter-appended) ---
"""Pipeline reference for scband-diag-scan-module-2860448219143 (READ-ONLY COPY).

The authoritative reference and input builder live on the scoring server;
editing this copy changes nothing except your own understanding.
"""

import jax, jax.numpy as jnp
import numpy as np

H_CONST = 32
W_CONST = 32

def build_diag_index(H, W, mode='rd'):
    index_map = []
    for d in range(H + W - 1):
        for i in range(H):
            j = d - i if mode == 'rd' else i - (H - 1 - d)
            if 0 <= j < W:
                index_map.append(i * W + j)
    return np.asarray(index_map, dtype=np.int64)

def setup_inputs(seed: int = 0) -> dict:
    key = jax.random.key(seed)
    x = jax.random.normal(key, (32, 768, H_CONST, W_CONST), dtype=jnp.float32)
    return {"x": x}

def reference(x):
    B, C, H, W = x.shape
    rd_index_map = jnp.asarray(build_diag_index(H, W, 'rd'))
    ld_index_map = jnp.asarray(build_diag_index(H, W, 'ld'))
    x_flat = x.reshape(B, C, H * W)
    # forward diag scan is a gather along the flattened spatial axis
    y_rd = jnp.take(x_flat, rd_index_map, axis=2)
    y_ld = jnp.take(x_flat, ld_index_map, axis=2)
    return (y_rd, y_ld)

if __name__ == "__main__":
    import jax
    _d = setup_inputs()
    print(jax.jit(kernel)(*tuple(_d.values())))

</pallas_src>

<mosaic_0001>
#map = affine_map<(d0, d1) -> (0, 0, 0, 0, 0, 0)>
#map1 = affine_map<(d0, d1) -> (0)>
#map2 = affine_map<(d0, d1) -> (0, 0)>
module attributes {stable_mosaic.version = 14 : i64} {
  func.func @k(%arg0: i32, %arg1: i32, %arg2: memref<32x32x4x6x8x128xf32, #tpu.memory_space<hbm>>, %arg3: memref<1024xi32, #tpu.memory_space<hbm>>, %arg4: memref<1024xi32, #tpu.memory_space<hbm>>, %arg5: memref<24576x1024xf32, #tpu.memory_space<hbm>>, %arg6: memref<24576x1024xf32, #tpu.memory_space<hbm>>, %arg7: memref<1024xi32, #tpu.memory_space<vmem>>, %arg8: memref<1024xi32, #tpu.memory_space<vmem>>, %arg9: memref<4x4x8x128xf32, #tpu.memory_space<vmem>>, %arg10: memref<4x4x8x128xf32, #tpu.memory_space<vmem>>, %arg11: memref<4x4x8x128xf32, #tpu.memory_space<vmem>>, %arg12: memref<32x1024xf32, #tpu.memory_space<vmem>>, %arg13: memref<32x1024xf32, #tpu.memory_space<vmem>>, %arg14: memref<!tpu.dma_semaphore, #tpu.memory_space<semaphore_mem>>, %arg15: memref<!tpu.dma_semaphore, #tpu.memory_space<semaphore_mem>>, %arg16: memref<!tpu.dma_semaphore, #tpu.memory_space<semaphore_mem>>, %arg17: memref<!tpu.dma_semaphore, #tpu.memory_space<semaphore_mem>>, %arg18: memref<!tpu.dma_semaphore, #tpu.memory_space<semaphore_mem>>) attributes {dimension_semantics = [#tpu.dimension_semantics<core_parallel>, #tpu.dimension_semantics<subcore_parallel>], iteration_bounds = array<i64: 2, 16>, scalar_prefetch = 0 : i64, scratch_operands = 12 : i64, tpu.core_type = #tpu.core_type<sc_vector_subcore>, window_params = [{transform_indices = #map}, {transform_indices = #map1}, {transform_indices = #map1}, {transform_indices = #map2}, {transform_indices = #map2}]} {
    %mul3A = arith.constant 2 : i32
    %mul3A_0 = arith.muli %arg1, %mul3A : i32
    %add3A = arith.addi %mul3A_0, %arg0 : i32
    "tpu.region"() ({
      %run_scoped3A = tpu.sem_alloc : memref<!tpu.dma_semaphore, #tpu.memory_space<semaphore_mem>>
      tpu.enqueue_dma source(%arg3 : memref<1024xi32, #tpu.memory_space<hbm>>) target(%arg7 : memref<1024xi32, #tpu.memory_space<vmem>>) target_semaphore(%run_scoped3A : memref<!tpu.dma_semaphore, #tpu.memory_space<semaphore_mem>>)
      tpu.wait_dma2 semaphore(%run_scoped3A : memref<!tpu.dma_semaphore, #tpu.memory_space<semaphore_mem>>) src(%arg3 : memref<1024xi32, #tpu.memory_space<hbm>>) dst(%arg7 : memref<1024xi32, #tpu.memory_space<vmem>>)
      tpu.yield
    }) : () -> ()
    "tpu.region"() ({
      %run_scoped3A = tpu.sem_alloc : memref<!tpu.dma_semaphore, #tpu.memory_space<semaphore_mem>>
      tpu.enqueue_dma source(%arg4 : memref<1024xi32, #tpu.memory_space<hbm>>) target(%arg8 : memref<1024xi32, #tpu.memory_space<vmem>>) target_semaphore(%run_scoped3A : memref<!tpu.dma_semaphore, #tpu.memory_space<semaphore_mem>>)
      tpu.wait_dma2 semaphore(%run_scoped3A : memref<!tpu.dma_semaphore, #tpu.memory_space<semaphore_mem>>) src(%arg4 : memref<1024xi32, #tpu.memory_space<hbm>>) dst(%arg8 : memref<1024xi32, #tpu.memory_space<vmem>>)
      tpu.yield
    }) : () -> ()
    %iota3A = tpu.iota {dimensions = array<i32: 0>} : vector<16xi32>
    %min3A = arith.constant 0 : i32
    %min3A_1 = arith.constant 191 : i32
    %min3A_2 = arith.minsi %min3A, %min3A_1 : i32
    %jit3A = arith.constant 8 : i32
    %div3A = arith.divsi %min3A_2, %jit3A : i32
    %sign3A = arith.constant 0 : i32
    %sign3A_3 = arith.cmpi sgt, %min3A_2, %sign3A : i32
    %sign3A_4 = arith.extui %sign3A_3 : i1 to i32
    %sign3A_5 = arith.constant 0 : i32
    %sign3A_6 = arith.cmpi slt, %min3A_2, %sign3A_5 : i32
    %sign3A_7 = arith.extui %sign3A_6 : i1 to i32
    %sign3A_8 = arith.subi %sign3A_4, %sign3A_7 : i32
    %sign3A_9 = arith.constant 0 : i32
    %sign3A_10 = arith.cmpi sgt, %jit3A, %sign3A_9 : i32
    %sign3A_11 = arith.extui %sign3A_10 : i1 to i32
    %sign3A_12 = arith.constant 0 : i32
    %sign3A_13 = arith.cmpi slt, %jit3A, %sign3A_12 : i32
    %sign3A_14 = arith.extui %sign3A_13 : i1 to i32
    %sign3A_15 = arith.subi %sign3A_11, %sign3A_14 : i32
    %ne3A = arith.cmpi ne, %sign3A_8, %sign3A_15 : i32
    %rem3A = arith.remsi %min3A_2, %jit3A : i32
    %ne3A_16 = arith.constant 0 : i32
    %ne3A_17 = arith.cmpi ne, %rem3A, %ne3A_16 : i32
    %and3A = arith.andi %ne3A, %ne3A_17 : i1
    %sub3A = arith.constant 1 : i32
    %sub3A_18 = arith.subi %div3A, %sub3A : i32
    %select_n3A = arith.select %and3A, %sub3A_18, %div3A : i32
    %jit3A_19 = arith.constant 8 : i32
    %eq3A = arith.constant 0 : i32
    %eq3A_20 = arith.cmpi eq, %jit3A_19, %eq3A : i32
    %jit3A_21 = arith.constant 1 : i32
    %select_n3A_22 = arith.select %eq3A_20, %jit3A_21, %jit3A_19 : i32
    %rem3A_23 = arith.remsi %min3A_2, %select_n3A_22 : i32
    %ne3A_24 = arith.constant 0 : i32
    %ne3A_25 = arith.cmpi ne, %rem3A_23, %ne3A_24 : i32
    %lt3A = arith.constant 0 : i32
    %lt3A_26 = arith.cmpi slt, %rem3A_23, %lt3A : i32
    %lt3A_27 = arith.constant 0 : i32
    %lt3A_28 = arith.cmpi slt, %select_n3A_22, %lt3A_27 : i32
    %ne3A_29 = arith.xori %lt3A_26, %lt3A_28 : i1
    %and3A_30 = arith.andi %ne3A_29, %ne3A_25 : i1
    %add3A_31 = arith.addi %rem3A_23, %select_n3A_22 : i32
    %select_n3A_32 = arith.select %and3A_30, %add3A_31, %rem3A_23 : i32
    %mul3A_33 = arith.constant 4 : i32
    %mul3A_34 = arith.muli %select_n3A_32, %mul3A_33 : i32
    %jit3A_35 = arith.constant 4 : i32
    %div3A_36 = arith.divsi %select_n3A, %jit3A_35 : i32
    %sign3A_37 = arith.constant 0 : i32
    %sign3A_38 = arith.cmpi sgt, %select_n3A, %sign3A_37 : i32
    %sign3A_39 = arith.extui %sign3A_38 : i1 to i32
    %sign3A_40 = arith.constant 0 : i32
    %sign3A_41 = arith.cmpi slt, %select_n3A, %sign3A_40 : i32
    %sign3A_42 = arith.extui %sign3A_41 : i1 to i32
    %sign3A_43 = arith.subi %sign3A_39, %sign3A_42 : i32
    %sign3A_44 = arith.constant 0 : i32
    %sign3A_45 = arith.cmpi sgt, %jit3A_35, %sign3A_44 : i32
    %sign3A_46 = arith.extui %sign3A_45 : i1 to i32
    %sign3A_47 = arith.constant 0 : i32
    %sign3A_48 = arith.cmpi slt, %jit3A_35, %sign3A_47 : i32
    %sign3A_49 = arith.extui %sign3A_48 : i1 to i32
    %sign3A_50 = arith.subi %sign3A_46, %sign3A_49 : i32
    %ne3A_51 = arith.cmpi ne, %sign3A_43, %sign3A_50 : i32
    %rem3A_52 = arith.remsi %select_n3A, %jit3A_35 : i32
    %ne3A_53 = arith.constant 0 : i32
    %ne3A_54 = arith.cmpi ne, %rem3A_52, %ne3A_53 : i32
    %and3A_55 = arith.andi %ne3A_51, %ne3A_54 : i1
    %sub3A_56 = arith.constant 1 : i32
    %sub3A_57 = arith.subi %div3A_36, %sub3A_56 : i32
    %select_n3A_58 = arith.select %and3A_55, %sub3A_57, %div3A_36 : i32
    %dma_start3A = arith.constant 0 : i32
    %dma_start3A_59 = arith.constant 0 : i32
    %dma_start3A_60 = arith.constant 0 : i32
    %dma_start3A_61 = tpu.memref_slice %arg2[%add3A, %mul3A_34, %dma_start3A, %select_n3A_58, %dma_start3A_59, %dma_start3A_60] : memref<32x32x4x6x8x128xf32, #tpu.memory_space<hbm>> -> memref<1x4x4x1x8x128xf32, #tpu.memory_space<hbm>>
    %dma_start3A_62 = tpu.memref_squeeze %dma_start3A_61 : memref<1x4x4x1x8x128xf32, #tpu.memory_space<hbm>> -> memref<4x4x8x128xf32, #tpu.memory_space<hbm>>
    %dma_start3A_63 = arith.constant 0 : i32
    %dma_start3A_64 = arith.constant 0 : i32
    %dma_start3A_65 = arith.constant 0 : i32
    %dma_start3A_66 = tpu.memref_slice %arg2[%add3A, %mul3A_34, %dma_start3A_63, %select_n3A_58, %dma_start3A_64, %dma_start3A_65] : memref<32x32x4x6x8x128xf32, #tpu.memory_space<hbm>> -> memref<1x4x4x1x8x128xf32, #tpu.memory_space<hbm>>
    %dma_start3A_67 = tpu.memref_squeeze %dma_start3A_66 : memref<1x4x4x1x8x128xf32, #tpu.memory_space<hbm>> -> memref<4x4x8x128xf32, #tpu.memory_space<hbm>>
    tpu.enqueue_dma source(%dma_start3A_67 : memref<4x4x8x128xf32, #tpu.memory_space<hbm>>) target(%arg9 : memref<4x4x8x128xf32, #tpu.memory_space<vmem>>) target_semaphore(%arg14 : memref<!tpu.dma_semaphore, #tpu.memory_space<semaphore_mem>>)
    %min3A_68 = arith.constant 1 : i32
    %min3A_69 = arith.constant 191 : i32
    %min3A_70 = arith.minsi %min3A_68, %min3A_69 : i32
    %jit3A_71 = arith.constant 8 : i32
    %div3A_72 = arith.divsi %min3A_70, %jit3A_71 : i32
    %sign3A_73 = arith.constant 0 : i32
    %sign3A_74 = arith.cmpi sgt, %min3A_70, %sign3A_73 : i32
    %sign3A_75 = arith.extui %sign3A_74 : i1 to i32
    %sign3A_76 = arith.constant 0 : i32
    %sign3A_77 = arith.cmpi slt, %min3A_70, %sign3A_76 : i32
    %sign3A_78 = arith.extui %sign3A_77 : i1 to i32
    %sign3A_79 = arith.subi %sign3A_75, %sign3A_78 : i32
    %sign3A_80 = arith.constant 0 : i32
    %sign3A_81 = arith.cmpi sgt, %jit3A_71, %sign3A_80 : i32
    %sign3A_82 = arith.extui %sign3A_81 : i1 to i32
    %sign3A_83 = arith.constant 0 : i32
    %sign3A_84 = arith.cmpi slt, %jit3A_71, %sign3A_83 : i32
    %sign3A_85 = arith.extui %sign3A_84 : i1 to i32
    %sign3A_86 = arith.subi %sign3A_82, %sign3A_85 : i32
    %ne3A_87 = arith.cmpi ne, %sign3A_79, %sign3A_86 : i32
    %rem3A_88 = arith.remsi %min3A_70, %jit3A_71 : i32
    %ne3A_89 = arith.constant 0 : i32
    %ne3A_90 = arith.cmpi ne, %rem3A_88, %ne3A_89 : i32
    %and3A_91 = arith.andi %ne3A_87, %ne3A_90 : i1
    %sub3A_92 = arith.constant 1 : i32
    %sub3A_93 = arith.subi %div3A_72, %sub3A_92 : i32
    %select_n3A_94 = arith.select %and3A_91, %sub3A_93, %div3A_72 : i32
    %jit3A_95 = arith.constant 8 : i32
    %eq3A_96 = arith.constant 0 : i32
    %eq3A_97 = arith.cmpi eq, %jit3A_95, %eq3A_96 : i32
    %jit3A_98 = arith.constant 1 : i32
    %select_n3A_99 = arith.select %eq3A_97, %jit3A_98, %jit3A_95 : i32
    %rem3A_100 = arith.remsi %min3A_70, %select_n3A_99 : i32
    %ne3A_101 = arith.constant 0 : i32
    %ne3A_102 = arith.cmpi ne, %rem3A_100, %ne3A_101 : i32
    %lt3A_103 = arith.constant 0 : i32
    %lt3A_104 = arith.cmpi slt, %rem3A_100, %lt3A_103 : i32
    %lt3A_105 = arith.constant 0 : i32
    %lt3A_106 = arith.cmpi slt, %select_n3A_99, %lt3A_105 : i32
    %ne3A_107 = arith.xori %lt3A_104, %lt3A_106 : i1
    %and3A_108 = arith.andi %ne3A_107, %ne3A_102 : i1
    %add3A_109 = arith.addi %rem3A_100, %select_n3A_99 : i32
    %select_n3A_110 = arith.select %and3A_108, %add3A_109, %rem3A_100 : i32
    %mul3A_111 = arith.constant 4 : i32
    %mul3A_112 = arith.muli %select_n3A_110, %mul3A_111 : i32
    %jit3A_113 = arith.constant 4 : i32
    %div3A_114 = arith.divsi %select_n3A_94, %jit3A_113 : i32
    %sign3A_115 = arith.constant 0 : i32
    %sign3A_116 = arith.cmpi sgt, %select_n3A_94, %sign3A_115 : i32
    %sign3A_117 = arith.extui %sign3A_116 : i1 to i32
    %sign3A_118 = arith.constant 0 : i32
    %sign3A_119 = arith.cmpi slt, %select_n3A_94, %sign3A_118 : i32
    %sign3A_120 = arith.extui %sign3A_119 : i1 to i32
    %sign3A_121 = arith.subi %sign3A_117, %sign3A_120 : i32
    %sign3A_122 = arith.constant 0 : i32
    %sign3A_123 = arith.cmpi sgt, %jit3A_113, %sign3A_122 : i32
    %sign3A_124 = arith.extui %sign3A_123 : i1 to i32
    %sign3A_125 = arith.constant 0 : i32
    %sign3A_126 = arith.cmpi slt, %jit3A_113, %sign3A_125 : i32
    %sign3A_127 = arith.extui %sign3A_126 : i1 to i32
    %sign3A_128 = arith.subi %sign3A_124, %sign3A_127 : i32
    %ne3A_129 = arith.cmpi ne, %sign3A_121, %sign3A_128 : i32
    %rem3A_130 = arith.remsi %select_n3A_94, %jit3A_113 : i32
    %ne3A_131 = arith.constant 0 : i32
    %ne3A_132 = arith.cmpi ne, %rem3A_130, %ne3A_131 : i32
    %and3A_133 = arith.andi %ne3A_129, %ne3A_132 : i1
    %sub3A_134 = arith.constant 1 : i32
    %sub3A_135 = arith.subi %div3A_114, %sub3A_134 : i32
    %select_n3A_136 = arith.select %and3A_133, %sub3A_135, %div3A_114 : i32
    %dma_start3A_137 = arith.constant 0 : i32
    %dma_start3A_138 = arith.constant 0 : i32
    %dma_start3A_139 = arith.constant 0 : i32
    %dma_start3A_140 = tpu.memref_slice %arg2[%add3A, %mul3A_112, %dma_start3A_137, %select_n3A_136, %dma_start3A_138, %dma_start3A_139] : memref<32x32x4x6x8x128xf32, #tpu.memory_space<hbm>> -> memref<1x4x4x1x8x128xf32, #tpu.memory_space<hbm>>
    %dma_start3A_141 = tpu.memref_squeeze %dma_start3A_140 : memref<1x4x4x1x8x128xf32, #tpu.memory_space<hbm>> -> memref<4x4x8x128xf32, #tpu.memory_space<hbm>>
    %dma_start3A_142 = arith.constant 0 : i32
    %dma_start3A_143 = arith.constant 0 : i32
    %dma_start3A_144 = arith.constant 0 : i32
    %dma_start3A_145 = tpu.memref_slice %arg2[%add3A, %mul3A_112, %dma_start3A_142, %select_n3A_136, %dma_start3A_143, %dma_start3A_144] : memref<32x32x4x6x8x128xf32, #tpu.memory_space<hbm>> -> memref<1x4x4x1x8x128xf32, #tpu.memory_space<hbm>>
    %dma_start3A_146 = tpu.memref_squeeze %dma_start3A_145 : memref<1x4x4x1x8x128xf32, #tpu.memory_space<hbm>> -> memref<4x4x8x128xf32, #tpu.memory_space<hbm>>
    tpu.enqueue_dma source(%dma_start3A_146 : memref<4x4x8x128xf32, #tpu.memory_space<hbm>>) target(%arg10 : memref<4x4x8x128xf32, #tpu.memory_space<vmem>>) target_semaphore(%arg15 : memref<!tpu.dma_semaphore, #tpu.memory_space<semaphore_mem>>)
    %min3A_147 = arith.constant 2 : i32
    %min3A_148 = arith.constant 191 : i32
    %min3A_149 = arith.minsi %min3A_147, %min3A_148 : i32
    %jit3A_150 = arith.constant 8 : i32
    %div3A_151 = arith.divsi %min3A_149, %jit3A_150 : i32
    %sign3A_152 = arith.constant 0 : i32
    %sign3A_153 = arith.cmpi sgt, %min3A_149, %sign3A_152 : i32
    %sign3A_154 = arith.extui %sign3A_153 : i1 to i32
    %sign3A_155 = arith.constant 0 : i32
    %sign3A_156 = arith.cmpi slt, %min3A_149, %sign3A_155 : i32
    %sign3A_157 = arith.extui %sign3A_156 : i1 to i32
    %sign3A_158 = arith.subi %sign3A_154, %sign3A_157 : i32
    %sign3A_159 = arith.constant 0 : i32
    %sign3A_160 = arith.cmpi sgt, %jit3A_150, %sign3A_159 : i32
    %sign3A_161 = arith.extui %sign3A_160 : i1 to i32
    %sign3A_162 = arith.constant 0 : i32
    %sign3A_163 = arith.cmpi slt, %jit3A_150, %sign3A_162 : i32
    %sign3A_164 = arith.extui %sign3A_163 : i1 to i32
    %sign3A_165 = arith.subi %sign3A_161, %sign3A_164 : i32
    %ne3A_166 = arith.cmpi ne, %sign3A_158, %sign3A_165 : i32
    %rem3A_167 = arith.remsi %min3A_149, %jit3A_150 : i32
    %ne3A_168 = arith.constant 0 : i32
    %ne3A_169 = arith.cmpi ne, %rem3A_167, %ne3A_168 : i32
    %and3A_170 = arith.andi %ne3A_166, %ne3A_169 : i1
    %sub3A_171 = arith.constant 1 : i32
    %sub3A_172 = arith.subi %div3A_151, %sub3A_171 : i32
    %select_n3A_173 = arith.select %and3A_170, %sub3A_172, %div3A_151 : i32
    %jit3A_174 = arith.constant 8 : i32
    %eq3A_175 = arith.constant 0 : i32
    %eq3A_176 = arith.cmpi eq, %jit3A_174, %eq3A_175 : i32
    %jit3A_177 = arith.constant 1 : i32
    %select_n3A_178 = arith.select %eq3A_176, %jit3A_177, %jit3A_174 : i32
    %rem3A_179 = arith.remsi %min3A_149, %select_n3A_178 : i32
    %ne3A_180 = arith.constant 0 : i32
    %ne3A_181 = arith.cmpi ne, %rem3A_179, %ne3A_180 : i32
    %lt3A_182 = arith.constant 0 : i32
    %lt3A_183 = arith.cmpi slt, %rem3A_179, %lt3A_182 : i32
    %lt3A_184 = arith.constant 0 : i32
    %lt3A_185 = arith.cmpi slt, %select_n3A_178, %lt3A_184 : i32
    %ne3A_186 = arith.xori %lt3A_183, %lt3A_185 : i1
    %and3A_187 = arith.andi %ne3A_186, %ne3A_181 : i1
    %add3A_188 = arith.addi %rem3A_179, %select_n3A_178 : i32
    %select_n3A_189 = arith.select %and3A_187, %add3A_188, %rem3A_179 : i32
    %mul3A_190 = arith.constant 4 : i32
    %mul3A_191 = arith.muli %select_n3A_189, %mul3A_190 : i32
    %jit3A_192 = arith.constant 4 : i32
    %div3A_193 = arith.divsi %select_n3A_173, %jit3A_192 : i32
    %sign3A_194 = arith.constant 0 : i32
    %sign3A_195 = arith.cmpi sgt, %select_n3A_173, %sign3A_194 : i32
    %sign3A_196 = arith.extui %sign3A_195 : i1 to i32
    %sign3A_197 = arith.constant 0 : i32
    %sign3A_198 = arith.cmpi slt, %select_n3A_173, %sign3A_197 : i32
    %sign3A_199 = arith.extui %sign3A_198 : i1 to i32
    %sign3A_200 = arith.subi %sign3A_196, %sign3A_199 : i32
    %sign3A_201 = arith.constant 0 : i32
    %sign3A_202 = arith.cmpi sgt, %jit3A_192, %sign3A_201 : i32
    %sign3A_203 = arith.extui %sign3A_202 : i1 to i32
    %sign3A_204 = arith.constant 0 : i32
    %sign3A_205 = arith.cmpi slt, %jit3A_192, %sign3A_204 : i32
    %sign3A_206 = arith.extui %sign3A_205 : i1 to i32
    %sign3A_207 = arith.subi %sign3A_203, %sign3A_206 : i32
    %ne3A_208 = arith.cmpi ne, %sign3A_200, %sign3A_207 : i32
    %rem3A_209 = arith.remsi %select_n3A_173, %jit3A_192 : i32
    %ne3A_210 = arith.constant 0 : i32
    %ne3A_211 = arith.cmpi ne, %rem3A_209, %ne3A_210 : i32
    %and3A_212 = arith.andi %ne3A_208, %ne3A_211 : i1
    %sub3A_213 = arith.constant 1 : i32
    %sub3A_214 = arith.subi %div3A_193, %sub3A_213 : i32
    %select_n3A_215 = arith.select %and3A_212, %sub3A_214, %div3A_193 : i32
    %dma_start3A_216 = arith.constant 0 : i32
    %dma_start3A_217 = arith.constant 0 : i32
    %dma_start3A_218 = arith.constant 0 : i32
    %dma_start3A_219 = tpu.memref_slice %arg2[%add3A, %mul3A_191, %dma_start3A_216, %select_n3A_215, %dma_start3A_217, %dma_start3A_218] : memref<32x32x4x6x8x128xf32, #tpu.memory_space<hbm>> -> memref<1x4x4x1x8x128xf32, #tpu.memory_space<hbm>>
    %dma_start3A_220 = tpu.memref_squeeze %dma_start3A_219 : memref<1x4x4x1x8x128xf32, #tpu.memory_space<hbm>> -> memref<4x4x8x128xf32, #tpu.memory_space<hbm>>
    %dma_start3A_221 = arith.constant 0 : i32
    %dma_start3A_222 = arith.constant 0 : i32
    %dma_start3A_223 = arith.constant 0 : i32
    %dma_start3A_224 = tpu.memref_slice %arg2[%add3A, %mul3A_191, %dma_start3A_221, %select_n3A_215, %dma_start3A_222, %dma_start3A_223] : memref<32x32x4x6x8x128xf32, #tpu.memory_space<hbm>> -> memref<1x4x4x1x8x128xf32, #tpu.memory_space<hbm>>
    %dma_start3A_225 = tpu.memref_squeeze %dma_start3A_224 : memref<1x4x4x1x8x128xf32, #tpu.memory_space<hbm>> -> memref<4x4x8x128xf32, #tpu.memory_space<hbm>>
    tpu.enqueue_dma source(%dma_start3A_225 : memref<4x4x8x128xf32, #tpu.memory_space<hbm>>) target(%arg11 : memref<4x4x8x128xf32, #tpu.memory_space<vmem>>) target_semaphore(%arg16 : memref<!tpu.dma_semaphore, #tpu.memory_space<semaphore_mem>>)
    %scan3A = arith.constant 0 : i32
    %scan3A_226 = arith.constant 0 : i32
    %scan3A_227 = arith.constant 64 : i32
    %scan3A_228 = arith.addi %scan3A_226, %scan3A_227 : i32
    %scan3A_229 = arith.constant 1 : i32
    scf.for %scan3A_281 = %scan3A_226 to %scan3A_228 step %scan3A_229  : i32 {
      %mul3A_282 = arith.constant 3 : i32
      %mul3A_283 = arith.muli %mul3A_282, %scan3A_281 : i32
      %dma_wait3A_284 = arith.constant 0 : i32
      %dma_wait3A_285 = arith.constant 0 : i32
      %dma_wait3A_286 = arith.constant 0 : i32
      %dma_wait3A_287 = arith.constant 0 : i32
      %dma_wait3A_288 = arith.constant 0 : i32
      %dma_wait3A_289 = tpu.memref_slice %arg2[%add3A, %dma_wait3A_285, %dma_wait3A_286, %dma_wait3A_284, %dma_wait3A_287, %dma_wait3A_288] : memref<32x32x4x6x8x128xf32, #tpu.memory_space<hbm>> -> memref<1x4x4x1x8x128xf32, #tpu.memory_space<hbm>>
      %dma_wait3A_290 = tpu.memref_squeeze %dma_wait3A_289 : memref<1x4x4x1x8x128xf32, #tpu.memory_space<hbm>> -> memref<4x4x8x128xf32, #tpu.memory_space<hbm>>
      %dma_wait3A_291 = arith.constant 0 : i32
      %dma_wait3A_292 = arith.constant 0 : i32
      %dma_wait3A_293 = arith.constant 0 : i32
      %dma_wait3A_294 = arith.constant 0 : i32
      %dma_wait3A_295 = tpu.memref_slice %arg2[%add3A, %dma_wait3A_291, %dma_wait3A_292, %dma_wait3A_284, %dma_wait3A_293, %dma_wait3A_294] : memref<32x32x4x6x8x128xf32, #tpu.memory_space<hbm>> -> memref<1x4x4x1x8x128xf32, #tpu.memory_space<hbm>>
      %dma_wait3A_296 = tpu.memref_squeeze %dma_wait3A_295 : memref<1x4x4x1x8x128xf32, #tpu.memory_space<hbm>> -> memref<4x4x8x128xf32, #tpu.memory_space<hbm>>
      tpu.wait_dma2 semaphore(%arg14 : memref<!tpu.dma_semaphore, #tpu.memory_space<semaphore_mem>>) src(%dma_wait3A_296 : memref<4x4x8x128xf32, #tpu.memory_space<hbm>>) dst(%arg9 : memref<4x4x8x128xf32, #tpu.memory_space<vmem>>)
      %jit3A_297 = arith.constant 8 : i32
      %eq3A_298 = arith.constant 0 : i32
      %eq3A_299 = arith.cmpi eq, %jit3A_297, %eq3A_298 : i32
      %jit3A_300 = arith.constant 1 : i32
      %select_n3A_301 = arith.select %eq3A_299, %jit3A_300, %jit3A_297 : i32
      %rem3A_302 = arith.remsi %mul3A_283, %select_n3A_301 : i32
      %ne3A_303 = arith.constant 0 : i32
      %ne3A_304 = arith.cmpi ne, %rem3A_302, %ne3A_303 : i32
      %lt3A_305 = arith.constant 0 : i32
      %lt3A_306 = arith.cmpi slt, %rem3A_302, %lt3A_305 : i32
      %lt3A_307 = arith.constant 0 : i32
      %lt3A_308 = arith.cmpi slt, %select_n3A_301, %lt3A_307 : i32
      %ne3A_309 = arith.xori %lt3A_306, %lt3A_308 : i1
      %and3A_310 = arith.andi %ne3A_309, %ne3A_304 : i1
      %add3A_311 = arith.addi %rem3A_302, %select_n3A_301 : i32
      %select_n3A_312 = arith.select %and3A_310, %add3A_311, %rem3A_302 : i32
      %eq3A_313 = arith.constant 0 : i32
      %eq3A_314 = arith.cmpi eq, %select_n3A_312, %eq3A_313 : i32
      %gt3A = arith.constant 0 : i32
      %gt3A_315 = arith.cmpi sgt, %mul3A_283, %gt3A : i32
      %and3A_316 = arith.andi %eq3A_314, %gt3A_315 : i1
      %convert_element_type3A = arith.extui %and3A_316 : i1 to i32
      %cond3A = arith.constant 0 : i32
      %cond3A_317 = arith.cmpi ne, %convert_element_type3A, %cond3A : i32
      scf.if %cond3A_317 {
        %dma_wait3A_1095 = arith.constant 0 : i32
        %dma_wait3A_1096 = arith.constant 0 : i32
        %dma_wait3A_1097 = tpu.memref_slice %arg5[%dma_wait3A_1095, %dma_wait3A_1096] : memref<24576x1024xf32, #tpu.memory_space<hbm>> -> memref<32x1024xf32, #tpu.memory_space<hbm>>
        %dma_wait3A_1098 = arith.constant 0 : i32
        %dma_wait3A_1099 = arith.constant 0 : i32
        %dma_wait3A_1100 = tpu.memref_slice %arg5[%dma_wait3A_1098, %dma_wait3A_1099] : memref<24576x1024xf32, #tpu.memory_space<hbm>> -> memref<32x1024xf32, #tpu.memory_space<hbm>>
        tpu.wait_dma2 semaphore(%arg17 : memref<!tpu.dma_semaphore, #tpu.memory_space<semaphore_mem>>) src(%arg12 : memref<32x1024xf32, #tpu.memory_space<vmem>>) dst(%dma_wait3A_1100 : memref<32x1024xf32, #tpu.memory_space<hbm>>)
        %dma_wait3A_1101 = arith.constant 0 : i32
        %dma_wait3A_1102 = arith.constant 0 : i32
        %dma_wait3A_1103 = tpu.memref_slice %arg6[%dma_wait3A_1101, %dma_wait3A_1102] : memref<24576x1024xf32, #tpu.memory_space<hbm>> -> memref<32x1024xf32, #tpu.memory_space<hbm>>
        %dma_wait3A_1104 = arith.constant 0 : i32
        %dma_wait3A_1105 = arith.constant 0 : i32
        %dma_wait3A_1106 = tpu.memref_slice %arg6[%dma_wait3A_1104, %dma_wait3A_1105] : memref<24576x1024xf32, #tpu.memory_space<hbm>> -> memref<32x1024xf32, #tpu.memory_space<hbm>>
        tpu.wait_dma2 semaphore(%arg18 : memref<!tpu.dma_semaphore, #tpu.memory_space<semaphore_mem>>) src(%arg13 : memref<32x1024xf32, #tpu.memory_space<vmem>>) dst(%dma_wait3A_1106 : memref<32x1024xf32, #tpu.memory_space<hbm>>)
      } else {
      }
      %jit3A_318 = arith.constant 8 : i32
      %div3A_319 = arith.divsi %mul3A_283, %jit3A_318 : i32
      %sign3A_320 = arith.constant 0 : i32
      %sign3A_321 = arith.cmpi sgt, %mul3A_283, %sign3A_320 : i32
      %sign3A_322 = arith.extui %sign3A_321 : i1 to i32
      %sign3A_323 = arith.constant 0 : i32
      %sign3A_324 = arith.cmpi slt, %mul3A_283, %sign3A_323 : i32
      %sign3A_325 = arith.extui %sign3A_324 : i1 to i32
      %sign3A_326 = arith.subi %sign3A_322, %sign3A_325 : i32
      %sign3A_327 = arith.constant 0 : i32
      %sign3A_328 = arith.cmpi sgt, %jit3A_318, %sign3A_327 : i32
      %sign3A_329 = arith.extui %sign3A_328 : i1 to i32
      %sign3A_330 = arith.constant 0 : i32
      %sign3A_331 = arith.cmpi slt, %jit3A_318, %sign3A_330 : i32
      %sign3A_332 = arith.extui %sign3A_331 : i1 to i32
      %sign3A_333 = arith.subi %sign3A_329, %sign3A_332 : i32
      %ne3A_334 = arith.cmpi ne, %sign3A_326, %sign3A_333 : i32
      %rem3A_335 = arith.remsi %mul3A_283, %jit3A_318 : i32
      %ne3A_336 = arith.constant 0 : i32
      %ne3A_337 = arith.cmpi ne, %rem3A_335, %ne3A_336 : i32
      %and3A_338 = arith.andi %ne3A_334, %ne3A_337 : i1
      %sub3A_339 = arith.constant 1 : i32
      %sub3A_340 = arith.subi %div3A_319, %sub3A_339 : i32
      %select_n3A_341 = arith.select %and3A_338, %sub3A_340, %div3A_319 : i32
      %jit3A_342 = arith.constant 8 : i32
      %eq3A_343 = arith.constant 0 : i32
      %eq3A_344 = arith.cmpi eq, %jit3A_342, %eq3A_343 : i32
      %jit3A_345 = arith.constant 1 : i32
      %select_n3A_346 = arith.select %eq3A_344, %jit3A_345, %jit3A_342 : i32
      %rem3A_347 = arith.remsi %mul3A_283, %select_n3A_346 : i32
      %ne3A_348 = arith.constant 0 : i32
      %ne3A_349 = arith.cmpi ne, %rem3A_347, %ne3A_348 : i32
      %lt3A_350 = arith.constant 0 : i32
      %lt3A_351 = arith.cmpi slt, %rem3A_347, %lt3A_350 : i32
      %lt3A_352 = arith.constant 0 : i32
      %lt3A_353 = arith.cmpi slt, %select_n3A_346, %lt3A_352 : i32
      %ne3A_354 = arith.xori %lt3A_351, %lt3A_353 : i1
      %and3A_355 = arith.andi %ne3A_354, %ne3A_349 : i1
      %add3A_356 = arith.addi %rem3A_347, %select_n3A_346 : i32
      %select_n3A_357 = arith.select %and3A_355, %add3A_356, %rem3A_347 : i32
      %jit3A_358 = arith.constant 4 : i32
      %eq3A_359 = arith.constant 0 : i32
      %eq3A_360 = arith.cmpi eq, %jit3A_358, %eq3A_359 : i32
      %jit3A_361 = arith.constant 1 : i32
      %select_n3A_362 = arith.select %eq3A_360, %jit3A_361, %jit3A_358 : i32
      %rem3A_363 = arith.remsi %select_n3A_341, %select_n3A_362 : i32
      %ne3A_364 = arith.constant 0 : i32
      %ne3A_365 = arith.cmpi ne, %rem3A_363, %ne3A_364 : i32
      %lt3A_366 = arith.constant 0 : i32
      %lt3A_367 = arith.cmpi slt, %rem3A_363, %lt3A_366 : i32
      %lt3A_368 = arith.constant 0 : i32
      %lt3A_369 = arith.cmpi slt, %select_n3A_362, %lt3A_368 : i32
      %ne3A_370 = arith.xori %lt3A_367, %lt3A_369 : i1
      %and3A_371 = arith.andi %ne3A_370, %ne3A_365 : i1
      %add3A_372 = arith.addi %rem3A_363, %select_n3A_362 : i32
      %select_n3A_373 = arith.select %and3A_371, %add3A_372, %rem3A_363 : i32
      %mul3A_374 = arith.constant 32 : i32
      %mul3A_375 = arith.muli %select_n3A_373, %mul3A_374 : i32
      %mul3A_376 = arith.constant 128 : i32
      %mul3A_377 = arith.muli %select_n3A_357, %mul3A_376 : i32
      %add3A_378 = arith.constant 0 : i32
      %add3A_379 = arith.addi %mul3A_377, %add3A_378 : i32
      %get3A = arith.index_cast %add3A_379 : i32 to index
      %get3A_380 = tpu.vector_load %arg7[%get3A] {strides = array<i32>} : memref<1024xi32, #tpu.memory_space<vmem>>, vector<16xi32>,
      %add3A_381 = arith.constant 16 : i32
      %add3A_382 = arith.addi %mul3A_377, %add3A_381 : i32
      %get3A_383 = arith.index_cast %add3A_382 : i32 to index
      %get3A_384 = tpu.vector_load %arg7[%get3A_383] {strides = array<i32>} : memref<1024xi32, #tpu.memory_space<vmem>>, vector<16xi32>,
      %add3A_385 = arith.constant 32 : i32
      %add3A_386 = arith.addi %mul3A_377, %add3A_385 : i32
      %get3A_387 = arith.index_cast %add3A_386 : i32 to index
      %get3A_388 = tpu.vector_load %arg7[%get3A_387] {strides = array<i32>} : memref<1024xi32, #tpu.memory_space<vmem>>, vector<16xi32>,
      %add3A_389 = arith.constant 48 : i32
      %add3A_390 = arith.addi %mul3A_377, %add3A_389 : i32
      %get3A_391 = arith.index_cast %add3A_390 : i32 to index
      %get3A_392 = tpu.vector_load %arg7[%get3A_391] {strides = array<i32>} : memref<1024xi32, #tpu.memory_space<vmem>>, vector<16xi32>,
      %add3A_393 = arith.constant 64 : i32
      %add3A_394 = arith.addi %mul3A_377, %add3A_393 : i32
      %get3A_395 = arith.index_cast %add3A_394 : i32 to index
      %get3A_396 = tpu.vector_load %arg7[%get3A_395] {strides = array<i32>} : memref<1024xi32, #tpu.memory_space<vmem>>, vector<16xi32>,
      %add3A_397 = arith.constant 80 : i32
      %add3A_398 = arith.addi %mul3A_377, %add3A_397 : i32
      %get3A_399 = arith.index_cast %add3A_398 : i32 to index
      %get3A_400 = tpu.vector_load %arg7[%get3A_399] {strides = array<i32>} : memref<1024xi32, #tpu.memory_space<vmem>>, vector<16xi32>,
      %add3A_401 = arith.constant 96 : i32
      %add3A_402 = arith.addi %mul3A_377, %add3A_401 : i32
      %get3A_403 = arith.index_cast %add3A_402 : i32 to index
      %get3A_404 = tpu.vector_load %arg7[%get3A_403] {strides = array<i32>} : memref<1024xi32, #tpu.memory_space<vmem>>, vector<16xi32>,
      %add3A_405 = arith.constant 112 : i32
      %add3A_406 = arith.addi %mul3A_377, %add3A_405 : i32
      %get3A_407 = arith.index_cast %add3A_406 : i32 to index
      %get3A_408 = tpu.vector_load %arg7[%get3A_407] {strides = array<i32>} : memref<1024xi32, #tpu.memory_space<vmem>>, vector<16xi32>,
      %add3A_409 = arith.constant 0 : i32
      %add3A_410 = arith.addi %mul3A_377, %add3A_409 : i32
      %get3A_411 = arith.index_cast %add3A_410 : i32 to index
      %get3A_412 = tpu.vector_load %arg8[%get3A_411] {strides = array<i32>} : memref<1024xi32, #tpu.memory_space<vmem>>, vector<16xi32>,
      %add3A_413 = arith.constant 16 : i32
      %add3A_414 = arith.addi %mul3A_377, %add3A_413 : i32
      %get3A_415 = arith.index_cast %add3A_414 : i32 to index
      %get3A_416 = tpu.vector_load %arg8[%get3A_415] {strides = array<i32>} : memref<1024xi32, #tpu.memory_space<vmem>>, vector<16xi32>,
      %add3A_417 = arith.constant 32 : i32
      %add3A_418 = arith.addi %mul3A_377, %add3A_417 : i32
      %get3A_419 = arith.index_cast %add3A_418 : i32 to index
      %get3A_420 = tpu.vector_load %arg8[%get3A_419] {strides = array<i32>} : memref<1024xi32, #tpu.memory_space<vmem>>, vector<16xi32>,
      %add3A_421 = arith.constant 48 : i32
      %add3A_422 = arith.addi %mul3A_377, %add3A_421 : i32
      %get3A_423 = arith.index_cast %add3A_422 : i32 to index
      %get3A_424 = tpu.vector_load %arg8[%get3A_423] {strides = array<i32>} : memref<1024xi32, #tpu.memory_space<vmem>>, vector<16xi32>,
      %add3A_425 = arith.constant 64 : i32
      %add3A_426 = arith.addi %mul3A_377, %add3A_425 : i32
      %get3A_427 = arith.index_cast %add3A_426 : i32 to index
      %get3A_428 = tpu.vector_load %arg8[%get3A_427] {strides = array<i32>} : memref<1024xi32, #tpu.memory_space<vmem>>, vector<16xi32>,
      %add3A_429 = arith.constant 80 : i32
      %add3A_430 = arith.addi %mul3A_377, %add3A_429 : i32
      %get3A_431 = arith.index_cast %add3A_430 : i32 to index
      %get3A_432 = tpu.vector_load %arg8[%get3A_431] {strides = array<i32>} : memref<1024xi32, #tpu.memory_space<vmem>>, vector<16xi32>,
      %add3A_433 = arith.constant 96 : i32
      %add3A_434 = arith.addi %mul3A_377, %add3A_433 : i32
      %get3A_435 = arith.index_cast %add3A_434 : i32 to index
      %get3A_436 = tpu.vector_load %arg8[%get3A_435] {strides = array<i32>} : memref<1024xi32, #tpu.memory_space<vmem>>, vector<16xi32>,
      %add3A_437 = arith.constant 112 : i32
      %add3A_438 = arith.addi %mul3A_377, %add3A_437 : i32
      %get3A_439 = arith.index_cast %add3A_438 : i32 to index
      %get3A_440 = tpu.vector_load %arg8[%get3A_439] {strides = array<i32>} : memref<1024xi32, #tpu.memory_space<vmem>>, vector<16xi32>,
      %shift_left3A = arith.constant 7 : i32
      %shift_left3A_441 = vector.broadcast %shift_left3A : i32 to vector<16xi32>
      %shift_left3A_442 = arith.shli %iota3A, %shift_left3A_441 : vector<16xi32>
      %broadcast_in_dim3A = arith.constant 0 : i32
      %broadcast_in_dim3A_443 = vector.broadcast %broadcast_in_dim3A : i32 to vector<16xi32>
      %parallel_loop3A = arith.constant 0 : i32
      %parallel_loop3A_444 = arith.constant 32 : i32
      %parallel_loop3A_445 = arith.constant 1 : i32
      scf.for %parallel_loop3A_1095 = %parallel_loop3A to %parallel_loop3A_444 step %parallel_loop3A_445  : i32 {
        %parallel_loop3A_1096 = vector.broadcast %parallel_loop3A_1095 : i32 to vector<16xi32>
        %parallel_loop3A_1097 = arith.addi %parallel_loop3A_1096, %iota3A : vector<16xi32>
        %parallel_loop3A_1098 = arith.constant 31 : i32
        %parallel_loop3A_1099 = vector.broadcast %parallel_loop3A_1098 : i32 to vector<16xi32>
        %parallel_loop3A_1100 = arith.andi %parallel_loop3A_1097, %parallel_loop3A_1099 : vector<16xi32>
        %parallel_loop3A_1101 = vector.broadcast %mul3A_375 : i32 to vector<16xi32>
        %parallel_loop3A_1102 = arith.addi %parallel_loop3A_1100, %parallel_loop3A_1101 : vector<16xi32>
        %parallel_loop3A_1103 = arith.addi %parallel_loop3A_1102, %shift_left3A_442 : vector<16xi32>
        %parallel_loop3A_1104 = arith.constant 0 : i32
        %parallel_loop3A_1105 = vector.broadcast %parallel_loop3A_1104 : i32 to vector<16xi32>
        %parallel_loop3A_1106 = arith.addi %parallel_loop3A_1103, %parallel_loop3A_1105 : vector<16xi32>
        %parallel_loop3A_1107 = tpu.vector_load_idx %arg9[%broadcast_in_dim3A_443, %broadcast_in_dim3A_443, %broadcast_in_dim3A_443, %parallel_loop3A_1106] : memref<4x4x8x128xf32, #tpu.memory_space<vmem>>[vector<16xi32>, vector<16xi32>, vector<16xi32>, vector<16xi32>], vector<16xf32>,
        tpu.vector_store_idx %arg12[%parallel_loop3A_1100, %get3A_380], %parallel_loop3A_1107 : memref<32x1024xf32, #tpu.memory_space<vmem>>[vector<16xi32>, vector<16xi32>], vector<16xf32>,
        tpu.vector_store_idx %arg13[%parallel_loop3A_1100, %get3A_412], %parallel_loop3A_1107 : memref<32x1024xf32, #tpu.memory_space<vmem>>[vector<16xi32>, vector<16xi32>], vector<16xf32>,
        %parallel_loop3A_1108 = arith.constant 2048 : i32
        %parallel_loop3A_1109 = vector.broadcast %parallel_loop3A_1108 : i32 to vector<16xi32>
        %parallel_loop3A_1110 = arith.addi %parallel_loop3A_1103, %parallel_loop3A_1109 : vector<16xi32>
        %parallel_loop3A_1111 = tpu.vector_load_idx %arg9[%broadcast_in_dim3A_443, %broadcast_in_dim3A_443, %broadcast_in_dim3A_443, %parallel_loop3A_1110] : memref<4x4x8x128xf32, #tpu.memory_space<vmem>>[vector<16xi32>, vector<16xi32>, vector<16xi32>, vector<16xi32>], vector<16xf32>,
        tpu.vector_store_idx %arg12[%parallel_loop3A_1100, %get3A_384], %parallel_loop3A_1111 : memref<32x1024xf32, #tpu.memory_space<vmem>>[vector<16xi32>, vector<16xi32>], vector<16xf32>,
        tpu.vector_store_idx %arg13[%parallel_loop3A_1100, %get3A_416], %parallel_loop3A_1111 : memref<32x1024xf32, #tpu.memory_space<vmem>>[vector<16xi32>, vector<16xi32>], vector<16xf32>,
        %parallel_loop3A_1112 = arith.constant 4096 : i32
        %parallel_loop3A_1113 = vector.broadcast %parallel_loop3A_1112 : i32 to vector<16xi32>
        %parallel_loop3A_1114 = arith.addi %parallel_loop3A_1103, %parallel_loop3A_1113 : vector<16xi32>
        %parallel_loop3A_1115 = tpu.vector_load_idx %arg9[%broadcast_in_dim3A_443, %broadcast_in_dim3A_443, %broadcast_in_dim3A_443, %parallel_loop3A_1114] : memref<4x4x8x128xf32, #tpu.memory_space<vmem>>[vector<16xi32>, vector<16xi32>, vector<16xi32>, vector<16xi32>], vector<16xf32>,
        tpu.vector_store_idx %arg12[%parallel_loop3A_1100, %get3A_388], %parallel_loop3A_1115 : memref<32x1024xf32, #tpu.memory_space<vmem>>[vector<16xi32>, vector<16xi32>], vector<16xf32>,
        tpu.vector_store_idx %arg13[%parallel_loop3A_1100, %get3A_420], %parallel_loop3A_1115 : memref<32x1024xf32, #tpu.memory_space<vmem>>[vector<16xi32>, vector<16xi32>], vector<16xf32>,
        %parallel_loop3A_1116 = arith.constant 6144 : i32
        %parallel_loop3A_1117 = vector.broadcast %parallel_loop3A_1116 : i32 to vector<16xi32>
        %parallel_loop3A_1118 = arith.addi %parallel_loop3A_1103, %parallel_loop3A_1117 : vector<16xi32>
        %parallel_loop3A_1119 = tpu.vector_load_idx %arg9[%broadcast_in_dim3A_443, %broadcast_in_dim3A_443, %broadcast_in_dim3A_443, %parallel_loop3A_1118] : memref<4x4x8x128xf32, #tpu.memory_space<vmem>>[vector<16xi32>, vector<16xi32>, vector<16xi32>, vector<16xi32>], vector<16xf32>,
        tpu.vector_store_idx %arg12[%parallel_loop3A_1100, %get3A_392], %parallel_loop3A_1119 : memref<32x1024xf32, #tpu.memory_space<vmem>>[vector<16xi32>, vector<16xi32>], vector<16xf32>,
        tpu.vector_store_idx %arg13[%parallel_loop3A_1100, %get3A_424], %parallel_loop3A_1119 : memref<32x1024xf32, #tpu.memory_space<vmem>>[vector<16xi32>, vector<16xi32>], vector<16xf32>,
        %parallel_loop3A_1120 = arith.constant 8192 : i32
        %parallel_loop3A_1121 = vector.broadcast %parallel_loop3A_1120 : i32 to vector<16xi32>
        %parallel_loop3A_1122 = arith.addi %parallel_loop3A_1103, %parallel_loop3A_1121 : vector<16xi32>
        %parallel_loop3A_1123 = tpu.vector_load_idx %arg9[%broadcast_in_dim3A_443, %broadcast_in_dim3A_443, %broadcast_in_dim3A_443, %parallel_loop3A_1122] : memref<4x4x8x128xf32, #tpu.memory_space<vmem>>[vector<16xi32>, vector<16xi32>, vector<16xi32>, vector<16xi32>], vector<16xf32>,
        tpu.vector_store_idx %arg12[%parallel_loop3A_1100, %get3A_396], %parallel_loop3A_1123 : memref<32x1024xf32, #tpu.memory_space<vmem>>[vector<16xi32>, vector<16xi32>], vector<16xf32>,
        tpu.vector_store_idx %arg13[%parallel_loop3A_1100, %get3A_428], %parallel_loop3A_1123 : memref<32x1024xf32, #tpu.memory_space<vmem>>[vector<16xi32>, vector<16xi32>], vector<16xf32>,
        %parallel_loop3A_1124 = arith.constant 10240 : i32
        %parallel_loop3A_1125 = vector.broadcast %parallel_loop3A_1124 : i32 to vector<16xi32>
        %parallel_loop3A_1126 = arith.addi %parallel_loop3A_1103, %parallel_loop3A_1125 : vector<16xi32>
        %parallel_loop3A_1127 = tpu.vector_load_idx %arg9[%broadcast_in_dim3A_443, %broadcast_in_dim3A_443, %broadcast_in_dim3A_443, %parallel_loop3A_1126] : memref<4x4x8x128xf32, #tpu.memory_space<vmem>>[vector<16xi32>, vector<16xi32>, vector<16xi32>, vector<16xi32>], vector<16xf32>,
        tpu.vector_store_idx %arg12[%parallel_loop3A_1100, %get3A_400], %parallel_loop3A_1127 : memref<32x1024xf32, #tpu.memory_space<vmem>>[vector<16xi32>, vector<16xi32>], vector<16xf32>,
        tpu.vector_store_idx %arg13[%parallel_loop3A_1100, %get3A_432], %parallel_loop3A_1127 : memref<32x1024xf32, #tpu.memory_space<vmem>>[vector<16xi32>, vector<16xi32>], vector<16xf32>,
        %parallel_loop3A_1128 = arith.constant 12288 : i32
        %parallel_loop3A_1129 = vector.broadcast %parallel_loop3A_1128 : i32 to vector<16xi32>
        %parallel_loop3A_1130 = arith.addi %parallel_loop3A_1103, %parallel_loop3A_1129 : vector<16xi32>
        %parallel_loop3A_1131 = tpu.vector_load_idx %arg9[%broadcast_in_dim3A_443, %broadcast_in_dim3A_443, %broadcast_in_dim3A_443, %parallel_loop3A_1130] : memref<4x4x8x128xf32, #tpu.memory_space<vmem>>[vector<16xi32>, vector<16xi32>, vector<16xi32>, vector<16xi32>], vector<16xf32>,
        tpu.vector_store_idx %arg12[%parallel_loop3A_1100, %get3A_404], %parallel_loop3A_1131 : memref<32x1024xf32, #tpu.memory_space<vmem>>[vector<16xi32>, vector<16xi32>], vector<16xf32>,
        tpu.vector_store_idx %arg13[%parallel_loop3A_1100, %get3A_436], %parallel_loop3A_1131 : memref<32x1024xf32, #tpu.memory_space<vmem>>[vector<16xi32>, vector<16xi32>], vector<16xf32>,
        %parallel_loop3A_1132 = arith.constant 14336 : i32
        %parallel_loop3A_1133 = vector.broadcast %parallel_loop3A_1132 : i32 to vector<16xi32>
        %parallel_loop3A_1134 = arith.addi %parallel_loop3A_1103, %parallel_loop3A_1133 : vector<16xi32>
        %parallel_loop3A_1135 = tpu.vector_load_idx %arg9[%broadcast_in_dim3A_443, %broadcast_in_dim3A_443, %broadcast_in_dim3A_443, %parallel_loop3A_1134] : memref<4x4x8x128xf32, #tpu.memory_space<vmem>>[vector<16xi32>, vector<16xi32>, vector<16xi32>, vector<16xi32>], vector<16xf32>,
        tpu.vector_store_idx %arg12[%parallel_loop3A_1100, %get3A_408], %parallel_loop3A_1135 : memref<32x1024xf32, #tpu.memory_space<vmem>>[vector<16xi32>, vector<16xi32>], vector<16xf32>,
        tpu.vector_store_idx %arg13[%parallel_loop3A_1100, %get3A_440], %parallel_loop3A_1135 : memref<32x1024xf32, #tpu.memory_space<vmem>>[vector<16xi32>, vector<16xi32>], vector<16xf32>,
      } {sc.loop_unroll_factor = 1 : i64, sc.parallel_access}
      %add3A_446 = arith.constant 3 : i32
      %add3A_447 = arith.addi %mul3A_283, %add3A_446 : i32
      %min3A_448 = arith.constant 191 : i32
      %min3A_449 = arith.minsi %add3A_447, %min3A_448 : i32
      %jit3A_450 = arith.constant 8 : i32
      %div3A_451 = arith.divsi %min3A_449, %jit3A_450 : i32
      %sign3A_452 = arith.constant 0 : i32
      %sign3A_453 = arith.cmpi sgt, %min3A_449, %sign3A_452 : i32
      %sign3A_454 = arith.extui %sign3A_453 : i1 to i32
      %sign3A_455 = arith.constant 0 : i32
      %sign3A_456 = arith.cmpi slt, %min3A_449, %sign3A_455 : i32
      %sign3A_457 = arith.extui %sign3A_456 : i1 to i32
      %sign3A_458 = arith.subi %sign3A_454, %sign3A_457 : i32
      %sign3A_459 = arith.constant 0 : i32
      %sign3A_460 = arith.cmpi sgt, %jit3A_450, %sign3A_459 : i32
      %sign3A_461 = arith.extui %sign3A_460 : i1 to i32
      %sign3A_462 = arith.constant 0 : i32
      %sign3A_463 = arith.cmpi slt, %jit3A_450, %sign3A_462 : i32
      %sign3A_464 = arith.extui %sign3A_463 : i1 to i32
      %sign3A_465 = arith.subi %sign3A_461, %sign3A_464 : i32
      %ne3A_466 = arith.cmpi ne, %sign3A_458, %sign3A_465 : i32
      %rem3A_467 = arith.remsi %min3A_449, %jit3A_450 : i32
      %ne3A_468 = arith.constant 0 : i32
      %ne3A_469 = arith.cmpi ne, %rem3A_467, %ne3A_468 : i32
      %and3A_470 = arith.andi %ne3A_466, %ne3A_469 : i1
      %sub3A_471 = arith.constant 1 : i32
      %sub3A_472 = arith.subi %div3A_451, %sub3A_471 : i32
      %select_n3A_473 = arith.select %and3A_470, %sub3A_472, %div3A_451 : i32
      %jit3A_474 = arith.constant 8 : i32
      %eq3A_475 = arith.constant 0 : i32
      %eq3A_476 = arith.cmpi eq, %jit3A_474, %eq3A_475 : i32
      %jit3A_477 = arith.constant 1 : i32
      %select_n3A_478 = arith.select %eq3A_476, %jit3A_477, %jit3A_474 : i32
      %rem3A_479 = arith.remsi %min3A_449, %select_n3A_478 : i32
      %ne3A_480 = arith.constant 0 : i32
      %ne3A_481 = arith.cmpi ne, %rem3A_479, %ne3A_480 : i32
      %lt3A_482 = arith.constant 0 : i32
      %lt3A_483 = arith.cmpi slt, %rem3A_479, %lt3A_482 : i32
      %lt3A_484 = arith.constant 0 : i32
      %lt3A_485 = arith.cmpi slt, %select_n3A_478, %lt3A_484 : i32
      %ne3A_486 = arith.xori %lt3A_483, %lt3A_485 : i1
      %and3A_487 = arith.andi %ne3A_486, %ne3A_481 : i1
      %add3A_488 = arith.addi %rem3A_479, %select_n3A_478 : i32
      %select_n3A_489 = arith.select %and3A_487, %add3A_488, %rem3A_479 : i32
      %mul3A_490 = arith.constant 4 : i32
      %mul3A_491 = arith.muli %select_n3A_489, %mul3A_490 : i32
      %jit3A_492 = arith.constant 4 : i32
      %div3A_493 = arith.divsi %select_n3A_473, %jit3A_492 : i32
      %sign3A_494 = arith.constant 0 : i32
      %sign3A_495 = arith.cmpi sgt, %select_n3A_473, %sign3A_494 : i32
      %sign3A_496 = arith.extui %sign3A_495 : i1 to i32
      %sign3A_497 = arith.constant 0 : i32
      %sign3A_498 = arith.cmpi slt, %select_n3A_473, %sign3A_497 : i32
      %sign3A_499 = arith.extui %sign3A_498 : i1 to i32
      %sign3A_500 = arith.subi %sign3A_496, %sign3A_499 : i32
      %sign3A_501 = arith.constant 0 : i32
      %sign3A_502 = arith.cmpi sgt, %jit3A_492, %sign3A_501 : i32
      %sign3A_503 = arith.extui %sign3A_502 : i1 to i32
      %sign3A_504 = arith.constant 0 : i32
      %sign3A_505 = arith.cmpi slt, %jit3A_492, %sign3A_504 : i32
      %sign3A_506 = arith.extui %sign3A_505 : i1 to i32
      %sign3A_507 = arith.subi %sign3A_503, %sign3A_506 : i32
      %ne3A_508 = arith.cmpi ne, %sign3A_500, %sign3A_507 : i32
      %rem3A_509 = arith.remsi %select_n3A_473, %jit3A_492 : i32
      %ne3A_510 = arith.constant 0 : i32
      %ne3A_511 = arith.cmpi ne, %rem3A_509, %ne3A_510 : i32
      %and3A_512 = arith.andi %ne3A_508, %ne3A_511 : i1
      %sub3A_513 = arith.constant 1 : i32
      %sub3A_514 = arith.subi %div3A_493, %sub3A_513 : i32
      %select_n3A_515 = arith.select %and3A_512, %sub3A_514, %div3A_493 : i32
      %dma_start3A_516 = arith.constant 0 : i32
      %dma_start3A_517 = arith.constant 0 : i32
      %dma_start3A_518 = arith.constant 0 : i32
      %dma_start3A_519 = tpu.memref_slice %arg2[%add3A, %mul3A_491, %dma_start3A_516, %select_n3A_515, %dma_start3A_517, %dma_start3A_518] : memref<32x32x4x6x8x128xf32, #tpu.memory_space<hbm>> -> memref<1x4x4x1x8x128xf32, #tpu.memory_space<hbm>>
      %dma_start3A_520 = tpu.memref_squeeze %dma_start3A_519 : memref<1x4x4x1x8x128xf32, #tpu.memory_space<hbm>> -> memref<4x4x8x128xf32, #tpu.memory_space<hbm>>
      %dma_start3A_521 = arith.constant 0 : i32
      %dma_start3A_522 = arith.constant 0 : i32
      %dma_start3A_523 = arith.constant 0 : i32
      %dma_start3A_524 = tpu.memref_slice %arg2[%add3A, %mul3A_491, %dma_start3A_521, %select_n3A_515, %dma_start3A_522, %dma_start3A_523] : memref<32x32x4x6x8x128xf32, #tpu.memory_space<hbm>> -> memref<1x4x4x1x8x128xf32, #tpu.memory_space<hbm>>
      %dma_start3A_525 = tpu.memref_squeeze %dma_start3A_524 : memref<1x4x4x1x8x128xf32, #tpu.memory_space<hbm>> -> memref<4x4x8x128xf32, #tpu.memory_space<hbm>>
      tpu.enqueue_dma source(%dma_start3A_525 : memref<4x4x8x128xf32, #tpu.memory_space<hbm>>) target(%arg9 : memref<4x4x8x128xf32, #tpu.memory_space<vmem>>) target_semaphore(%arg14 : memref<!tpu.dma_semaphore, #tpu.memory_space<semaphore_mem>>)
      %jit3A_526 = arith.constant 8 : i32
      %eq3A_527 = arith.constant 0 : i32
      %eq3A_528 = arith.cmpi eq, %jit3A_526, %eq3A_527 : i32
      %jit3A_529 = arith.constant 1 : i32
      %select_n3A_530 = arith.select %eq3A_528, %jit3A_529, %jit3A_526 : i32
      %rem3A_531 = arith.remsi %mul3A_283, %select_n3A_530 : i32
      %ne3A_532 = arith.constant 0 : i32
      %ne3A_533 = arith.cmpi ne, %rem3A_531, %ne3A_532 : i32
      %lt3A_534 = arith.constant 0 : i32
      %lt3A_535 = arith.cmpi slt, %rem3A_531, %lt3A_534 : i32
      %lt3A_536 = arith.constant 0 : i32
      %lt3A_537 = arith.cmpi slt, %select_n3A_530, %lt3A_536 : i32
      %ne3A_538 = arith.xori %lt3A_535, %lt3A_537 : i1
      %and3A_539 = arith.andi %ne3A_538, %ne3A_533 : i1
      %add3A_540 = arith.addi %rem3A_531, %select_n3A_530 : i32
      %select_n3A_541 = arith.select %and3A_539, %add3A_540, %rem3A_531 : i32
      %eq3A_542 = arith.constant 7 : i32
      %eq3A_543 = arith.cmpi eq, %select_n3A_541, %eq3A_542 : i32
      %convert_element_type3A_544 = arith.extui %eq3A_543 : i1 to i32
      %cond3A_545 = arith.constant 0 : i32
      %cond3A_546 = arith.cmpi ne, %convert_element_type3A_544, %cond3A_545 : i32
      scf.if %cond3A_546 {
        %jit3A_1095 = arith.constant 8 : i32
        %div3A_1096 = arith.divsi %mul3A_283, %jit3A_1095 : i32
        %sign3A_1097 = arith.constant 0 : i32
        %sign3A_1098 = arith.cmpi sgt, %mul3A_283, %sign3A_1097 : i32
        %sign3A_1099 = arith.extui %sign3A_1098 : i1 to i32
        %sign3A_1100 = arith.constant 0 : i32
        %sign3A_1101 = arith.cmpi slt, %mul3A_283, %sign3A_1100 : i32
        %sign3A_1102 = arith.extui %sign3A_1101 : i1 to i32
        %sign3A_1103 = arith.subi %sign3A_1099, %sign3A_1102 : i32
        %sign3A_1104 = arith.constant 0 : i32
        %sign3A_1105 = arith.cmpi sgt, %jit3A_1095, %sign3A_1104 : i32
        %sign3A_1106 = arith.extui %sign3A_1105 : i1 to i32
        %sign3A_1107 = arith.constant 0 : i32
        %sign3A_1108 = arith.cmpi slt, %jit3A_1095, %sign3A_1107 : i32
        %sign3A_1109 = arith.extui %sign3A_1108 : i1 to i32
        %sign3A_1110 = arith.subi %sign3A_1106, %sign3A_1109 : i32
        %ne3A_1111 = arith.cmpi ne, %sign3A_1103, %sign3A_1110 : i32
        %rem3A_1112 = arith.remsi %mul3A_283, %jit3A_1095 : i32
        %ne3A_1113 = arith.constant 0 : i32
        %ne3A_1114 = arith.cmpi ne, %rem3A_1112, %ne3A_1113 : i32
        %and3A_1115 = arith.andi %ne3A_1111, %ne3A_1114 : i1
        %sub3A_1116 = arith.constant 1 : i32
        %sub3A_1117 = arith.subi %div3A_1096, %sub3A_1116 : i32
        %select_n3A_1118 = arith.select %and3A_1115, %sub3A_1117, %div3A_1096 : i32
        %mul3A_1119 = arith.constant 768 : i32
        %mul3A_1120 = arith.muli %add3A, %mul3A_1119 : i32
        %mul3A_1121 = arith.constant 32 : i32
        %mul3A_1122 = arith.muli %select_n3A_1118, %mul3A_1121 : i32
        %add3A_1123 = arith.addi %mul3A_1120, %mul3A_1122 : i32
        %dma_start3A_1124 = arith.constant 0 : i32
        %dma_start3A_1125 = tpu.memref_slice %arg5[%add3A_1123, %dma_start3A_1124] : memref<24576x1024xf32, #tpu.memory_space<hbm>> -> memref<32x1024xf32, #tpu.memory_space<hbm>>
        %dma_start3A_1126 = arith.constant 0 : i32
        %dma_start3A_1127 = tpu.memref_slice %arg5[%add3A_1123, %dma_start3A_1126] : memref<24576x1024xf32, #tpu.memory_space<hbm>> -> memref<32x1024xf32, #tpu.memory_space<hbm>>
        tpu.enqueue_dma source(%arg12 : memref<32x1024xf32, #tpu.memory_space<vmem>>) target(%dma_start3A_1127 : memref<32x1024xf32, #tpu.memory_space<hbm>>) target_semaphore(%arg17 : memref<!tpu.dma_semaphore, #tpu.memory_space<semaphore_mem>>)
        %dma_start3A_1128 = arith.constant 0 : i32
        %dma_start3A_1129 = tpu.memref_slice %arg6[%add3A_1123, %dma_start3A_1128] : memref<24576x1024xf32, #tpu.memory_space<hbm>> -> memref<32x1024xf32, #tpu.memory_space<hbm>>
        %dma_start3A_1130 = arith.constant 0 : i32
        %dma_start3A_1131 = tpu.memref_slice %arg6[%add3A_1123, %dma_start3A_1130] : memref<24576x1024xf32, #tpu.memory_space<hbm>> -> memref<32x1024xf32, #tpu.memory_space<hbm>>
        tpu.enqueue_dma source(%arg13 : memref<32x1024xf32, #tpu.memory_space<vmem>>) target(%dma_start3A_1131 : memref<32x1024xf32, #tpu.memory_space<hbm>>) target_semaphore(%arg18 : memref<!tpu.dma_semaphore, #tpu.memory_space<semaphore_mem>>)
      } else {
      }
      %mul3A_547 = arith.constant 3 : i32
      %mul3A_548 = arith.muli %mul3A_547, %scan3A_281 : i32
      %add3A_549 = arith.constant 1 : i32
      %add3A_550 = arith.addi %mul3A_548, %add3A_549 : i32
      %dma_wait3A_551 = arith.constant 0 : i32
      %dma_wait3A_552 = arith.constant 0 : i32
      %dma_wait3A_553 = arith.constant 0 : i32
      %dma_wait3A_554 = arith.constant 0 : i32
      %dma_wait3A_555 = arith.constant 0 : i32
      %dma_wait3A_556 = tpu.memref_slice %arg2[%add3A, %dma_wait3A_552, %dma_wait3A_553, %dma_wait3A_551, %dma_wait3A_554, %dma_wait3A_555] : memref<32x32x4x6x8x128xf32, #tpu.memory_space<hbm>> -> memref<1x4x4x1x8x128xf32, #tpu.memory_space<hbm>>
      %dma_wait3A_557 = tpu.memref_squeeze %dma_wait3A_556 : memref<1x4x4x1x8x128xf32, #tpu.memory_space<hbm>> -> memref<4x4x8x128xf32, #tpu.memory_space<hbm>>
      %dma_wait3A_558 = arith.constant 0 : i32
      %dma_wait3A_559 = arith.constant 0 : i32
      %dma_wait3A_560 = arith.constant 0 : i32
      %dma_wait3A_561 = arith.constant 0 : i32
      %dma_wait3A_562 = tpu.memref_slice %arg2[%add3A, %dma_wait3A_558, %dma_wait3A_559, %dma_wait3A_551, %dma_wait3A_560, %dma_wait3A_561] : memref<32x32x4x6x8x128xf32, #tpu.memory_space<hbm>> -> memref<1x4x4x1x8x128xf32, #tpu.memory_space<hbm>>
      %dma_wait3A_563 = tpu.memref_squeeze %dma_wait3A_562 : memref<1x4x4x1x8x128xf32, #tpu.memory_space<hbm>> -> memref<4x4x8x128xf32, #tpu.memory_space<hbm>>
      tpu.wait_dma2 semaphore(%arg15 : memref<!tpu.dma_semaphore, #tpu.memory_space<semaphore_mem>>) src(%dma_wait3A_563 : memref<4x4x8x128xf32, #tpu.memory_space<hbm>>) dst(%arg10 : memref<4x4x8x128xf32, #tpu.memory_space<vmem>>)
      %jit3A_564 = arith.constant 8 : i32
      %eq3A_565 = arith.constant 0 : i32
      %eq3A_566 = arith.cmpi eq, %jit3A_564, %eq3A_565 : i32
      %jit3A_567 = arith.constant 1 : i32
      %select_n3A_568 = arith.select %eq3A_566, %jit3A_567, %jit3A_564 : i32
      %rem3A_569 = arith.remsi %add3A_550, %select_n3A_568 : i32
      %ne3A_570 = arith.constant 0 : i32
      %ne3A_571 = arith.cmpi ne, %rem3A_569, %ne3A_570 : i32
      %lt3A_572 = arith.constant 0 : i32
      %lt3A_573 = arith.cmpi slt, %rem3A_569, %lt3A_572 : i32
      %lt3A_574 = arith.constant 0 : i32
      %lt3A_575 = arith.cmpi slt, %select_n3A_568, %lt3A_574 : i32
      %ne3A_576 = arith.xori %lt3A_573, %lt3A_575 : i1
      %and3A_577 = arith.andi %ne3A_576, %ne3A_571 : i1
      %add3A_578 = arith.addi %rem3A_569, %select_n3A_568 : i32
      %select_n3A_579 = arith.select %and3A_577, %add3A_578, %rem3A_569 : i32
      %eq3A_580 = arith.constant 0 : i32
      %eq3A_581 = arith.cmpi eq, %select_n3A_579, %eq3A_580 : i32
      %gt3A_582 = arith.constant 0 : i32
      %gt3A_583 = arith.cmpi sgt, %add3A_550, %gt3A_582 : i32
      %and3A_584 = arith.andi %eq3A_581, %gt3A_583 : i1
      %convert_element_type3A_585 = arith.extui %and3A_584 : i1 to i32
      %cond3A_586 = arith.constant 0 : i32
      %cond3A_587 = arith.cmpi ne, %convert_element_type3A_585, %cond3A_586 : i32
      scf.if %cond3A_587 {
        %dma_wait3A_1095 = arith.constant 0 : i32
        %dma_wait3A_1096 = arith.constant 0 : i32
        %dma_wait3A_1097 = tpu.memref_slice %arg5[%dma_wait3A_1095, %dma_wait3A_1096] : memref<24576x1024xf32, #tpu.memory_space<hbm>> -> memref<32x1024xf32, #tpu.memory_space<hbm>>
        %dma_wait3A_1098 = arith.constant 0 : i32
        %dma_wait3A_1099 = arith.constant 0 : i32
        %dma_wait3A_1100 = tpu.memref_slice %arg5[%dma_wait3A_1098, %dma_wait3A_1099] : memref<24576x1024xf32, #tpu.memory_space<hbm>> -> memref<32x1024xf32, #tpu.memory_space<hbm>>
        tpu.wait_dma2 semaphore(%arg17 : memref<!tpu.dma_semaphore, #tpu.memory_space<semaphore_mem>>) src(%arg12 : memref<32x1024xf32, #tpu.memory_space<vmem>>) dst(%dma_wait3A_1100 : memref<32x1024xf32, #tpu.memory_space<hbm>>)
        %dma_wait3A_1101 = arith.constant 0 : i32
        %dma_wait3A_1102 = arith.constant 0 : i32
        %dma_wait3A_1103 = tpu.memref_slice %arg6[%dma_wait3A_1101, %dma_wait3A_1102] : memref<24576x1024xf32, #tpu.memory_space<hbm>> -> memref<32x1024xf32, #tpu.memory_space<hbm>>
        %dma_wait3A_1104 = arith.constant 0 : i32
        %dma_wait3A_1105 = arith.constant 0 : i32
        %dma_wait3A_1106 = tpu.memref_slice %arg6[%dma_wait3A_1104, %dma_wait3A_1105] : memref<24576x1024xf32, #tpu.memory_space<hbm>> -> memref<32x1024xf32, #tpu.memory_space<hbm>>
        tpu.wait_dma2 semaphore(%arg18 : memref<!tpu.dma_semaphore, #tpu.memory_space<semaphore_mem>>) src(%arg13 : memref<32x1024xf32, #tpu.memory_space<vmem>>) dst(%dma_wait3A_1106 : memref<32x1024xf32, #tpu.memory_space<hbm>>)
      } else {
      }
      %jit3A_588 = arith.constant 8 : i32
      %div3A_589 = arith.divsi %add3A_550, %jit3A_588 : i32
      %sign3A_590 = arith.constant 0 : i32
      %sign3A_591 = arith.cmpi sgt, %add3A_550, %sign3A_590 : i32
      %sign3A_592 = arith.extui %sign3A_591 : i1 to i32
      %sign3A_593 = arith.constant 0 : i32
      %sign3A_594 = arith.cmpi slt, %add3A_550, %sign3A_593 : i32
      %sign3A_595 = arith.extui %sign3A_594 : i1 to i32
      %sign3A_596 = arith.subi %sign3A_592, %sign3A_595 : i32
      %sign3A_597 = arith.constant 0 : i32
      %sign3A_598 = arith.cmpi sgt, %jit3A_588, %sign3A_597 : i32
      %sign3A_599 = arith.extui %sign3A_598 : i1 to i32
      %sign3A_600 = arith.constant 0 : i32
      %sign3A_601 = arith.cmpi slt, %jit3A_588, %sign3A_600 : i32
      %sign3A_602 = arith.extui %sign3A_601 : i1 to i32
      %sign3A_603 = arith.subi %sign3A_599, %sign3A_602 : i32
      %ne3A_604 = arith.cmpi ne, %sign3A_596, %sign3A_603 : i32
      %rem3A_605 = arith.remsi %add3A_550, %jit3A_588 : i32
      %ne3A_606 = arith.constant 0 : i32
      %ne3A_607 = arith.cmpi ne, %rem3A_605, %ne3A_606 : i32
      %and3A_608 = arith.andi %ne3A_604, %ne3A_607 : i1
      %sub3A_609 = arith.constant 1 : i32
      %sub3A_610 = arith.subi %div3A_589, %sub3A_609 : i32
      %select_n3A_611 = arith.select %and3A_608, %sub3A_610, %div3A_589 : i32
      %jit3A_612 = arith.constant 8 : i32
      %eq3A_613 = arith.constant 0 : i32
      %eq3A_614 = arith.cmpi eq, %jit3A_612, %eq3A_613 : i32
      %jit3A_615 = arith.constant 1 : i32
      %select_n3A_616 = arith.select %eq3A_614, %jit3A_615, %jit3A_612 : i32
      %rem3A_617 = arith.remsi %add3A_550, %select_n3A_616 : i32
      %ne3A_618 = arith.constant 0 : i32
      %ne3A_619 = arith.cmpi ne, %rem3A_617, %ne3A_618 : i32
      %lt3A_620 = arith.constant 0 : i32
      %lt3A_621 = arith.cmpi slt, %rem3A_617, %lt3A_620 : i32
      %lt3A_622 = arith.constant 0 : i32
      %lt3A_623 = arith.cmpi slt, %select_n3A_616, %lt3A_622 : i32
      %ne3A_624 = arith.xori %lt3A_621, %lt3A_623 : i1
      %and3A_625 = arith.andi %ne3A_624, %ne3A_619 : i1
      %add3A_626 = arith.addi %rem3A_617, %select_n3A_616 : i32
      %select_n3A_627 = arith.select %and3A_625, %add3A_626, %rem3A_617 : i32
      %jit3A_628 = arith.constant 4 : i32
      %eq3A_629 = arith.constant 0 : i32
      %eq3A_630 = arith.cmpi eq, %jit3A_628, %eq3A_629 : i32
      %jit3A_631 = arith.constant 1 : i32
      %select_n3A_632 = arith.select %eq3A_630, %jit3A_631, %jit3A_628 : i32
      %rem3A_633 = arith.remsi %select_n3A_611, %select_n3A_632 : i32
      %ne3A_634 = arith.constant 0 : i32
      %ne3A_635 = arith.cmpi ne, %rem3A_633, %ne3A_634 : i32
      %lt3A_636 = arith.constant 0 : i32
      %lt3A_637 = arith.cmpi slt, %rem3A_633, %lt3A_636 : i32
      %lt3A_638 = arith.constant 0 : i32
      %lt3A_639 = arith.cmpi slt, %select_n3A_632, %lt3A_638 : i32
      %ne3A_640 = arith.xori %lt3A_637, %lt3A_639 : i1
      %and3A_641 = arith.andi %ne3A_640, %ne3A_635 : i1
      %add3A_642 = arith.addi %rem3A_633, %select_n3A_632 : i32
      %select_n3A_643 = arith.select %and3A_641, %add3A_642, %rem3A_633 : i32
      %mul3A_644 = arith.constant 32 : i32
      %mul3A_645 = arith.muli %select_n3A_643, %mul3A_644 : i32
      %mul3A_646 = arith.constant 128 : i32
      %mul3A_647 = arith.muli %select_n3A_627, %mul3A_646 : i32
      %add3A_648 = arith.constant 0 : i32
      %add3A_649 = arith.addi %mul3A_647, %add3A_648 : i32
      %get3A_650 = arith.index_cast %add3A_649 : i32 to index
      %get3A_651 = tpu.vector_load %arg7[%get3A_650] {strides = array<i32>} : memref<1024xi32, #tpu.memory_space<vmem>>, vector<16xi32>,
      %add3A_652 = arith.constant 16 : i32
      %add3A_653 = arith.addi %mul3A_647, %add3A_652 : i32
      %get3A_654 = arith.index_cast %add3A_653 : i32 to index
      %get3A_655 = tpu.vector_load %arg7[%get3A_654] {strides = array<i32>} : memref<1024xi32, #tpu.memory_space<vmem>>, vector<16xi32>,
      %add3A_656 = arith.constant 32 : i32
      %add3A_657 = arith.addi %mul3A_647, %add3A_656 : i32
      %get3A_658 = arith.index_cast %add3A_657 : i32 to index
      %get3A_659 = tpu.vector_load %arg7[%get3A_658] {strides = array<i32>} : memref<1024xi32, #tpu.memory_space<vmem>>, vector<16xi32>,
      %add3A_660 = arith.constant 48 : i32
      %add3A_661 = arith.addi %mul3A_647, %add3A_660 : i32
      %get3A_662 = arith.index_cast %add3A_661 : i32 to index
      %get3A_663 = tpu.vector_load %arg7[%get3A_662] {strides = array<i32>} : memref<1024xi32, #tpu.memory_space<vmem>>, vector<16xi32>,
      %add3A_664 = arith.constant 64 : i32
      %add3A_665 = arith.addi %mul3A_647, %add3A_664 : i32
      %get3A_666 = arith.index_cast %add3A_665 : i32 to index
      %get3A_667 = tpu.vector_load %arg7[%get3A_666] {strides = array<i32>} : memref<1024xi32, #tpu.memory_space<vmem>>, vector<16xi32>,
      %add3A_668 = arith.constant 80 : i32
      %add3A_669 = arith.addi %mul3A_647, %add3A_668 : i32
      %get3A_670 = arith.index_cast %add3A_669 : i32 to index
      %get3A_671 = tpu.vector_load %arg7[%get3A_670] {strides = array<i32>} : memref<1024xi32, #tpu.memory_space<vmem>>, vector<16xi32>,
      %add3A_672 = arith.constant 96 : i32
      %add3A_673 = arith.addi %mul3A_647, %add3A_672 : i32
      %get3A_674 = arith.index_cast %add3A_673 : i32 to index
      %get3A_675 = tpu.vector_load %arg7[%get3A_674] {strides = array<i32>} : memref<1024xi32, #tpu.memory_space<vmem>>, vector<16xi32>,
      %add3A_676 = arith.constant 112 : i32
      %add3A_677 = arith.addi %mul3A_647, %add3A_676 : i32
      %get3A_678 = arith.index_cast %add3A_677 : i32 to index
      %get3A_679 = tpu.vector_load %arg7[%get3A_678] {strides = array<i32>} : memref<1024xi32, #tpu.memory_space<vmem>>, vector<16xi32>,
      %add3A_680 = arith.constant 0 : i32
      %add3A_681 = arith.addi %mul3A_647, %add3A_680 : i32
      %get3A_682 = arith.index_cast %add3A_681 : i32 to index
      %get3A_683 = tpu.vector_load %arg8[%get3A_682] {strides = array<i32>} : memref<1024xi32, #tpu.memory_space<vmem>>, vector<16xi32>,
      %add3A_684 = arith.constant 16 : i32
      %add3A_685 = arith.addi %mul3A_647, %add3A_684 : i32
      %get3A_686 = arith.index_cast %add3A_685 : i32 to index
      %get3A_687 = tpu.vector_load %arg8[%get3A_686] {strides = array<i32>} : memref<1024xi32, #tpu.memory_space<vmem>>, vector<16xi32>,
      %add3A_688 = arith.constant 32 : i32
      %add3A_689 = arith.addi %mul3A_647, %add3A_688 : i32
      %get3A_690 = arith.index_cast %add3A_689 : i32 to index
      %get3A_691 = tpu.vector_load %arg8[%get3A_690] {strides = array<i32>} : memref<1024xi32, #tpu.memory_space<vmem>>, vector<16xi32>,
      %add3A_692 = arith.constant 48 : i32
      %add3A_693 = arith.addi %mul3A_647, %add3A_692 : i32
      %get3A_694 = arith.index_cast %add3A_693 : i32 to index
      %get3A_695 = tpu.vector_load %arg8[%get3A_694] {strides = array<i32>} : memref<1024xi32, #tpu.memory_space<vmem>>, vector<16xi32>,
      %add3A_696 = arith.constant 64 : i32
      %add3A_697 = arith.addi %mul3A_647, %add3A_696 : i32
      %get3A_698 = arith.index_cast %add3A_697 : i32 to index
      %get3A_699 = tpu.vector_load %arg8[%get3A_698] {strides = array<i32>} : memref<1024xi32, #tpu.memory_space<vmem>>, vector<16xi32>,
      %add3A_700 = arith.constant 80 : i32
      %add3A_701 = arith.addi %mul3A_647, %add3A_700 : i32
      %get3A_702 = arith.index_cast %add3A_701 : i32 to index
      %get3A_703 = tpu.vector_load %arg8[%get3A_702] {strides = array<i32>} : memref<1024xi32, #tpu.memory_space<vmem>>, vector<16xi32>,
      %add3A_704 = arith.constant 96 : i32
      %add3A_705 = arith.addi %mul3A_647, %add3A_704 : i32
      %get3A_706 = arith.index_cast %add3A_705 : i32 to index
      %get3A_707 = tpu.vector_load %arg8[%get3A_706] {strides = array<i32>} : memref<1024xi32, #tpu.memory_space<vmem>>, vector<16xi32>,
      %add3A_708 = arith.constant 112 : i32
      %add3A_709 = arith.addi %mul3A_647, %add3A_708 : i32
      %get3A_710 = arith.index_cast %add3A_709 : i32 to index
      %get3A_711 = tpu.vector_load %arg8[%get3A_710] {strides = array<i32>} : memref<1024xi32, #tpu.memory_space<vmem>>, vector<16xi32>,
      %shift_left3A_712 = arith.constant 7 : i32
      %shift_left3A_713 = vector.broadcast %shift_left3A_712 : i32 to vector<16xi32>
      %shift_left3A_714 = arith.shli %iota3A, %shift_left3A_713 : vector<16xi32>
      %broadcast_in_dim3A_715 = arith.constant 0 : i32
      %broadcast_in_dim3A_716 = vector.broadcast %broadcast_in_dim3A_715 : i32 to vector<16xi32>
      %parallel_loop3A_717 = arith.constant 0 : i32
      %parallel_loop3A_718 = arith.constant 32 : i32
      %parallel_loop3A_719 = arith.constant 1 : i32
      scf.for %parallel_loop3A_1095 = %parallel_loop3A_717 to %parallel_loop3A_718 step %parallel_loop3A_719  : i32 {
        %parallel_loop3A_1096 = vector.broadcast %parallel_loop3A_1095 : i32 to vector<16xi32>
        %parallel_loop3A_1097 = arith.addi %parallel_loop3A_1096, %iota3A : vector<16xi32>
        %parallel_loop3A_1098 = arith.constant 31 : i32
        %parallel_loop3A_1099 = vector.broadcast %parallel_loop3A_1098 : i32 to vector<16xi32>
        %parallel_loop3A_1100 = arith.andi %parallel_loop3A_1097, %parallel_loop3A_1099 : vector<16xi32>
        %parallel_loop3A_1101 = vector.broadcast %mul3A_645 : i32 to vector<16xi32>
        %parallel_loop3A_1102 = arith.addi %parallel_loop3A_1100, %parallel_loop3A_1101 : vector<16xi32>
        %parallel_loop3A_1103 = arith.addi %parallel_loop3A_1102, %shift_left3A_714 : vector<16xi32>
        %parallel_loop3A_1104 = arith.constant 0 : i32
        %parallel_loop3A_1105 = vector.broadcast %parallel_loop3A_1104 : i32 to vector<16xi32>
        %parallel_loop3A_1106 = arith.addi %parallel_loop3A_1103, %parallel_loop3A_1105 : vector<16xi32>
        %parallel_loop3A_1107 = tpu.vector_load_idx %arg10[%broadcast_in_dim3A_716, %broadcast_in_dim3A_716, %broadcast_in_dim3A_716, %parallel_loop3A_1106] : memref<4x4x8x128xf32, #tpu.memory_space<vmem>>[vector<16xi32>, vector<16xi32>, vector<16xi32>, vector<16xi32>], vector<16xf32>,
        tpu.vector_store_idx %arg12[%parallel_loop3A_1100, %get3A_651], %parallel_loop3A_1107 : memref<32x1024xf32, #tpu.memory_space<vmem>>[vector<16xi32>, vector<16xi32>], vector<16xf32>,
        tpu.vector_store_idx %arg13[%parallel_loop3A_1100, %get3A_683], %parallel_loop3A_1107 : memref<32x1024xf32, #tpu.memory_space<vmem>>[vector<16xi32>, vector<16xi32>], vector<16xf32>,
        %parallel_loop3A_1108 = arith.constant 2048 : i32
        %parallel_loop3A_1109 = vector.broadcast %parallel_loop3A_1108 : i32 to vector<16xi32>
        %parallel_loop3A_1110 = arith.addi %parallel_loop3A_1103, %parallel_loop3A_1109 : vector<16xi32>
        %parallel_loop3A_1111 = tpu.vector_load_idx %arg10[%broadcast_in_dim3A_716, %broadcast_in_dim3A_716, %broadcast_in_dim3A_716, %parallel_loop3A_1110] : memref<4x4x8x128xf32, #tpu.memory_space<vmem>>[vector<16xi32>, vector<16xi32>, vector<16xi32>, vector<16xi32>], vector<16xf32>,
        tpu.vector_store_idx %arg12[%parallel_loop3A_1100, %get3A_655], %parallel_loop3A_1111 : memref<32x1024xf32, #tpu.memory_space<vmem>>[vector<16xi32>, vector<16xi32>], vector<16xf32>,
        tpu.vector_store_idx %arg13[%parallel_loop3A_1100, %get3A_687], %parallel_loop3A_1111 : memref<32x1024xf32, #tpu.memory_space<vmem>>[vector<16xi32>, vector<16xi32>], vector<16xf32>,
        %parallel_loop3A_1112 = arith.constant 4096 : i32
        %parallel_loop3A_1113 = vector.broadcast %parallel_loop3A_1112 : i32 to vector<16xi32>
        %parallel_loop3A_1114 = arith.addi %parallel_loop3A_1103, %parallel_loop3A_1113 : vector<16xi32>
        %parallel_loop3A_1115 = tpu.vector_load_idx %arg10[%broadcast_in_dim3A_716, %broadcast_in_dim3A_716, %broadcast_in_dim3A_716, %parallel_loop3A_1114] : memref<4x4x8x128xf32, #tpu.memory_space<vmem>>[vector<16xi32>, vector<16xi32>, vector<16xi32>, vector<16xi32>], vector<16xf32>,
        tpu.vector_store_idx %arg12[%parallel_loop3A_1100, %get3A_659], %parallel_loop3A_1115 : memref<32x1024xf32, #tpu.memory_space<vmem>>[vector<16xi32>, vector<16xi32>], vector<16xf32>,
        tpu.vector_store_idx %arg13[%parallel_loop3A_1100, %get3A_691], %parallel_loop3A_1115 : memref<32x1024xf32, #tpu.memory_space<vmem>>[vector<16xi32>, vector<16xi32>], vector<16xf32>,
        %parallel_loop3A_1116 = arith.constant 6144 : i32
        %parallel_loop3A_1117 = vector.broadcast %parallel_loop3A_1116 : i32 to vector<16xi32>
        %parallel_loop3A_1118 = arith.addi %parallel_loop3A_1103, %parallel_loop3A_1117 : vector<16xi32>
        %parallel_loop3A_1119 = tpu.vector_load_idx %arg10[%broadcast_in_dim3A_716, %broadcast_in_dim3A_716, %broadcast_in_dim3A_716, %parallel_loop3A_1118] : memref<4x4x8x128xf32, #tpu.memory_space<vmem>>[vector<16xi32>, vector<16xi32>, vector<16xi32>, vector<16xi32>], vector<16xf32>,
        tpu.vector_store_idx %arg12[%parallel_loop3A_1100, %get3A_663], %parallel_loop3A_1119 : memref<32x1024xf32, #tpu.memory_space<vmem>>[vector<16xi32>, vector<16xi32>], vector<16xf32>,
        tpu.vector_store_idx %arg13[%parallel_loop3A_1100, %get3A_695], %parallel_loop3A_1119 : memref<32x1024xf32, #tpu.memory_space<vmem>>[vector<16xi32>, vector<16xi32>], vector<16xf32>,
        %parallel_loop3A_1120 = arith.constant 8192 : i32
        %parallel_loop3A_1121 = vector.broadcast %parallel_loop3A_1120 : i32 to vector<16xi32>
        %parallel_loop3A_1122 = arith.addi %parallel_loop3A_1103, %parallel_loop3A_1121 : vector<16xi32>
        %parallel_loop3A_1123 = tpu.vector_load_idx %arg10[%broadcast_in_dim3A_716, %broadcast_in_dim3A_716, %broadcast_in_dim3A_716, %parallel_loop3A_1122] : memref<4x4x8x128xf32, #tpu.memory_space<vmem>>[vector<16xi32>, vector<16xi32>, vector<16xi32>, vector<16xi32>], vector<16xf32>,
        tpu.vector_store_idx %arg12[%parallel_loop3A_1100, %get3A_667], %parallel_loop3A_1123 : memref<32x1024xf32, #tpu.memory_space<vmem>>[vector<16xi32>, vector<16xi32>], vector<16xf32>,
        tpu.vector_store_idx %arg13[%parallel_loop3A_1100, %get3A_699], %parallel_loop3A_1123 : memref<32x1024xf32, #tpu.memory_space<vmem>>[vector<16xi32>, vector<16xi32>], vector<16xf32>,
        %parallel_loop3A_1124 = arith.constant 10240 : i32
        %parallel_loop3A_1125 = vector.broadcast %parallel_loop3A_1124 : i32 to vector<16xi32>
        %parallel_loop3A_1126 = arith.addi %parallel_loop3A_1103, %parallel_loop3A_1125 : vector<16xi32>
        %parallel_loop3A_1127 = tpu.vector_load_idx %arg10[%broadcast_in_dim3A_716, %broadcast_in_dim3A_716, %broadcast_in_dim3A_716, %parallel_loop3A_1126] : memref<4x4x8x128xf32, #tpu.memory_space<vmem>>[vector<16xi32>, vector<16xi32>, vector<16xi32>, vector<16xi32>], vector<16xf32>,
        tpu.vector_store_idx %arg12[%parallel_loop3A_1100, %get3A_671], %parallel_loop3A_1127 : memref<32x1024xf32, #tpu.memory_space<vmem>>[vector<16xi32>, vector<16xi32>], vector<16xf32>,
        tpu.vector_store_idx %arg13[%parallel_loop3A_1100, %get3A_703], %parallel_loop3A_1127 : memref<32x1024xf32, #tpu.memory_space<vmem>>[vector<16xi32>, vector<16xi32>], vector<16xf32>,
        %parallel_loop3A_1128 = arith.constant 12288 : i32
        %parallel_loop3A_1129 = vector.broadcast %parallel_loop3A_1128 : i32 to vector<16xi32>
        %parallel_loop3A_1130 = arith.addi %parallel_loop3A_1103, %parallel_loop3A_1129 : vector<16xi32>
        %parallel_loop3A_1131 = tpu.vector_load_idx %arg10[%broadcast_in_dim3A_716, %broadcast_in_dim3A_716, %broadcast_in_dim3A_716, %parallel_loop3A_1130] : memref<4x4x8x128xf32, #tpu.memory_space<vmem>>[vector<16xi32>, vector<16xi32>, vector<16xi32>, vector<16xi32>], vector<16xf32>,
        tpu.vector_store_idx %arg12[%parallel_loop3A_1100, %get3A_675], %parallel_loop3A_1131 : memref<32x1024xf32, #tpu.memory_space<vmem>>[vector<16xi32>, vector<16xi32>], vector<16xf32>,
        tpu.vector_store_idx %arg13[%parallel_loop3A_1100, %get3A_707], %parallel_loop3A_1131 : memref<32x1024xf32, #tpu.memory_space<vmem>>[vector<16xi32>, vector<16xi32>], vector<16xf32>,
        %parallel_loop3A_1132 = arith.constant 14336 : i32
        %parallel_loop3A_1133 = vector.broadcast %parallel_loop3A_1132 : i32 to vector<16xi32>
        %parallel_loop3A_1134 = arith.addi %parallel_loop3A_1103, %parallel_loop3A_1133 : vector<16xi32>
        %parallel_loop3A_1135 = tpu.vector_load_idx %arg10[%broadcast_in_dim3A_716, %broadcast_in_dim3A_716, %broadcast_in_dim3A_716, %parallel_loop3A_1134] : memref<4x4x8x128xf32, #tpu.memory_space<vmem>>[vector<16xi32>, vector<16xi32>, vector<16xi32>, vector<16xi32>], vector<16xf32>,
        tpu.vector_store_idx %arg12[%parallel_loop3A_1100, %get3A_679], %parallel_loop3A_1135 : memref<32x1024xf32, #tpu.memory_space<vmem>>[vector<16xi32>, vector<16xi32>], vector<16xf32>,
        tpu.vector_store_idx %arg13[%parallel_loop3A_1100, %get3A_711], %parallel_loop3A_1135 : memref<32x1024xf32, #tpu.memory_space<vmem>>[vector<16xi32>, vector<16xi32>], vector<16xf32>,
      } {sc.loop_unroll_factor = 1 : i64, sc.parallel_access}
      %add3A_720 = arith.constant 3 : i32
      %add3A_721 = arith.addi %add3A_550, %add3A_720 : i32
      %min3A_722 = arith.constant 191 : i32
      %min3A_723 = arith.minsi %add3A_721, %min3A_722 : i32
      %jit3A_724 = arith.constant 8 : i32
      %div3A_725 = arith.divsi %min3A_723, %jit3A_724 : i32
      %sign3A_726 = arith.constant 0 : i32
      %sign3A_727 = arith.cmpi sgt, %min3A_723, %sign3A_726 : i32
      %sign3A_728 = arith.extui %sign3A_727 : i1 to i32
      %sign3A_729 = arith.constant 0 : i32
      %sign3A_730 = arith.cmpi slt, %min3A_723, %sign3A_729 : i32
      %sign3A_731 = arith.extui %sign3A_730 : i1 to i32
      %sign3A_732 = arith.subi %sign3A_728, %sign3A_731 : i32
      %sign3A_733 = arith.constant 0 : i32
      %sign3A_734 = arith.cmpi sgt, %jit3A_724, %sign3A_733 : i32
      %sign3A_735 = arith.extui %sign3A_734 : i1 to i32
      %sign3A_736 = arith.constant 0 : i32
      %sign3A_737 = arith.cmpi slt, %jit3A_724, %sign3A_736 : i32
      %sign3A_738 = arith.extui %sign3A_737 : i1 to i32
      %sign3A_739 = arith.subi %sign3A_735, %sign3A_738 : i32
      %ne3A_740 = arith.cmpi ne, %sign3A_732, %sign3A_739 : i32
      %rem3A_741 = arith.remsi %min3A_723, %jit3A_724 : i32
      %ne3A_742 = arith.constant 0 : i32
      %ne3A_743 = arith.cmpi ne, %rem3A_741, %ne3A_742 : i32
      %and3A_744 = arith.andi %ne3A_740, %ne3A_743 : i1
      %sub3A_745 = arith.constant 1 : i32
      %sub3A_746 = arith.subi %div3A_725, %sub3A_745 : i32
      %select_n3A_747 = arith.select %and3A_744, %sub3A_746, %div3A_725 : i32
      %jit3A_748 = arith.constant 8 : i32
      %eq3A_749 = arith.constant 0 : i32
      %eq3A_750 = arith.cmpi eq, %jit3A_748, %eq3A_749 : i32
      %jit3A_751 = arith.constant 1 : i32
      %select_n3A_752 = arith.select %eq3A_750, %jit3A_751, %jit3A_748 : i32
      %rem3A_753 = arith.remsi %min3A_723, %select_n3A_752 : i32
      %ne3A_754 = arith.constant 0 : i32
      %ne3A_755 = arith.cmpi ne, %rem3A_753, %ne3A_754 : i32
      %lt3A_756 = arith.constant 0 : i32
      %lt3A_757 = arith.cmpi slt, %rem3A_753, %lt3A_756 : i32
      %lt3A_758 = arith.constant 0 : i32
      %lt3A_759 = arith.cmpi slt, %select_n3A_752, %lt3A_758 : i32
      %ne3A_760 = arith.xori %lt3A_757, %lt3A_759 : i1
      %and3A_761 = arith.andi %ne3A_760, %ne3A_755 : i1
      %add3A_762 = arith.addi %rem3A_753, %select_n3A_752 : i32
      %select_n3A_763 = arith.select %and3A_761, %add3A_762, %rem3A_753 : i32
      %mul3A_764 = arith.constant 4 : i32
      %mul3A_765 = arith.muli %select_n3A_763, %mul3A_764 : i32
      %jit3A_766 = arith.constant 4 : i32
      %div3A_767 = arith.divsi %select_n3A_747, %jit3A_766 : i32
      %sign3A_768 = arith.constant 0 : i32
      %sign3A_769 = arith.cmpi sgt, %select_n3A_747, %sign3A_768 : i32
      %sign3A_770 = arith.extui %sign3A_769 : i1 to i32
      %sign3A_771 = arith.constant 0 : i32
      %sign3A_772 = arith.cmpi slt, %select_n3A_747, %sign3A_771 : i32
      %sign3A_773 = arith.extui %sign3A_772 : i1 to i32
      %sign3A_774 = arith.subi %sign3A_770, %sign3A_773 : i32
      %sign3A_775 = arith.constant 0 : i32
      %sign3A_776 = arith.cmpi sgt, %jit3A_766, %sign3A_775 : i32
      %sign3A_777 = arith.extui %sign3A_776 : i1 to i32
      %sign3A_778 = arith.constant 0 : i32
      %sign3A_779 = arith.cmpi slt, %jit3A_766, %sign3A_778 : i32
      %sign3A_780 = arith.extui %sign3A_779 : i1 to i32
      %sign3A_781 = arith.subi %sign3A_777, %sign3A_780 : i32
      %ne3A_782 = arith.cmpi ne, %sign3A_774, %sign3A_781 : i32
      %rem3A_783 = arith.remsi %select_n3A_747, %jit3A_766 : i32
      %ne3A_784 = arith.constant 0 : i32
      %ne3A_785 = arith.cmpi ne, %rem3A_783, %ne3A_784 : i32
      %and3A_786 = arith.andi %ne3A_782, %ne3A_785 : i1
      %sub3A_787 = arith.constant 1 : i32
      %sub3A_788 = arith.subi %div3A_767, %sub3A_787 : i32
      %select_n3A_789 = arith.select %and3A_786, %sub3A_788, %div3A_767 : i32
      %dma_start3A_790 = arith.constant 0 : i32
      %dma_start3A_791 = arith.constant 0 : i32
      %dma_start3A_792 = arith.constant 0 : i32
      %dma_start3A_793 = tpu.memref_slice %arg2[%add3A, %mul3A_765, %dma_start3A_790, %select_n3A_789, %dma_start3A_791, %dma_start3A_792] : memref<32x32x4x6x8x128xf32, #tpu.memory_space<hbm>> -> memref<1x4x4x1x8x128xf32, #tpu.memory_space<hbm>>
      %dma_start3A_794 = tpu.memref_squeeze %dma_start3A_793 : memref<1x4x4x1x8x128xf32, #tpu.memory_space<hbm>> -> memref<4x4x8x128xf32, #tpu.memory_space<hbm>>
      %dma_start3A_795 = arith.constant 0 : i32
      %dma_start3A_796 = arith.constant 0 : i32
      %dma_start3A_797 = arith.constant 0 : i32
      %dma_start3A_798 = tpu.memref_slice %arg2[%add3A, %mul3A_765, %dma_start3A_795, %select_n3A_789, %dma_start3A_796, %dma_start3A_797] : memref<32x32x4x6x8x128xf32, #tpu.memory_space<hbm>> -> memref<1x4x4x1x8x128xf32, #tpu.memory_space<hbm>>
      %dma_start3A_799 = tpu.memref_squeeze %dma_start3A_798 : memref<1x4x4x1x8x128xf32, #tpu.memory_space<hbm>> -> memref<4x4x8x128xf32, #tpu.memory_space<hbm>>
      tpu.enqueue_dma source(%dma_start3A_799 : memref<4x4x8x128xf32, #tpu.memory_space<hbm>>) target(%arg10 : memref<4x4x8x128xf32, #tpu.memory_space<vmem>>) target_semaphore(%arg15 : memref<!tpu.dma_semaphore, #tpu.memory_space<semaphore_mem>>)
      %jit3A_800 = arith.constant 8 : i32
      %eq3A_801 = arith.constant 0 : i32
      %eq3A_802 = arith.cmpi eq, %jit3A_800, %eq3A_801 : i32
      %jit3A_803 = arith.constant 1 : i32
      %select_n3A_804 = arith.select %eq3A_802, %jit3A_803, %jit3A_800 : i32
      %rem3A_805 = arith.remsi %add3A_550, %select_n3A_804 : i32
      %ne3A_806 = arith.constant 0 : i32
      %ne3A_807 = arith.cmpi ne, %rem3A_805, %ne3A_806 : i32
      %lt3A_808 = arith.constant 0 : i32
      %lt3A_809 = arith.cmpi slt, %rem3A_805, %lt3A_808 : i32
      %lt3A_810 = arith.constant 0 : i32
      %lt3A_811 = arith.cmpi slt, %select_n3A_804, %lt3A_810 : i32
      %ne3A_812 = arith.xori %lt3A_809, %lt3A_811 : i1
      %and3A_813 = arith.andi %ne3A_812, %ne3A_807 : i1
      %add3A_814 = arith.addi %rem3A_805, %select_n3A_804 : i32
      %select_n3A_815 = arith.select %and3A_813, %add3A_814, %rem3A_805 : i32
      %eq3A_816 = arith.constant 7 : i32
      %eq3A_817 = arith.cmpi eq, %select_n3A_815, %eq3A_816 : i32
      %convert_element_type3A_818 = arith.extui %eq3A_817 : i1 to i32
      %cond3A_819 = arith.constant 0 : i32
      %cond3A_820 = arith.cmpi ne, %convert_element_type3A_818, %cond3A_819 : i32
      scf.if %cond3A_820 {
        %jit3A_1095 = arith.constant 8 : i32
        %div3A_1096 = arith.divsi %add3A_550, %jit3A_1095 : i32
        %sign3A_1097 = arith.constant 0 : i32
        %sign3A_1098 = arith.cmpi sgt, %add3A_550, %sign3A_1097 : i32
        %sign3A_1099 = arith.extui %sign3A_1098 : i1 to i32
        %sign3A_1100 = arith.constant 0 : i32
        %sign3A_1101 = arith.cmpi slt, %add3A_550, %sign3A_1100 : i32
        %sign3A_1102 = arith.extui %sign3A_1101 : i1 to i32
        %sign3A_1103 = arith.subi %sign3A_1099, %sign3A_1102 : i32
        %sign3A_1104 = arith.constant 0 : i32
        %sign3A_1105 = arith.cmpi sgt, %jit3A_1095, %sign3A_1104 : i32
        %sign3A_1106 = arith.extui %sign3A_1105 : i1 to i32
        %sign3A_1107 = arith.constant 0 : i32
        %sign3A_1108 = arith.cmpi slt, %jit3A_1095, %sign3A_1107 : i32
        %sign3A_1109 = arith.extui %sign3A_1108 : i1 to i32
        %sign3A_1110 = arith.subi %sign3A_1106, %sign3A_1109 : i32
        %ne3A_1111 = arith.cmpi ne, %sign3A_1103, %sign3A_1110 : i32
        %rem3A_1112 = arith.remsi %add3A_550, %jit3A_1095 : i32
        %ne3A_1113 = arith.constant 0 : i32
        %ne3A_1114 = arith.cmpi ne, %rem3A_1112, %ne3A_1113 : i32
        %and3A_1115 = arith.andi %ne3A_1111, %ne3A_1114 : i1
        %sub3A_1116 = arith.constant 1 : i32
        %sub3A_1117 = arith.subi %div3A_1096, %sub3A_1116 : i32
        %select_n3A_1118 = arith.select %and3A_1115, %sub3A_1117, %div3A_1096 : i32
        %mul3A_1119 = arith.constant 768 : i32
        %mul3A_1120 = arith.muli %add3A, %mul3A_1119 : i32
        %mul3A_1121 = arith.constant 32 : i32
        %mul3A_1122 = arith.muli %select_n3A_1118, %mul3A_1121 : i32
        %add3A_1123 = arith.addi %mul3A_1120, %mul3A_1122 : i32
        %dma_start3A_1124 = arith.constant 0 : i32
        %dma_start3A_1125 = tpu.memref_slice %arg5[%add3A_1123, %dma_start3A_1124] : memref<24576x1024xf32, #tpu.memory_space<hbm>> -> memref<32x1024xf32, #tpu.memory_space<hbm>>
        %dma_start3A_1126 = arith.constant 0 : i32
        %dma_start3A_1127 = tpu.memref_slice %arg5[%add3A_1123, %dma_start3A_1126] : memref<24576x1024xf32, #tpu.memory_space<hbm>> -> memref<32x1024xf32, #tpu.memory_space<hbm>>
        tpu.enqueue_dma source(%arg12 : memref<32x1024xf32, #tpu.memory_space<vmem>>) target(%dma_start3A_1127 : memref<32x1024xf32, #tpu.memory_space<hbm>>) target_semaphore(%arg17 : memref<!tpu.dma_semaphore, #tpu.memory_space<semaphore_mem>>)
        %dma_start3A_1128 = arith.constant 0 : i32
        %dma_start3A_1129 = tpu.memref_slice %arg6[%add3A_1123, %dma_start3A_1128] : memref<24576x1024xf32, #tpu.memory_space<hbm>> -> memref<32x1024xf32, #tpu.memory_space<hbm>>
        %dma_start3A_1130 = arith.constant 0 : i32
        %dma_start3A_1131 = tpu.memref_slice %arg6[%add3A_1123, %dma_start3A_1130] : memref<24576x1024xf32, #tpu.memory_space<hbm>> -> memref<32x1024xf32, #tpu.memory_space<hbm>>
        tpu.enqueue_dma source(%arg13 : memref<32x1024xf32, #tpu.memory_space<vmem>>) target(%dma_start3A_1131 : memref<32x1024xf32, #tpu.memory_space<hbm>>) target_semaphore(%arg18 : memref<!tpu.dma_semaphore, #tpu.memory_space<semaphore_mem>>)
      } else {
      }
      %mul3A_821 = arith.constant 3 : i32
      %mul3A_822 = arith.muli %mul3A_821, %scan3A_281 : i32
      %add3A_823 = arith.constant 2 : i32
      %add3A_824 = arith.addi %mul3A_822, %add3A_823 : i32
      %dma_wait3A_825 = arith.constant 0 : i32
      %dma_wait3A_826 = arith.constant 0 : i32
      %dma_wait3A_827 = arith.constant 0 : i32
      %dma_wait3A_828 = arith.constant 0 : i32
      %dma_wait3A_829 = arith.constant 0 : i32
      %dma_wait3A_830 = tpu.memref_slice %arg2[%add3A, %dma_wait3A_826, %dma_wait3A_827, %dma_wait3A_825, %dma_wait3A_828, %dma_wait3A_829] : memref<32x32x4x6x8x128xf32, #tpu.memory_space<hbm>> -> memref<1x4x4x1x8x128xf32, #tpu.memory_space<hbm>>
      %dma_wait3A_831 = tpu.memref_squeeze %dma_wait3A_830 : memref<1x4x4x1x8x128xf32, #tpu.memory_space<hbm>> -> memref<4x4x8x128xf32, #tpu.memory_space<hbm>>
      %dma_wait3A_832 = arith.constant 0 : i32
      %dma_wait3A_833 = arith.constant 0 : i32
      %dma_wait3A_834 = arith.constant 0 : i32
      %dma_wait3A_835 = arith.constant 0 : i32
      %dma_wait3A_836 = tpu.memref_slice %arg2[%add3A, %dma_wait3A_832, %dma_wait3A_833, %dma_wait3A_825, %dma_wait3A_834, %dma_wait3A_835] : memref<32x32x4x6x8x128xf32, #tpu.memory_space<hbm>> -> memref<1x4x4x1x8x128xf32, #tpu.memory_space<hbm>>
      %dma_wait3A_837 = tpu.memref_squeeze %dma_wait3A_836 : memref<1x4x4x1x8x128xf32, #tpu.memory_space<hbm>> -> memref<4x4x8x128xf32, #tpu.memory_space<hbm>>
      tpu.wait_dma2 semaphore(%arg16 : memref<!tpu.dma_semaphore, #tpu.memory_space<semaphore_mem>>) src(%dma_wait3A_837 : memref<4x4x8x128xf32, #tpu.memory_space<hbm>>) dst(%arg11 : memref<4x4x8x128xf32, #tpu.memory_space<vmem>>)
      %jit3A_838 = arith.constant 8 : i32
      %eq3A_839 = arith.constant 0 : i32
      %eq3A_840 = arith.cmpi eq, %jit3A_838, %eq3A_839 : i32
      %jit3A_841 = arith.constant 1 : i32
      %select_n3A_842 = arith.select %eq3A_840, %jit3A_841, %jit3A_838 : i32
      %rem3A_843 = arith.remsi %add3A_824, %select_n3A_842 : i32
      %ne3A_844 = arith.constant 0 : i32
      %ne3A_845 = arith.cmpi ne, %rem3A_843, %ne3A_844 : i32
      %lt3A_846 = arith.constant 0 : i32
      %lt3A_847 = arith.cmpi slt, %rem3A_843, %lt3A_846 : i32
      %lt3A_848 = arith.constant 0 : i32
      %lt3A_849 = arith.cmpi slt, %select_n3A_842, %lt3A_848 : i32
      %ne3A_850 = arith.xori %lt3A_847, %lt3A_849 : i1
      %and3A_851 = arith.andi %ne3A_850, %ne3A_845 : i1
      %add3A_852 = arith.addi %rem3A_843, %select_n3A_842 : i32
      %select_n3A_853 = arith.select %and3A_851, %add3A_852, %rem3A_843 : i32
      %eq3A_854 = arith.constant 0 : i32
      %eq3A_855 = arith.cmpi eq, %select_n3A_853, %eq3A_854 : i32
      %gt3A_856 = arith.constant 0 : i32
      %gt3A_857 = arith.cmpi sgt, %add3A_824, %gt3A_856 : i32
      %and3A_858 = arith.andi %eq3A_855, %gt3A_857 : i1
      %convert_element_type3A_859 = arith.extui %and3A_858 : i1 to i32
      %cond3A_860 = arith.constant 0 : i32
      %cond3A_861 = arith.cmpi ne, %convert_element_type3A_859, %cond3A_860 : i32
      scf.if %cond3A_861 {
        %dma_wait3A_1095 = arith.constant 0 : i32
        %dma_wait3A_1096 = arith.constant 0 : i32
        %dma_wait3A_1097 = tpu.memref_slice %arg5[%dma_wait3A_1095, %dma_wait3A_1096] : memref<24576x1024xf32, #tpu.memory_space<hbm>> -> memref<32x1024xf32, #tpu.memory_space<hbm>>
        %dma_wait3A_1098 = arith.constant 0 : i32
        %dma_wait3A_1099 = arith.constant 0 : i32
        %dma_wait3A_1100 = tpu.memref_slice %arg5[%dma_wait3A_1098, %dma_wait3A_1099] : memref<24576x1024xf32, #tpu.memory_space<hbm>> -> memref<32x1024xf32, #tpu.memory_space<hbm>>
        tpu.wait_dma2 semaphore(%arg17 : memref<!tpu.dma_semaphore, #tpu.memory_space<semaphore_mem>>) src(%arg12 : memref<32x1024xf32, #tpu.memory_space<vmem>>) dst(%dma_wait3A_1100 : memref<32x1024xf32, #tpu.memory_space<hbm>>)
        %dma_wait3A_1101 = arith.constant 0 : i32
        %dma_wait3A_1102 = arith.constant 0 : i32
        %dma_wait3A_1103 = tpu.memref_slice %arg6[%dma_wait3A_1101, %dma_wait3A_1102] : memref<24576x1024xf32, #tpu.memory_space<hbm>> -> memref<32x1024xf32, #tpu.memory_space<hbm>>
        %dma_wait3A_1104 = arith.constant 0 : i32
        %dma_wait3A_1105 = arith.constant 0 : i32
        %dma_wait3A_1106 = tpu.memref_slice %arg6[%dma_wait3A_1104, %dma_wait3A_1105] : memref<24576x1024xf32, #tpu.memory_space<hbm>> -> memref<32x1024xf32, #tpu.memory_space<hbm>>
        tpu.wait_dma2 semaphore(%arg18 : memref<!tpu.dma_semaphore, #tpu.memory_space<semaphore_mem>>) src(%arg13 : memref<32x1024xf32, #tpu.memory_space<vmem>>) dst(%dma_wait3A_1106 : memref<32x1024xf32, #tpu.memory_space<hbm>>)
      } else {
      }
      %jit3A_862 = arith.constant 8 : i32
      %div3A_863 = arith.divsi %add3A_824, %jit3A_862 : i32
      %sign3A_864 = arith.constant 0 : i32
      %sign3A_865 = arith.cmpi sgt, %add3A_824, %sign3A_864 : i32
      %sign3A_866 = arith.extui %sign3A_865 : i1 to i32
      %sign3A_867 = arith.constant 0 : i32
      %sign3A_868 = arith.cmpi slt, %add3A_824, %sign3A_867 : i32
      %sign3A_869 = arith.extui %sign3A_868 : i1 to i32
      %sign3A_870 = arith.subi %sign3A_866, %sign3A_869 : i32
      %sign3A_871 = arith.constant 0 : i32
      %sign3A_872 = arith.cmpi sgt, %jit3A_862, %sign3A_871 : i32
      %sign3A_873 = arith.extui %sign3A_872 : i1 to i32
      %sign3A_874 = arith.constant 0 : i32
      %sign3A_875 = arith.cmpi slt, %jit3A_862, %sign3A_874 : i32
      %sign3A_876 = arith.extui %sign3A_875 : i1 to i32
      %sign3A_877 = arith.subi %sign3A_873, %sign3A_876 : i32
      %ne3A_878 = arith.cmpi ne, %sign3A_870, %sign3A_877 : i32
      %rem3A_879 = arith.remsi %add3A_824, %jit3A_862 : i32
      %ne3A_880 = arith.constant 0 : i32
      %ne3A_881 = arith.cmpi ne, %rem3A_879, %ne3A_880 : i32
      %and3A_882 = arith.andi %ne3A_878, %ne3A_881 : i1
      %sub3A_883 = arith.constant 1 : i32
      %sub3A_884 = arith.subi %div3A_863, %sub3A_883 : i32
      %select_n3A_885 = arith.select %and3A_882, %sub3A_884, %div3A_863 : i32
      %jit3A_886 = arith.constant 8 : i32
      %eq3A_887 = arith.constant 0 : i32
      %eq3A_888 = arith.cmpi eq, %jit3A_886, %eq3A_887 : i32
      %jit3A_889 = arith.constant 1 : i32
      %select_n3A_890 = arith.select %eq3A_888, %jit3A_889, %jit3A_886 : i32
      %rem3A_891 = arith.remsi %add3A_824, %select_n3A_890 : i32
      %ne3A_892 = arith.constant 0 : i32
      %ne3A_893 = arith.cmpi ne, %rem3A_891, %ne3A_892 : i32
      %lt3A_894 = arith.constant 0 : i32
      %lt3A_895 = arith.cmpi slt, %rem3A_891, %lt3A_894 : i32
      %lt3A_896 = arith.constant 0 : i32
      %lt3A_897 = arith.cmpi slt, %select_n3A_890, %lt3A_896 : i32
      %ne3A_898 = arith.xori %lt3A_895, %lt3A_897 : i1
      %and3A_899 = arith.andi %ne3A_898, %ne3A_893 : i1
      %add3A_900 = arith.addi %rem3A_891, %select_n3A_890 : i32
      %select_n3A_901 = arith.select %and3A_899, %add3A_900, %rem3A_891 : i32
      %jit3A_902 = arith.constant 4 : i32
      %eq3A_903 = arith.constant 0 : i32
      %eq3A_904 = arith.cmpi eq, %jit3A_902, %eq3A_903 : i32
      %jit3A_905 = arith.constant 1 : i32
      %select_n3A_906 = arith.select %eq3A_904, %jit3A_905, %jit3A_902 : i32
      %rem3A_907 = arith.remsi %select_n3A_885, %select_n3A_906 : i32
      %ne3A_908 = arith.constant 0 : i32
      %ne3A_909 = arith.cmpi ne, %rem3A_907, %ne3A_908 : i32
      %lt3A_910 = arith.constant 0 : i32
      %lt3A_911 = arith.cmpi slt, %rem3A_907, %lt3A_910 : i32
      %lt3A_912 = arith.constant 0 : i32
      %lt3A_913 = arith.cmpi slt, %select_n3A_906, %lt3A_912 : i32
      %ne3A_914 = arith.xori %lt3A_911, %lt3A_913 : i1
      %and3A_915 = arith.andi %ne3A_914, %ne3A_909 : i1
      %add3A_916 = arith.addi %rem3A_907, %select_n3A_906 : i32
      %select_n3A_917 = arith.select %and3A_915, %add3A_916, %rem3A_907 : i32
      %mul3A_918 = arith.constant 32 : i32
      %mul3A_919 = arith.muli %select_n3A_917, %mul3A_918 : i32
      %mul3A_920 = arith.constant 128 : i32
      %mul3A_921 = arith.muli %select_n3A_901, %mul3A_920 : i32
      %add3A_922 = arith.constant 0 : i32
      %add3A_923 = arith.addi %mul3A_921, %add3A_922 : i32
      %get3A_924 = arith.index_cast %add3A_923 : i32 to index
      %get3A_925 = tpu.vector_load %arg7[%get3A_924] {strides = array<i32>} : memref<1024xi32, #tpu.memory_space<vmem>>, vector<16xi32>,
      %add3A_926 = arith.constant 16 : i32
      %add3A_927 = arith.addi %mul3A_921, %add3A_926 : i32
      %get3A_928 = arith.index_cast %add3A_927 : i32 to index
      %get3A_929 = tpu.vector_load %arg7[%get3A_928] {strides = array<i32>} : memref<1024xi32, #tpu.memory_space<vmem>>, vector<16xi32>,
      %add3A_930 = arith.constant 32 : i32
      %add3A_931 = arith.addi %mul3A_921, %add3A_930 : i32
      %get3A_932 = arith.index_cast %add3A_931 : i32 to index
      %get3A_933 = tpu.vector_load %arg7[%get3A_932] {strides = array<i32>} : memref<1024xi32, #tpu.memory_space<vmem>>, vector<16xi32>,
      %add3A_934 = arith.constant 48 : i32
      %add3A_935 = arith.addi %mul3A_921, %add3A_934 : i32
      %get3A_936 = arith.index_cast %add3A_935 : i32 to index
      %get3A_937 = tpu.vector_load %arg7[%get3A_936] {strides = array<i32>} : memref<1024xi32, #tpu.memory_space<vmem>>, vector<16xi32>,
      %add3A_938 = arith.constant 64 : i32
      %add3A_939 = arith.addi %mul3A_921, %add3A_938 : i32
      %get3A_940 = arith.index_cast %add3A_939 : i32 to index
      %get3A_941 = tpu.vector_load %arg7[%get3A_940] {strides = array<i32>} : memref<1024xi32, #tpu.memory_space<vmem>>, vector<16xi32>,
      %add3A_942 = arith.constant 80 : i32
      %add3A_943 = arith.addi %mul3A_921, %add3A_942 : i32
      %get3A_944 = arith.index_cast %add3A_943 : i32 to index
      %get3A_945 = tpu.vector_load %arg7[%get3A_944] {strides = array<i32>} : memref<1024xi32, #tpu.memory_space<vmem>>, vector<16xi32>,
      %add3A_946 = arith.constant 96 : i32
      %add3A_947 = arith.addi %mul3A_921, %add3A_946 : i32
      %get3A_948 = arith.index_cast %add3A_947 : i32 to index
      %get3A_949 = tpu.vector_load %arg7[%get3A_948] {strides = array<i32>} : memref<1024xi32, #tpu.memory_space<vmem>>, vector<16xi32>,
      %add3A_950 = arith.constant 112 : i32
      %add3A_951 = arith.addi %mul3A_921, %add3A_950 : i32
      %get3A_952 = arith.index_cast %add3A_951 : i32 to index
      %get3A_953 = tpu.vector_load %arg7[%get3A_952] {strides = array<i32>} : memref<1024xi32, #tpu.memory_space<vmem>>, vector<16xi32>,
      %add3A_954 = arith.constant 0 : i32
      %add3A_955 = arith.addi %mul3A_921, %add3A_954 : i32
      %get3A_956 = arith.index_cast %add3A_955 : i32 to index
      %get3A_957 = tpu.vector_load %arg8[%get3A_956] {strides = array<i32>} : memref<1024xi32, #tpu.memory_space<vmem>>, vector<16xi32>,
      %add3A_958 = arith.constant 16 : i32
      %add3A_959 = arith.addi %mul3A_921, %add3A_958 : i32
      %get3A_960 = arith.index_cast %add3A_959 : i32 to index
      %get3A_961 = tpu.vector_load %arg8[%get3A_960] {strides = array<i32>} : memref<1024xi32, #tpu.memory_space<vmem>>, vector<16xi32>,
      %add3A_962 = arith.constant 32 : i32
      %add3A_963 = arith.addi %mul3A_921, %add3A_962 : i32
      %get3A_964 = arith.index_cast %add3A_963 : i32 to index
      %get3A_965 = tpu.vector_load %arg8[%get3A_964] {strides = array<i32>} : memref<1024xi32, #tpu.memory_space<vmem>>, vector<16xi32>,
      %add3A_966 = arith.constant 48 : i32
      %add3A_967 = arith.addi %mul3A_921, %add3A_966 : i32
      %get3A_968 = arith.index_cast %add3A_967 : i32 to index
      %get3A_969 = tpu.vector_load %arg8[%get3A_968] {strides = array<i32>} : memref<1024xi32, #tpu.memory_space<vmem>>, vector<16xi32>,
      %add3A_970 = arith.constant 64 : i32
      %add3A_971 = arith.addi %mul3A_921, %add3A_970 : i32
      %get3A_972 = arith.index_cast %add3A_971 : i32 to index
      %get3A_973 = tpu.vector_load %arg8[%get3A_972] {strides = array<i32>} : memref<1024xi32, #tpu.memory_space<vmem>>, vector<16xi32>,
      %add3A_974 = arith.constant 80 : i32
      %add3A_975 = arith.addi %mul3A_921, %add3A_974 : i32
      %get3A_976 = arith.index_cast %add3A_975 : i32 to index
      %get3A_977 = tpu.vector_load %arg8[%get3A_976] {strides = array<i32>} : memref<1024xi32, #tpu.memory_space<vmem>>, vector<16xi32>,
      %add3A_978 = arith.constant 96 : i32
      %add3A_979 = arith.addi %mul3A_921, %add3A_978 : i32
      %get3A_980 = arith.index_cast %add3A_979 : i32 to index
      %get3A_981 = tpu.vector_load %arg8[%get3A_980] {strides = array<i32>} : memref<1024xi32, #tpu.memory_space<vmem>>, vector<16xi32>,
      %add3A_982 = arith.constant 112 : i32
      %add3A_983 = arith.addi %mul3A_921, %add3A_982 : i32
      %get3A_984 = arith.index_cast %add3A_983 : i32 to index
      %get3A_985 = tpu.vector_load %arg8[%get3A_984] {strides = array<i32>} : memref<1024xi32, #tpu.memory_space<vmem>>, vector<16xi32>,
      %shift_left3A_986 = arith.constant 7 : i32
      %shift_left3A_987 = vector.broadcast %shift_left3A_986 : i32 to vector<16xi32>
      %shift_left3A_988 = arith.shli %iota3A, %shift_left3A_987 : vector<16xi32>
      %broadcast_in_dim3A_989 = arith.constant 0 : i32
      %broadcast_in_dim3A_990 = vector.broadcast %broadcast_in_dim3A_989 : i32 to vector<16xi32>
      %parallel_loop3A_991 = arith.constant 0 : i32
      %parallel_loop3A_992 = arith.constant 32 : i32
      %parallel_loop3A_993 = arith.constant 1 : i32
      scf.for %parallel_loop3A_1095 = %parallel_loop3A_991 to %parallel_loop3A_992 step %parallel_loop3A_993  : i32 {
        %parallel_loop3A_1096 = vector.broadcast %parallel_loop3A_1095 : i32 to vector<16xi32>
        %parallel_loop3A_1097 = arith.addi %parallel_loop3A_1096, %iota3A : vector<16xi32>
        %parallel_loop3A_1098 = arith.constant 31 : i32
        %parallel_loop3A_1099 = vector.broadcast %parallel_loop3A_1098 : i32 to vector<16xi32>
        %parallel_loop3A_1100 = arith.andi %parallel_loop3A_1097, %parallel_loop3A_1099 : vector<16xi32>
        %parallel_loop3A_1101 = vector.broadcast %mul3A_919 : i32 to vector<16xi32>
        %parallel_loop3A_1102 = arith.addi %parallel_loop3A_1100, %parallel_loop3A_1101 : vector<16xi32>
        %parallel_loop3A_1103 = arith.addi %parallel_loop3A_1102, %shift_left3A_988 : vector<16xi32>
        %parallel_loop3A_1104 = arith.constant 0 : i32
        %parallel_loop3A_1105 = vector.broadcast %parallel_loop3A_1104 : i32 to vector<16xi32>
        %parallel_loop3A_1106 = arith.addi %parallel_loop3A_1103, %parallel_loop3A_1105 : vector<16xi32>
        %parallel_loop3A_1107 = tpu.vector_load_idx %arg11[%broadcast_in_dim3A_990, %broadcast_in_dim3A_990, %broadcast_in_dim3A_990, %parallel_loop3A_1106] : memref<4x4x8x128xf32, #tpu.memory_space<vmem>>[vector<16xi32>, vector<16xi32>, vector<16xi32>, vector<16xi32>], vector<16xf32>,
        tpu.vector_store_idx %arg12[%parallel_loop3A_1100, %get3A_925], %parallel_loop3A_1107 : memref<32x1024xf32, #tpu.memory_space<vmem>>[vector<16xi32>, vector<16xi32>], vector<16xf32>,
        tpu.vector_store_idx %arg13[%parallel_loop3A_1100, %get3A_957], %parallel_loop3A_1107 : memref<32x1024xf32, #tpu.memory_space<vmem>>[vector<16xi32>, vector<16xi32>], vector<16xf32>,
        %parallel_loop3A_1108 = arith.constant 2048 : i32
        %parallel_loop3A_1109 = vector.broadcast %parallel_loop3A_1108 : i32 to vector<16xi32>
        %parallel_loop3A_1110 = arith.addi %parallel_loop3A_1103, %parallel_loop3A_1109 : vector<16xi32>
        %parallel_loop3A_1111 = tpu.vector_load_idx %arg11[%broadcast_in_dim3A_990, %broadcast_in_dim3A_990, %broadcast_in_dim3A_990, %parallel_loop3A_1110] : memref<4x4x8x128xf32, #tpu.memory_space<vmem>>[vector<16xi32>, vector<16xi32>, vector<16xi32>, vector<16xi32>], vector<16xf32>,
        tpu.vector_store_idx %arg12[%parallel_loop3A_1100, %get3A_929], %parallel_loop3A_1111 : memref<32x1024xf32, #tpu.memory_space<vmem>>[vector<16xi32>, vector<16xi32>], vector<16xf32>,
        tpu.vector_store_idx %arg13[%parallel_loop3A_1100, %get3A_961], %parallel_loop3A_1111 : memref<32x1024xf32, #tpu.memory_space<vmem>>[vector<16xi32>, vector<16xi32>], vector<16xf32>,
        %parallel_loop3A_1112 = arith.constant 4096 : i32
        %parallel_loop3A_1113 = vector.broadcast %parallel_loop3A_1112 : i32 to vector<16xi32>
        %parallel_loop3A_1114 = arith.addi %parallel_loop3A_1103, %parallel_loop3A_1113 : vector<16xi32>
        %parallel_loop3A_1115 = tpu.vector_load_idx %arg11[%broadcast_in_dim3A_990, %broadcast_in_dim3A_990, %broadcast_in_dim3A_990, %parallel_loop3A_1114] : memref<4x4x8x128xf32, #tpu.memory_space<vmem>>[vector<16xi32>, vector<16xi32>, vector<16xi32>, vector<16xi32>], vector<16xf32>,
        tpu.vector_store_idx %arg12[%parallel_loop3A_1100, %get3A_933], %parallel_loop3A_1115 : memref<32x1024xf32, #tpu.memory_space<vmem>>[vector<16xi32>, vector<16xi32>], vector<16xf32>,
        tpu.vector_store_idx %arg13[%parallel_loop3A_1100, %get3A_965], %parallel_loop3A_1115 : memref<32x1024xf32, #tpu.memory_space<vmem>>[vector<16xi32>, vector<16xi32>], vector<16xf32>,
        %parallel_loop3A_1116 = arith.constant 6144 : i32
        %parallel_loop3A_1117 = vector.broadcast %parallel_loop3A_1116 : i32 to vector<16xi32>
        %parallel_loop3A_1118 = arith.addi %parallel_loop3A_1103, %parallel_loop3A_1117 : vector<16xi32>
        %parallel_loop3A_1119 = tpu.vector_load_idx %arg11[%broadcast_in_dim3A_990, %broadcast_in_dim3A_990, %broadcast_in_dim3A_990, %parallel_loop3A_1118] : memref<4x4x8x128xf32, #tpu.memory_space<vmem>>[vector<16xi32>, vector<16xi32>, vector<16xi32>, vector<16xi32>], vector<16xf32>,
        tpu.vector_store_idx %arg12[%parallel_loop3A_1100, %get3A_937], %parallel_loop3A_1119 : memref<32x1024xf32, #tpu.memory_space<vmem>>[vector<16xi32>, vector<16xi32>], vector<16xf32>,
        tpu.vector_store_idx %arg13[%parallel_loop3A_1100, %get3A_969], %parallel_loop3A_1119 : memref<32x1024xf32, #tpu.memory_space<vmem>>[vector<16xi32>, vector<16xi32>], vector<16xf32>,
        %parallel_loop3A_1120 = arith.constant 8192 : i32
        %parallel_loop3A_1121 = vector.broadcast %parallel_loop3A_1120 : i32 to vector<16xi32>
        %parallel_loop3A_1122 = arith.addi %parallel_loop3A_1103, %parallel_loop3A_1121 : vector<16xi32>
        %parallel_loop3A_1123 = tpu.vector_load_idx %arg11[%broadcast_in_dim3A_990, %broadcast_in_dim3A_990, %broadcast_in_dim3A_990, %parallel_loop3A_1122] : memref<4x4x8x128xf32, #tpu.memory_space<vmem>>[vector<16xi32>, vector<16xi32>, vector<16xi32>, vector<16xi32>], vector<16xf32>,
        tpu.vector_store_idx %arg12[%parallel_loop3A_1100, %get3A_941], %parallel_loop3A_1123 : memref<32x1024xf32, #tpu.memory_space<vmem>>[vector<16xi32>, vector<16xi32>], vector<16xf32>,
        tpu.vector_store_idx %arg13[%parallel_loop3A_1100, %get3A_973], %parallel_loop3A_1123 : memref<32x1024xf32, #tpu.memory_space<vmem>>[vector<16xi32>, vector<16xi32>], vector<16xf32>,
        %parallel_loop3A_1124 = arith.constant 10240 : i32
        %parallel_loop3A_1125 = vector.broadcast %parallel_loop3A_1124 : i32 to vector<16xi32>
        %parallel_loop3A_1126 = arith.addi %parallel_loop3A_1103, %parallel_loop3A_1125 : vector<16xi32>
        %parallel_loop3A_1127 = tpu.vector_load_idx %arg11[%broadcast_in_dim3A_990, %broadcast_in_dim3A_990, %broadcast_in_dim3A_990, %parallel_loop3A_1126] : memref<4x4x8x128xf32, #tpu.memory_space<vmem>>[vector<16xi32>, vector<16xi32>, vector<16xi32>, vector<16xi32>], vector<16xf32>,
        tpu.vector_store_idx %arg12[%parallel_loop3A_1100, %get3A_945], %parallel_loop3A_1127 : memref<32x1024xf32, #tpu.memory_space<vmem>>[vector<16xi32>, vector<16xi32>], vector<16xf32>,
        tpu.vector_store_idx %arg13[%parallel_loop3A_1100, %get3A_977], %parallel_loop3A_1127 : memref<32x1024xf32, #tpu.memory_space<vmem>>[vector<16xi32>, vector<16xi32>], vector<16xf32>,
        %parallel_loop3A_1128 = arith.constant 12288 : i32
        %parallel_loop3A_1129 = vector.broadcast %parallel_loop3A_1128 : i32 to vector<16xi32>
        %parallel_loop3A_1130 = arith.addi %parallel_loop3A_1103, %parallel_loop3A_1129 : vector<16xi32>
        %parallel_loop3A_1131 = tpu.vector_load_idx %arg11[%broadcast_in_dim3A_990, %broadcast_in_dim3A_990, %broadcast_in_dim3A_990, %parallel_loop3A_1130] : memref<4x4x8x128xf32, #tpu.memory_space<vmem>>[vector<16xi32>, vector<16xi32>, vector<16xi32>, vector<16xi32>], vector<16xf32>,
        tpu.vector_store_idx %arg12[%parallel_loop3A_1100, %get3A_949], %parallel_loop3A_1131 : memref<32x1024xf32, #tpu.memory_space<vmem>>[vector<16xi32>, vector<16xi32>], vector<16xf32>,
        tpu.vector_store_idx %arg13[%parallel_loop3A_1100, %get3A_981], %parallel_loop3A_1131 : memref<32x1024xf32, #tpu.memory_space<vmem>>[vector<16xi32>, vector<16xi32>], vector<16xf32>,
        %parallel_loop3A_1132 = arith.constant 14336 : i32
        %parallel_loop3A_1133 = vector.broadcast %parallel_loop3A_1132 : i32 to vector<16xi32>
        %parallel_loop3A_1134 = arith.addi %parallel_loop3A_1103, %parallel_loop3A_1133 : vector<16xi32>
        %parallel_loop3A_1135 = tpu.vector_load_idx %arg11[%broadcast_in_dim3A_990, %broadcast_in_dim3A_990, %broadcast_in_dim3A_990, %parallel_loop3A_1134] : memref<4x4x8x128xf32, #tpu.memory_space<vmem>>[vector<16xi32>, vector<16xi32>, vector<16xi32>, vector<16xi32>], vector<16xf32>,
        tpu.vector_store_idx %arg12[%parallel_loop3A_1100, %get3A_953], %parallel_loop3A_1135 : memref<32x1024xf32, #tpu.memory_space<vmem>>[vector<16xi32>, vector<16xi32>], vector<16xf32>,
        tpu.vector_store_idx %arg13[%parallel_loop3A_1100, %get3A_985], %parallel_loop3A_1135 : memref<32x1024xf32, #tpu.memory_space<vmem>>[vector<16xi32>, vector<16xi32>], vector<16xf32>,
      } {sc.loop_unroll_factor = 1 : i64, sc.parallel_access}
      %add3A_994 = arith.constant 3 : i32
      %add3A_995 = arith.addi %add3A_824, %add3A_994 : i32
      %min3A_996 = arith.constant 191 : i32
      %min3A_997 = arith.minsi %add3A_995, %min3A_996 : i32
      %jit3A_998 = arith.constant 8 : i32
      %div3A_999 = arith.divsi %min3A_997, %jit3A_998 : i32
      %sign3A_1000 = arith.constant 0 : i32
      %sign3A_1001 = arith.cmpi sgt, %min3A_997, %sign3A_1000 : i32
      %sign3A_1002 = arith.extui %sign3A_1001 : i1 to i32
      %sign3A_1003 = arith.constant 0 : i32
      %sign3A_1004 = arith.cmpi slt, %min3A_997, %sign3A_1003 : i32
      %sign3A_1005 = arith.extui %sign3A_1004 : i1 to i32
      %sign3A_1006 = arith.subi %sign3A_1002, %sign3A_1005 : i32
      %sign3A_1007 = arith.constant 0 : i32
      %sign3A_1008 = arith.cmpi sgt, %jit3A_998, %sign3A_1007 : i32
      %sign3A_1009 = arith.extui %sign3A_1008 : i1 to i32
      %sign3A_1010 = arith.constant 0 : i32
      %sign3A_1011 = arith.cmpi slt, %jit3A_998, %sign3A_1010 : i32
      %sign3A_1012 = arith.extui %sign3A_1011 : i1 to i32
      %sign3A_1013 = arith.subi %sign3A_1009, %sign3A_1012 : i32
      %ne3A_1014 = arith.cmpi ne, %sign3A_1006, %sign3A_1013 : i32
      %rem3A_1015 = arith.remsi %min3A_997, %jit3A_998 : i32
      %ne3A_1016 = arith.constant 0 : i32
      %ne3A_1017 = arith.cmpi ne, %rem3A_1015, %ne3A_1016 : i32
      %and3A_1018 = arith.andi %ne3A_1014, %ne3A_1017 : i1
      %sub3A_1019 = arith.constant 1 : i32
      %sub3A_1020 = arith.subi %div3A_999, %sub3A_1019 : i32
      %select_n3A_1021 = arith.select %and3A_1018, %sub3A_1020, %div3A_999 : i32
      %jit3A_1022 = arith.constant 8 : i32
      %eq3A_1023 = arith.constant 0 : i32
      %eq3A_1024 = arith.cmpi eq, %jit3A_1022, %eq3A_1023 : i32
      %jit3A_1025 = arith.constant 1 : i32
      %select_n3A_1026 = arith.select %eq3A_1024, %jit3A_1025, %jit3A_1022 : i32
      %rem3A_1027 = arith.remsi %min3A_997, %select_n3A_1026 : i32
      %ne3A_1028 = arith.constant 0 : i32
      %ne3A_1029 = arith.cmpi ne, %rem3A_1027, %ne3A_1028 : i32
      %lt3A_1030 = arith.constant 0 : i32
      %lt3A_1031 = arith.cmpi slt, %rem3A_1027, %lt3A_1030 : i32
      %lt3A_1032 = arith.constant 0 : i32
      %lt3A_1033 = arith.cmpi slt, %select_n3A_1026, %lt3A_1032 : i32
      %ne3A_1034 = arith.xori %lt3A_1031, %lt3A_1033 : i1
      %and3A_1035 = arith.andi %ne3A_1034, %ne3A_1029 : i1
      %add3A_1036 = arith.addi %rem3A_1027, %select_n3A_1026 : i32
      %select_n3A_1037 = arith.select %and3A_1035, %add3A_1036, %rem3A_1027 : i32
      %mul3A_1038 = arith.constant 4 : i32
      %mul3A_1039 = arith.muli %select_n3A_1037, %mul3A_1038 : i32
      %jit3A_1040 = arith.constant 4 : i32
      %div3A_1041 = arith.divsi %select_n3A_1021, %jit3A_1040 : i32
      %sign3A_1042 = arith.constant 0 : i32
      %sign3A_1043 = arith.cmpi sgt, %select_n3A_1021, %sign3A_1042 : i32
      %sign3A_1044 = arith.extui %sign3A_1043 : i1 to i32
      %sign3A_1045 = arith.constant 0 : i32
      %sign3A_1046 = arith.cmpi slt, %select_n3A_1021, %sign3A_1045 : i32
      %sign3A_1047 = arith.extui %sign3A_1046 : i1 to i32
      %sign3A_1048 = arith.subi %sign3A_1044, %sign3A_1047 : i32
      %sign3A_1049 = arith.constant 0 : i32
      %sign3A_1050 = arith.cmpi sgt, %jit3A_1040, %sign3A_1049 : i32
      %sign3A_1051 = arith.extui %sign3A_1050 : i1 to i32
      %sign3A_1052 = arith.constant 0 : i32
      %sign3A_1053 = arith.cmpi slt, %jit3A_1040, %sign3A_1052 : i32
      %sign3A_1054 = arith.extui %sign3A_1053 : i1 to i32
      %sign3A_1055 = arith.subi %sign3A_1051, %sign3A_1054 : i32
      %ne3A_1056 = arith.cmpi ne, %sign3A_1048, %sign3A_1055 : i32
      %rem3A_1057 = arith.remsi %select_n3A_1021, %jit3A_1040 : i32
      %ne3A_1058 = arith.constant 0 : i32
      %ne3A_1059 = arith.cmpi ne, %rem3A_1057, %ne3A_1058 : i32
      %and3A_1060 = arith.andi %ne3A_1056, %ne3A_1059 : i1
      %sub3A_1061 = arith.constant 1 : i32
      %sub3A_1062 = arith.subi %div3A_1041, %sub3A_1061 : i32
      %select_n3A_1063 = arith.select %and3A_1060, %sub3A_1062, %div3A_1041 : i32
      %dma_start3A_1064 = arith.constant 0 : i32
      %dma_start3A_1065 = arith.constant 0 : i32
      %dma_start3A_1066 = arith.constant 0 : i32
      %dma_start3A_1067 = tpu.memref_slice %arg2[%add3A, %mul3A_1039, %dma_start3A_1064, %select_n3A_1063, %dma_start3A_1065, %dma_start3A_1066] : memref<32x32x4x6x8x128xf32, #tpu.memory_space<hbm>> -> memref<1x4x4x1x8x128xf32, #tpu.memory_space<hbm>>
      %dma_start3A_1068 = tpu.memref_squeeze %dma_start3A_1067 : memref<1x4x4x1x8x128xf32, #tpu.memory_space<hbm>> -> memref<4x4x8x128xf32, #tpu.memory_space<hbm>>
      %dma_start3A_1069 = arith.constant 0 : i32
      %dma_start3A_1070 = arith.constant 0 : i32
      %dma_start3A_1071 = arith.constant 0 : i32
      %dma_start3A_1072 = tpu.memref_slice %arg2[%add3A, %mul3A_1039, %dma_start3A_1069, %select_n3A_1063, %dma_start3A_1070, %dma_start3A_1071] : memref<32x32x4x6x8x128xf32, #tpu.memory_space<hbm>> -> memref<1x4x4x1x8x128xf32, #tpu.memory_space<hbm>>
      %dma_start3A_1073 = tpu.memref_squeeze %dma_start3A_1072 : memref<1x4x4x1x8x128xf32, #tpu.memory_space<hbm>> -> memref<4x4x8x128xf32, #tpu.memory_space<hbm>>
      tpu.enqueue_dma source(%dma_start3A_1073 : memref<4x4x8x128xf32, #tpu.memory_space<hbm>>) target(%arg11 : memref<4x4x8x128xf32, #tpu.memory_space<vmem>>) target_semaphore(%arg16 : memref<!tpu.dma_semaphore, #tpu.memory_space<semaphore_mem>>)
      %jit3A_1074 = arith.constant 8 : i32
      %eq3A_1075 = arith.constant 0 : i32
      %eq3A_1076 = arith.cmpi eq, %jit3A_1074, %eq3A_1075 : i32
      %jit3A_1077 = arith.constant 1 : i32
      %select_n3A_1078 = arith.select %eq3A_1076, %jit3A_1077, %jit3A_1074 : i32
      %rem3A_1079 = arith.remsi %add3A_824, %select_n3A_1078 : i32
      %ne3A_1080 = arith.constant 0 : i32
      %ne3A_1081 = arith.cmpi ne, %rem3A_1079, %ne3A_1080 : i32
      %lt3A_1082 = arith.constant 0 : i32
      %lt3A_1083 = arith.cmpi slt, %rem3A_1079, %lt3A_1082 : i32
      %lt3A_1084 = arith.constant 0 : i32
      %lt3A_1085 = arith.cmpi slt, %select_n3A_1078, %lt3A_1084 : i32
      %ne3A_1086 = arith.xori %lt3A_1083, %lt3A_1085 : i1
      %and3A_1087 = arith.andi %ne3A_1086, %ne3A_1081 : i1
      %add3A_1088 = arith.addi %rem3A_1079, %select_n3A_1078 : i32
      %select_n3A_1089 = arith.select %and3A_1087, %add3A_1088, %rem3A_1079 : i32
      %eq3A_1090 = arith.constant 7 : i32
      %eq3A_1091 = arith.cmpi eq, %select_n3A_1089, %eq3A_1090 : i32
      %convert_element_type3A_1092 = arith.extui %eq3A_1091 : i1 to i32
      %cond3A_1093 = arith.constant 0 : i32
      %cond3A_1094 = arith.cmpi ne, %convert_element_type3A_1092, %cond3A_1093 : i32
      scf.if %cond3A_1094 {
        %jit3A_1095 = arith.constant 8 : i32
        %div3A_1096 = arith.divsi %add3A_824, %jit3A_1095 : i32
        %sign3A_1097 = arith.constant 0 : i32
        %sign3A_1098 = arith.cmpi sgt, %add3A_824, %sign3A_1097 : i32
        %sign3A_1099 = arith.extui %sign3A_1098 : i1 to i32
        %sign3A_1100 = arith.constant 0 : i32
        %sign3A_1101 = arith.cmpi slt, %add3A_824, %sign3A_1100 : i32
        %sign3A_1102 = arith.extui %sign3A_1101 : i1 to i32
        %sign3A_1103 = arith.subi %sign3A_1099, %sign3A_1102 : i32
        %sign3A_1104 = arith.constant 0 : i32
        %sign3A_1105 = arith.cmpi sgt, %jit3A_1095, %sign3A_1104 : i32
        %sign3A_1106 = arith.extui %sign3A_1105 : i1 to i32
        %sign3A_1107 = arith.constant 0 : i32
        %sign3A_1108 = arith.cmpi slt, %jit3A_1095, %sign3A_1107 : i32
        %sign3A_1109 = arith.extui %sign3A_1108 : i1 to i32
        %sign3A_1110 = arith.subi %sign3A_1106, %sign3A_1109 : i32
        %ne3A_1111 = arith.cmpi ne, %sign3A_1103, %sign3A_1110 : i32
        %rem3A_1112 = arith.remsi %add3A_824, %jit3A_1095 : i32
        %ne3A_1113 = arith.constant 0 : i32
        %ne3A_1114 = arith.cmpi ne, %rem3A_1112, %ne3A_1113 : i32
        %and3A_1115 = arith.andi %ne3A_1111, %ne3A_1114 : i1
        %sub3A_1116 = arith.constant 1 : i32
        %sub3A_1117 = arith.subi %div3A_1096, %sub3A_1116 : i32
        %select_n3A_1118 = arith.select %and3A_1115, %sub3A_1117, %div3A_1096 : i32
        %mul3A_1119 = arith.constant 768 : i32
        %mul3A_1120 = arith.muli %add3A, %mul3A_1119 : i32
        %mul3A_1121 = arith.constant 32 : i32
        %mul3A_1122 = arith.muli %select_n3A_1118, %mul3A_1121 : i32
        %add3A_1123 = arith.addi %mul3A_1120, %mul3A_1122 : i32
        %dma_start3A_1124 = arith.constant 0 : i32
        %dma_start3A_1125 = tpu.memref_slice %arg5[%add3A_1123, %dma_start3A_1124] : memref<24576x1024xf32, #tpu.memory_space<hbm>> -> memref<32x1024xf32, #tpu.memory_space<hbm>>
        %dma_start3A_1126 = arith.constant 0 : i32
        %dma_start3A_1127 = tpu.memref_slice %arg5[%add3A_1123, %dma_start3A_1126] : memref<24576x1024xf32, #tpu.memory_space<hbm>> -> memref<32x1024xf32, #tpu.memory_space<hbm>>
        tpu.enqueue_dma source(%arg12 : memref<32x1024xf32, #tpu.memory_space<vmem>>) target(%dma_start3A_1127 : memref<32x1024xf32, #tpu.memory_space<hbm>>) target_semaphore(%arg17 : memref<!tpu.dma_semaphore, #tpu.memory_space<semaphore_mem>>)
        %dma_start3A_1128 = arith.constant 0 : i32
        %dma_start3A_1129 = tpu.memref_slice %arg6[%add3A_1123, %dma_start3A_1128] : memref<24576x1024xf32, #tpu.memory_space<hbm>> -> memref<32x1024xf32, #tpu.memory_space<hbm>>
        %dma_start3A_1130 = arith.constant 0 : i32
        %dma_start3A_1131 = tpu.memref_slice %arg6[%add3A_1123, %dma_start3A_1130] : memref<24576x1024xf32, #tpu.memory_space<hbm>> -> memref<32x1024xf32, #tpu.memory_space<hbm>>
        tpu.enqueue_dma source(%arg13 : memref<32x1024xf32, #tpu.memory_space<vmem>>) target(%dma_start3A_1131 : memref<32x1024xf32, #tpu.memory_space<hbm>>) target_semaphore(%arg18 : memref<!tpu.dma_semaphore, #tpu.memory_space<semaphore_mem>>)
      } else {
      }
    }
    %scan3A_230 = arith.constant 64 : i32
    %dma_wait3A = arith.constant 0 : i32
    %dma_wait3A_231 = arith.constant 0 : i32
    %dma_wait3A_232 = arith.constant 0 : i32
    %dma_wait3A_233 = arith.constant 0 : i32
    %dma_wait3A_234 = arith.constant 0 : i32
    %dma_wait3A_235 = tpu.memref_slice %arg2[%add3A, %dma_wait3A_231, %dma_wait3A_232, %dma_wait3A, %dma_wait3A_233, %dma_wait3A_234] : memref<32x32x4x6x8x128xf32, #tpu.memory_space<hbm>> -> memref<1x4x4x1x8x128xf32, #tpu.memory_space<hbm>>
    %dma_wait3A_236 = tpu.memref_squeeze %dma_wait3A_235 : memref<1x4x4x1x8x128xf32, #tpu.memory_space<hbm>> -> memref<4x4x8x128xf32, #tpu.memory_space<hbm>>
    %dma_wait3A_237 = arith.constant 0 : i32
    %dma_wait3A_238 = arith.constant 0 : i32
    %dma_wait3A_239 = arith.constant 0 : i32
    %dma_wait3A_240 = arith.constant 0 : i32
    %dma_wait3A_241 = tpu.memref_slice %arg2[%add3A, %dma_wait3A_237, %dma_wait3A_238, %dma_wait3A, %dma_wait3A_239, %dma_wait3A_240] : memref<32x32x4x6x8x128xf32, #tpu.memory_space<hbm>> -> memref<1x4x4x1x8x128xf32, #tpu.memory_space<hbm>>
    %dma_wait3A_242 = tpu.memref_squeeze %dma_wait3A_241 : memref<1x4x4x1x8x128xf32, #tpu.memory_space<hbm>> -> memref<4x4x8x128xf32, #tpu.memory_space<hbm>>
    tpu.wait_dma2 semaphore(%arg14 : memref<!tpu.dma_semaphore, #tpu.memory_space<semaphore_mem>>) src(%dma_wait3A_242 : memref<4x4x8x128xf32, #tpu.memory_space<hbm>>) dst(%arg9 : memref<4x4x8x128xf32, #tpu.memory_space<vmem>>)
    %dma_wait3A_243 = arith.constant 0 : i32
    %dma_wait3A_244 = arith.constant 0 : i32
    %dma_wait3A_245 = arith.constant 0 : i32
    %dma_wait3A_246 = arith.constant 0 : i32
    %dma_wait3A_247 = arith.constant 0 : i32
    %dma_wait3A_248 = tpu.memref_slice %arg2[%add3A, %dma_wait3A_244, %dma_wait3A_245, %dma_wait3A_243, %dma_wait3A_246, %dma_wait3A_247] : memref<32x32x4x6x8x128xf32, #tpu.memory_space<hbm>> -> memref<1x4x4x1x8x128xf32, #tpu.memory_space<hbm>>
    %dma_wait3A_249 = tpu.memref_squeeze %dma_wait3A_248 : memref<1x4x4x1x8x128xf32, #tpu.memory_space<hbm>> -> memref<4x4x8x128xf32, #tpu.memory_space<hbm>>
    %dma_wait3A_250 = arith.constant 0 : i32
    %dma_wait3A_251 = arith.constant 0 : i32
    %dma_wait3A_252 = arith.constant 0 : i32
    %dma_wait3A_253 = arith.constant 0 : i32
    %dma_wait3A_254 = tpu.memref_slice %arg2[%add3A, %dma_wait3A_250, %dma_wait3A_251, %dma_wait3A_243, %dma_wait3A_252, %dma_wait3A_253] : memref<32x32x4x6x8x128xf32, #tpu.memory_space<hbm>> -> memref<1x4x4x1x8x128xf32, #tpu.memory_space<hbm>>
    %dma_wait3A_255 = tpu.memref_squeeze %dma_wait3A_254 : memref<1x4x4x1x8x128xf32, #tpu.memory_space<hbm>> -> memref<4x4x8x128xf32, #tpu.memory_space<hbm>>
    tpu.wait_dma2 semaphore(%arg15 : memref<!tpu.dma_semaphore, #tpu.memory_space<semaphore_mem>>) src(%dma_wait3A_255 : memref<4x4x8x128xf32, #tpu.memory_space<hbm>>) dst(%arg10 : memref<4x4x8x128xf32, #tpu.memory_space<vmem>>)
    %dma_wait3A_256 = arith.constant 0 : i32
    %dma_wait3A_257 = arith.constant 0 : i32
    %dma_wait3A_258 = arith.constant 0 : i32
    %dma_wait3A_259 = arith.constant 0 : i32
    %dma_wait3A_260 = arith.constant 0 : i32
    %dma_wait3A_261 = tpu.memref_slice %arg2[%add3A, %dma_wait3A_257, %dma_wait3A_258, %dma_wait3A_256, %dma_wait3A_259, %dma_wait3A_260] : memref<32x32x4x6x8x128xf32, #tpu.memory_space<hbm>> -> memref<1x4x4x1x8x128xf32, #tpu.memory_space<hbm>>
    %dma_wait3A_262 = tpu.memref_squeeze %dma_wait3A_261 : memref<1x4x4x1x8x128xf32, #tpu.memory_space<hbm>> -> memref<4x4x8x128xf32, #tpu.memory_space<hbm>>
    %dma_wait3A_263 = arith.constant 0 : i32
    %dma_wait3A_264 = arith.constant 0 : i32
    %dma_wait3A_265 = arith.constant 0 : i32
    %dma_wait3A_266 = arith.constant 0 : i32
    %dma_wait3A_267 = tpu.memref_slice %arg2[%add3A, %dma_wait3A_263, %dma_wait3A_264, %dma_wait3A_256, %dma_wait3A_265, %dma_wait3A_266] : memref<32x32x4x6x8x128xf32, #tpu.memory_space<hbm>> -> memref<1x4x4x1x8x128xf32, #tpu.memory_space<hbm>>
    %dma_wait3A_268 = tpu.memref_squeeze %dma_wait3A_267 : memref<1x4x4x1x8x128xf32, #tpu.memory_space<hbm>> -> memref<4x4x8x128xf32, #tpu.memory_space<hbm>>
    tpu.wait_dma2 semaphore(%arg16 : memref<!tpu.dma_semaphore, #tpu.memory_space<semaphore_mem>>) src(%dma_wait3A_268 : memref<4x4x8x128xf32, #tpu.memory_space<hbm>>) dst(%arg11 : memref<4x4x8x128xf32, #tpu.memory_space<vmem>>)
    %dma_wait3A_269 = arith.constant 0 : i32
    %dma_wait3A_270 = arith.constant 0 : i32
    %dma_wait3A_271 = tpu.memref_slice %arg5[%dma_wait3A_269, %dma_wait3A_270] : memref<24576x1024xf32, #tpu.memory_space<hbm>> -> memref<32x1024xf32, #tpu.memory_space<hbm>>
    %dma_wait3A_272 = arith.constant 0 : i32
    %dma_wait3A_273 = arith.constant 0 : i32
    %dma_wait3A_274 = tpu.memref_slice %arg5[%dma_wait3A_272, %dma_wait3A_273] : memref<24576x1024xf32, #tpu.memory_space<hbm>> -> memref<32x1024xf32, #tpu.memory_space<hbm>>
    tpu.wait_dma2 semaphore(%arg17 : memref<!tpu.dma_semaphore, #tpu.memory_space<semaphore_mem>>) src(%arg12 : memref<32x1024xf32, #tpu.memory_space<vmem>>) dst(%dma_wait3A_274 : memref<32x1024xf32, #tpu.memory_space<hbm>>)
    %dma_wait3A_275 = arith.constant 0 : i32
    %dma_wait3A_276 = arith.constant 0 : i32
    %dma_wait3A_277 = tpu.memref_slice %arg6[%dma_wait3A_275, %dma_wait3A_276] : memref<24576x1024xf32, #tpu.memory_space<hbm>> -> memref<32x1024xf32, #tpu.memory_space<hbm>>
    %dma_wait3A_278 = arith.constant 0 : i32
    %dma_wait3A_279 = arith.constant 0 : i32
    %dma_wait3A_280 = tpu.memref_slice %arg6[%dma_wait3A_278, %dma_wait3A_279] : memref<24576x1024xf32, #tpu.memory_space<hbm>> -> memref<32x1024xf32, #tpu.memory_space<hbm>>
    tpu.wait_dma2 semaphore(%arg18 : memref<!tpu.dma_semaphore, #tpu.memory_space<semaphore_mem>>) src(%arg13 : memref<32x1024xf32, #tpu.memory_space<vmem>>) dst(%dma_wait3A_280 : memref<32x1024xf32, #tpu.memory_space<hbm>>)
    return
  }
}

</mosaic_0001>

<sc_bundles>
// kernel: _diag_scan.3.cloned.1.call-start
scs
__scs_entry_jumppad:
0x0: {  	(pc) =	sbr.rel $0x88, $3  }
0x1: {  	(tag) =	ssettag $0x0;
	lr =	simm.s32 $0x1  }
0x2: {  	[smem:$0x3F9E] =	sst lr;
	_ =	strace $0xD0000000  }
0x3: {  	_ = 	snop  }
0x4: {  	_ = 	snop  }
0x5: {  	_ = 	snop  }
0x6: {  	_ = 	snop  }
0x7: {  	_ = 	snop  }
__scs_overlays_trampoline_lowered:
0x8: {  	[smem:$0x3FAD] =	sst s0  }
0x9: {  	[smem:$0x3FAE] =	sst s1  }
0xa: {  	[smem:$0x3FAF] =	sst s2  }
0xb: {  	[smem:$0x3FB0] =	sst s3  }
0xc: {  	[smem:$0x3FB1] =	sst s4  }
0xd: {  	[smem:$0x3FB2] =	sst s5  }
0xe: {  	[smem:$0x3FB3] =	sst s6  }
0xf: {  	[smem:$0x3FB4] =	sst s7  }
0x10: {  	[smem:$0x3FB5] =	sst s8  }
0x11: {  	[smem:$0x3FB6] =	sst s9;
	s0 =	simm.s32 @!p0 $0x0  }
0x12: {  	s1 =	sld [smem:$0x3F9C];
	s0 =	simm.s32 @p0 $0x1  }
0x13: {  	[smem:$0x3FB7] =	sst s0;
	s0 =	simm.s32 @!p1 $0x0  }
0x14: {  	s2 =	sld [smem:$0x3F9B];
	s0 =	simm.s32 @p1 $0x1  }
0x15: {  	[smem:$0x3FB8] =	sst s0;
	s0 =	simm.s32 @!p2 $0x0  }
0x16: {  	s3 =	sld [smem:$0x3FDB];
	s0 =	simm.s32 @p2 $0x1  }
0x17: {  	s4 =	simm.s32 $0x1BF5;
	[smem:$0x3FBA] =	sst s0  }
0x18: {  	s0 =	sld [smem:$0x3F9D];
	_ =	swait.ge [sflag:s4], $0x0  }
0x19: {  	s7 =	sld [smem:$0x3F9E]  }
0x1a: {  	s8 =	sadd.s32 $0xFFFFE003, lr  }
0x1b: {  	s9 =	sadd.s32 $0xFFFFFEF7, lr;
	s5 =	simm.s32 $0xFFFFFFFF;
	p2 =	slt.u32 s8, $0xFFFFF086  }
0x1c: {  	p1 =	slt.u32 s9, $0xF7A;
	s5 =	simm.s32 @!p2 $0x0  }
0x1d: {  	s5 =	simm.s32 @p1 $0x1;
	p0 =	seq.s32 s7, s2  }
0x1e: {  	s7 =	smul.u32 @!p0 $0xF7A, s2;
	p2 =	seq.s32 @!p0 s5, $0x0  }
0x1f: {  	s9 =	smul.u32 $0xF7A, s1;
	s8 =	simm.s32 @!p0 $0x1BF5;
	p2 =	por !p2, p0  }
0x20: {  	[sflag:s8] =	ssyncset.s32 @!p0 $0xFFFFF086;
	s6 =	sadd.s32 @!p0 s3, s7;
	s7 =	simm.s32 @!p0 $0x108  }
0x21: {  	s3 =	sadd.s32 s3, s9;
	s6 =	sadd.s32 @!p0 $0x88, s6;
	s7 =	simm.s32 @p2 $0x1082  }
0x22: {  	[simem:s7], [sflag:s8] =	dma.local @!p0 [hbm:s6], $0xF7A  }
0x23: {  	s9 =	sor.u32 $0xD0000000, s2;
	s6 =	simm.s32 $0x108;
	_ =	swait.ge @!p0 [sflag:s8], $0x0  }
0x24: {  	s3 =	sadd.s32 $0x88, s3;
	s6 =	simm.s32 @!p1 $0x1082;
	[sflag:s4] =	ssyncset.s32 $0xFFFFF086  }
0x25: {  	[simem:s6], [sflag:s4] =	dma.local [hbm:s3], $0xF7A  }
0x26: {  	[smem:$0x3F9E] =	sst s1;
	(tag) =	ssettag s2;
	_ =	strace s9  }
0x27: {  	s1 =	sld [smem:$0x3FAE]  }
0x28: {  	s2 =	sld [smem:$0x3FAF]  }
0x29: {  	s4 =	sld [smem:$0x3FB1]  }
0x2a: {  	p0 =	seq.s32 s5, $0x0;
	s5 =	sld [smem:$0x3FB2]  }
0x2b: {  	s6 =	sld [smem:$0x3FB3]  }
0x2c: {  	s7 =	sld [smem:$0x3FB4]  }
0x2d: {  	s3 =	simm.s32 $0x108;
	s8 =	sld [smem:$0x3FB5]  }
0x2e: {  	s3 =	simm.s32 @!p0 $0x1082;
	s9 =	sld [smem:$0x3FB6]  }
0x2f: {  	lr =	sadd.s32 s0, s3;
	s0 =	sld [smem:$0x3FAD]  }
0x30: {  	s3 =	sld [smem:$0x3FB0]  }
0x31: {  	[smem:$0x3FB9] =	sst s10  }
0x32: {  	s10 =	sld [smem:$0x3FB7];
	_ =	sdelay $0x3  }
0x33: {  	p0 =	seq.s32 s10, $0x1;
	s10 =	sld [smem:$0x3FB9];
	_ =	sdelay $0x3  }
0x34: {  	[smem:$0x3FB9] =	sst s10  }
0x35: {  	s10 =	sld [smem:$0x3FB8];
	_ =	sdelay $0x3  }
0x36: {  	p1 =	seq.s32 s10, $0x1;
	s10 =	sld [smem:$0x3FB9];
	_ =	sdelay $0x3  }
0x37: {  	[smem:$0x3FB9] =	sst s10  }
0x38: {  	s10 =	sld [smem:$0x3FBA]  }
0x39: {  	_ = 	snop;
	(pc) =	sbr.ind lr, $3  }
0x3a: {  	_ = 	snop  }
0x3b: {  	_ = 	snop  }
0x3c: {  	p2 =	seq.s32 s10, $0x1;
	s10 =	sld [smem:$0x3FB9]  }
0x3d: {  	_ =	shalt  }
0x3e: {  	_ =	shalt  }
0x3f: {  	_ =	shalt  }
0x40: {  	_ =	shalt  }
0x41: {  	_ =	shalt  }
0x42: {  	_ =	shalt  }
0x43: {  	_ =	shalt  }
0x44: {  	_ =	shalt  }
0x45: {  	_ =	shalt  }
0x46: {  	_ =	shalt  }
0x47: {  	_ =	shalt  }
0x48: {  	_ =	shalt  }
0x49: {  	_ =	shalt  }
0x4a: {  	_ =	shalt  }
0x4b: {  	_ =	shalt  }
0x4c: {  	_ =	shalt  }
0x4d: {  	_ =	shalt  }
0x4e: {  	_ =	shalt  }
0x4f: {  	_ =	shalt  }
0x50: {  	_ =	shalt  }
0x51: {  	_ =	shalt  }
0x52: {  	_ =	shalt  }
0x53: {  	_ =	shalt  }
0x54: {  	_ =	shalt  }
0x55: {  	_ =	shalt  }
0x56: {  	_ =	shalt  }
0x57: {  	_ =	shalt  }
0x58: {  	_ =	shalt  }
0x59: {  	_ =	shalt  }
0x5a: {  	_ =	shalt  }
0x5b: {  	_ =	shalt  }
0x5c: {  	_ =	shalt  }
0x5d: {  	_ =	shalt  }
0x5e: {  	_ =	shalt  }
0x5f: {  	_ =	shalt  }
0x60: {  	_ =	shalt  }
0x61: {  	_ =	shalt  }
0x62: {  	_ =	shalt  }
0x63: {  	_ =	shalt  }
0x64: {  	_ =	shalt  }
0x65: {  	_ =	shalt  }
0x66: {  	_ =	shalt  }
0x67: {  	_ =	shalt  }
0x68: {  	_ =	shalt  }
0x69: {  	_ =	shalt  }
0x6a: {  	_ =	shalt  }
0x6b: {  	_ =	shalt  }
0x6c: {  	_ =	shalt  }
0x6d: {  	_ =	shalt  }
0x6e: {  	_ =	shalt  }
0x6f: {  	_ =	shalt  }
0x70: {  	_ =	shalt  }
0x71: {  	_ =	shalt  }
0x72: {  	_ =	shalt  }
0x73: {  	_ =	shalt  }
0x74: {  	_ =	shalt  }
0x75: {  	_ =	shalt  }
0x76: {  	_ =	shalt  }
0x77: {  	_ =	shalt  }
0x78: {  	_ =	shalt  }
0x79: {  	_ =	shalt  }
0x7a: {  	_ =	shalt  }
0x7b: {  	_ =	shalt  }
0x7c: {  	_ =	shalt  }
0x7d: {  	_ =	shalt  }
0x7e: {  	_ =	shalt  }
0x7f: {  	_ =	shalt  }
0x80: {  	_ =	shalt  }
0x81: {  	_ =	shalt  }
0x82: {  	_ =	shalt  }
0x83: {  	_ =	shalt  }
0x84: {  	_ =	shalt  }
0x85: {  	_ =	shalt  }
0x86: {  	_ =	shalt  }
0x87: {  	_ =	shalt  }
.Lfunc_end0:
.L_simem_size_0:
called_computation_lowered:
.L_overlay_start_0:
0x88: {  	s2 =	sld [smem:$0x3FD9]  }
0x89: {  	s3 =	sld [smem:$0x3FFE];
	_ =	sdelay $0x1  }
0x8a: {  	s1 =	srdreg.scid  }
0x8b: {  	s0 =	sand.u32 $0x1, s1  }
0x8c: {  	s15 =	sshll.u32 s0, $0xA;
	s2 =	sadd.s32 s3, s2  }
0x8d: {  	s2 =	sadd.s32 s2, s15  }
0x8e: {  	[smem:$0x3FC5] =	sst s2  }
0x8f: {  	_ = 	snop  }
0x90: {  	s2 =	sld [smem:$0x3FD0]  }
0x91: {  	s16 =	sld [smem:$0x3FC9]  }
0x92: {  	s4 =	sld [smem:$0x3FC8]  }
0x93: {  	s6 =	simm.s32 $0xA;
	s7 =	simm.s32 $0x10;
	s5 =	sld [smem:$0x3FC7]  }
0x94: {  	[smem:s7], [sflag:s6] =	dma.local [hbm:s2], $0x1  }
0x95: {  	_ =	swait.eq [sflag:s6], $0x1  }
0x96: {  	[sflag:s6] =	ssyncset.done $0x0  }
0x97: {  	s17 =	sld [smem:$0x10];
	[sflag:s6] =	ssyncadd.s32 $0xFFFFFFFF  }
0x98: {  	s18 =	sld [smem:$0x11];
	(tm) =	ssettm $0x1  }
0x99: {  	s19 =	sld [smem:$0x3FFB];
	_ =	sdelay $0x3  }
0x9a: {  	_ =	strace s19  }
0x9b: {  	s7 =	sld [smem:$0x3FFC];
	_ =	sdelay $0x3  }
0x9c: {  	_ =	strace s7  }
0x9d: {  	s7 =	sld [smem:$0x3FFD];
	_ =	sdelay $0x3  }
0x9e: {  	_ =	strace s7  }
0x9f: {  	_ =	strace $0x8FFFFFFF  }
0xa0: {  	s20 =	sld [smem:$0x3FDB];
	_ =	sdelay $0x1  }
0xa1: {  	s8 =	simm.s32 $_scs_section_size  }
0xa2: {  	s9 =	simm.s32 $_size__tile_overlayer_lowered;
	s10 =	simm.s32 $_tile_overlayer_lowered  }
0xa3: {  	s23 =	simm.s32 $0x1BFF;
	s22 =	sshll.u32 s10, $0x1;
	s7 =	sadd.s32 s8, s20  }
0xa4: {  	s11 =	simm.s32 $0x0;
	s21 =	sshll.u32 s9, $0x1;
	s9 =	sadd.s32 s22, s7  }
0xa5: {  	[timem:s11], [sflag:s23] =	dma.local [hbm:s9], s21  }
0xa6: {  	_ =	swait.ge [sflag:s23], s21  }
0xa7: {  	s8 =	ssub.s32 $0x0, s21;
	[sflag:s23] =	ssyncset.done $0x0  }
0xa8: {  	[sflag:s23] =	ssyncadd.s32 s8;
	_ =	sdelay $0x1  }
0xa9: {  	s24 =	simm.s32 $0x1B8B  }
0xaa: {  	_ =	swait.ge [sflag:s24], $0x1  }
0xab: {  	[sflag:s24] =	ssyncset.done $0x0  }
0xac: {  	s25 =	simm.s32 $0x1B8E;
	[sflag:s24] =	ssyncadd.s32 $0xFFFFFFFF  }
0xad: {  	s26 =	simm.s32 $execute0_lowered;
	[smem:$0x3FD2] =	sst s25  }
0xae: {  	s8 =	sshll.u32 s26, $0x1;
	_ =	strace $0x80000046;
	[dreg:$0x1] =	wrdreg $0xFFFFFFFF  }
0xaf: {  	s28 =	simm.s32 $_size_execute0_lowered;
	s7 =	sadd.s32 s7, s8;
	[dreg:$0x0] =	wrdreg $0x0  }
0xb0: {  	s8 =	sshll.u32 s28, $0x1;
	[dreg:$0x2] =	wrdreg s7  }
0xb1: {  	[dreg:$0x3] =	wrdreg s8  }
0xb2: {  	[dreg:$0x4] =	wrdreg $0xC0  }
0xb3: {  	_ =	task [dreg:s11], $0x5FFFF  }
0xb4: {  	[dreg:$0x1] =	wrdreg $0xFFFFFFFF  }
0xb5: {  	[dreg:$0x0] =	wrdreg $0x60  }
0xb6: {  	[dreg:$0x2] =	wrdreg s16  }
0xb7: {  	[dreg:$0x3] =	wrdreg s4  }
0xb8: {  	[dreg:$0x4] =	wrdreg s5  }
0xb9: {  	[dreg:$0x5] =	wrdreg s17  }
0xba: {  	[dreg:$0x6] =	wrdreg s18  }
0xbb: {  	[dreg:$0x7] =	wrdreg $0x9  }
0xbc: {  	_ =	task.clear_ibuf [dreg:s11], $0x8FFFF;
	_ =	strace $0x90000046  }
0xbd: {  	s29 =	simm.s32 $0x9;
	_ =	strace $0x80000048  }
0xbe: {  	_ =	swait.ge [sflag:s29], $0x1  }
0xbf: {  	[sflag:s29] =	ssyncadd.s32 $0xFFFFFFFF  }
0xc0: {  	_ =	strace $0x90000048  }
0xc1: {  	_ =	sfence  }
0xc2: {  	s30 =	sld [smem:$0x0];
	_ =	sdelay $0x2  }
0xc3: {  	s31 =	sshll.u32 s1, $0xD;
	s1 =	sshrl.u32 s1, $0x2  }
0xc4: {  	s3 =	sand.u32 $0x4000, s31;
	s1 =	sadd.s32 s1, s30  }
0xc5: {  	s0 =	sor.u32 s3, s0;
	s1 =	sshll.u32 s1, $0x11  }
0xc6: {  	s0 =	sor.u32 s1, s0  }
0xc7: {  	s0 =	sadd.s32 $0x8F2B, s0  }
0xc8: {  	[sflag:s0] =	ssyncadd.remote.s32 $0x1  }
0xc9: {  	_ =	sfence.sel $0xFFFF  }
0xca: {  	[dreg:$0x0] =	wrdreg $0xFFFFFFFF;
	(pc) =	sbr.abs _section_cstart, $3  }
0xcb: {  	[dreg:$0x1] =	wrdreg $0xFFFFFFFF  }
0xcc: {  	_ =	task.clear_ibuf [dreg:s11], $0x2FFFF;
	_ =	strace $0x9FFFFFFF  }
0xcd: {  	(tm) =	ssettm $0x7FFFFFFF  }
tec
execute0_lowered:
.L_overlay_start_1:
0x0: {  	(tag) =	ssettag $0x1  }
0x1: {  	s1 =	rddreg [dreg:$0x0]  }
0x2: {  	s4 =	srdreg.scid;
	s3 =	rddreg [dreg:$0x2]  }
0x3: {  	s0 =	stileid.u32;
	s5 =	rddreg [dreg:$0x3]  }
0x4: {  	s8 =	simm.s32 $0x0;
	s13 =	simm.s32 $0x6;
	s14 =	simm.s32 $0x400  }
0x5: {  	s15 =	simm.s32 $0x1800;
	s16 =	simm.s32 $0x800;
	s17 =	simm.s32 $0x4800  }
0x6: {  	s18 =	simm.s32 $0x8800;
	s19 =	simm.s32 $0x1;
	s20 =	simm.s32 $0xC800  }
0x7: {  	s21 =	simm.s32 $0x14800;
	s4 =	sand.u32 $0x1, s4;
	s6 =	sshll.u32 s0, $0x1  }
0x8: {  	v0 =	vlaneseq.u32;
	s22 =	simm.s32 $0x2;
	s23 =	simm.s32 $0x3;
	s7 =	sor.u32 s4, s6  }
0x9: {  	s24 =	simm.s32 $0x4;
	s25 =	simm.s32 $0x5;
	v1 =	vmul.u32 $0x80, v0;
	s7 =	smul.u32 $0xC0000, s7  }
0xa: {  	s26 =	simm.s32 $0x0;
	[smem:$0x7FF] =	sst s8;
	s4 =	ssub.s32 $0x2, s4  }
0xb: {  	s6 =	rddreg [dreg:$0x4];
	s10 =	sshrl.u32 s4, $0x1;
	v2 =	vor.u32 $0x800, v1;
	s9 =	sshrl.u32 s7, $0x3  }
0xc: {  	_ =	strace $0x80000047;
	v3 =	vor.u32 $0x1000, v1;
	v4 =	vor.u32 $0x1800, v1;
	v5 =	vor.u32 $0x2000, v1;
	s4 =	ssub.s32 s4, s10;
	s9 =	sadd.s32 s1, s9  }
0xd: {  	v6 =	vor.u32 $0x2800, v1;
	v7 =	vor.u32 $0x3000, v1;
	v8 =	vor.u32 $0x3800, v1;
	s12 =	smax.u32 s4, $0x1;
	s10 =	sadd.s32 $0x3000, s9;
	s11 =	sadd.s32 $0x6000, s9  }
.LBB2_1:
0xe: {  	s0 =	rddreg [dreg:$0x1]  }
0xf: {  	[tilespmem:s8], [sflag:$0x6] =	stream.linear.gather [hbm4b:s0+s8], $0x400, $0x38;
	[tilespmem:$0x1C800] =	vst v63  }
0x10: {  	_ =	swait.ge [sflag:s13], $0x400  }
0x11: {  	[sflag:s13] =	ssyncset.done $0x0  }
0x12: {  	[sflag:s13] =	ssyncadd.s32 $0xFFFFFC00  }
0x13: {  	[tilespmem:s14], [sflag:$0x6] =	stream.linear.gather [hbm4b:s3+s8], $0x400, $0x38;
	[tilespmem:$0x1C800] =	vst v63  }
0x14: {  	_ =	swait.ge [sflag:s13], $0x400  }
0x15: {  	[sflag:s13] =	ssyncset.done $0x0  }
0x16: {  	[sflag:s13] =	ssyncadd.s32 $0xFFFFFC00  }
0x17: {  	[tilespmem:s16], [sflag:$0x1] =	stream.strided.gather [hbm4b:s9+s14], $0x4000, s15, s14, $0x38;
	[tilespmem:$0x1C800] =	vst v63  }
0x18: {  	_ = 	snop  }
0x19: {  	[tilespmem:s17], [sflag:$0x2] =	stream.strided.gather [hbm4b:s10+s14], $0x4000, s15, s14, $0x38;
	[tilespmem:$0x1C800] =	vst v63  }
0x1a: {  	s28 =	simm.s32 $0x0  }
0x1b: {  	[tilespmem:s18], [sflag:$0x3] =	stream.strided.gather [hbm4b:s11+s14], $0x4000, s15, s14, $0x38;
	[tilespmem:$0x1C800] =	vst v63  }
.LBB2_2:
0x1c: {  	s29 =	smul.u32 $0x3, s28;
	_ =	sdelay $0x1  }
0x1d: {  	p0 =	seq.s32 s28, $0x0;
	s30 =	sand.u32 $0x7, s29  }
0x1e: {  	_ =	swait.ge [sflag:s19], $0x4000;
	p1 =	sne.s32 @!p0 s30, $0x0  }
0x1f: {  	[sflag:s19] =	ssyncset.done $0x0;
	p1 =	por p1, p0  }
0x20: {  	[sflag:s19] =	ssyncadd.s32 $0xFFFFC000;
	s4 =	simm.s32 @!p1 $0x4  }
0x21: {  	_ =	swait.ge @!p1 [sflag:s4], $0x8000  }
0x22: {  	[sflag:s4] =	ssyncset.done @!p1 $0x0  }
0x23: {  	[sflag:s4] =	ssyncadd.s32 @!p1 $0xFFFF8000;
	s4 =	simm.s32 @!p1 $0x5  }
0x24: {  	_ =	swait.ge @!p1 [sflag:s4], $0x8000  }
0x25: {  	[sflag:s4] =	ssyncset.done @!p1 $0x0  }
0x26: {  	s0 =	sshll.u32 s30, $0x7;
	[sflag:s4] =	ssyncadd.s32 @!p1 $0xFFFF8000  }
0x27: {  	v9 =	vld [tilespmem:s0+$0x0]  }
0x28: {  	v10 =	vld [tilespmem:s0+$0x400]  }
0x29: {  	v21 =	vld [tilespmem:s0+$0x420]  }
0x2a: {  	v28 =	vld [tilespmem:s0+$0x60]  }
0x2b: {  	s31 =	sshll.u32 s29, $0x2;
	v32 =	vld [tilespmem:s0+$0x70]  }
0x2c: {  	s31 =	sand.u32 $0x60, s31;
	v33 =	vld [tilespmem:s0+$0x460]  }
0x2d: {  	v11 =	vmov s31;
	s31 =	simm.s32 $0x0  }
0x2e: {  	v19 =	vadd.s32 s31, v0;
	v13 =	vshll.u32 v9, $0x3  }
0x2f: {  	v12 =	vld [tilespmem:s0+$0x10];
	v9 =	vand.u32 $0x7F, v9;
	v14 =	vshll.u32 v10, $0x3;
	v10 =	vand.u32 $0x7F, v10  }
0x30: {  	v15 =	vld [tilespmem:s0+$0x410];
	v23 =	vshll.u32 v21, $0x3;
	v21 =	vand.u32 $0x7F, v21;
	v39 =	vand.u32 $0x7F, v28  }
0x31: {  	v28 =	vshll.u32 v28, $0x3;
	v58 =	vand.u32 $0x7F, v33;
	v44 =	vand.u32 $0x7F, v32  }
0x32: {  	v13 =	vand.u32 $0xFFFFFC00, v13;
	v16 =	vand.u32 $0xFFFFFC00, v14;
	v23 =	vand.u32 $0xFFFFFC00, v23  }
0x33: {  	v18 =	vld [tilespmem:s0+$0x20];
	v14 =	vor.u32 v9, v13;
	v13 =	vor.u32 v10, v16;
	v9 =	vand.u32 $0x1F, v19  }
0x34: {  	v16 =	vand.u32 $0x7F, v12;
	v12 =	vshll.u32 v12, $0x3;
	v34 =	vor.u32 v11, v9  }
0x35: {  	v9 =	vand.u32 $0xFFFFFC00, v12;
	v12 =	vshll.u32 v15, $0x3;
	v22 =	vor.u32 v1, v34  }
0x36: {  	v20 =	vld [tilespmem:s0+$0x30];
	v16 =	vor.u32 v16, v9;
	v9 =	vand.u32 $0x7F, v15;
	v12 =	vand.u32 $0xFFFFFC00, v12  }
0x37: {  	v26 =	vor.u32 v21, v23;
	v15 =	vld [tilespmem:s0+$0x430];
	v17 =	vor.u32 v9, v12;
	v9 =	vshll.u32 v19, $0xA  }
0x38: {  	v12 =	vand.u32 $0x7F, v18;
	v19 =	vshll.u32 v19, $0x7;
	v36 =	vand.u32 $0x6000, v9  }
0x39: {  	v10 =	vld [tilespmem:s0+$0x40];
	v18 =	vshll.u32 v18, $0x3;
	v9 =	vand.u32 $0x380, v19;
	v19 =	vadd.s32 v14, v36  }
0x3a: {  	v18 =	vand.u32 $0xFFFFFC00, v18;
	v24 =	vadd.s32 v13, v36;
	v19 =	vor.u32 v9, v19;
	v22 =	vld.idx.msk [tilespmem:v22+s16+$0x0], $0xffff  }
0x3b: {  	v29 =	vld [tilespmem:s0+$0x440];
	v27 =	vor.u32 v12, v18;
	v12 =	vor.u32 v2, v34;
	v30 =	vor.u32 v9, v24  }
0x3c: {  	v18 =	vand.u32 $0x7F, v20;
	v20 =	vshll.u32 v20, $0x3;
	v21 =	vshll.u32 v15, $0x3  }
0x3d: {  	v25 =	vld [tilespmem:s0+$0x50];
	v20 =	vand.u32 $0xFFFFFC00, v20;
	v15 =	vand.u32 $0x7F, v15;
	v21 =	vand.u32 $0xFFFFFC00, v21  }
0x3e: {  	v31 =	vld [tilespmem:s0+$0x450];
	v21 =	vor.u32 v15, v21;
	v15 =	vand.u32 $0x7F, v10;
	v10 =	vshll.u32 v10, $0x3  }
0x3f: {  	v35 =	vld [tilespmem:s0+$0x470];
	v59 =	vor.u32 v5, v34;
	v24 =	vor.u32 v18, v20;
	v10 =	vand.u32 $0xFFFFFC00, v10;
	[tilespmem:v19+s20+$0x0] =	vst.idx.msk $0xffff, v22  }
0x40: {  	v18 =	vadd.s32 v16, v36;
	v20 =	vor.u32 v15, v10;
	v10 =	vshll.u32 v29, $0x3;
	[tilespmem:v30+s21+$0x0] =	vst.idx.msk $0xffff, v22  }
0x41: {  	v15 =	vand.u32 $0x7F, v29;
	v19 =	vor.u32 v9, v18;
	v18 =	vadd.s32 v17, v36;
	v12 =	vld.idx.msk [tilespmem:v12+s16+$0x0], $0xffff  }
0x42: {  	s2 =	simm.s32 $0x1;
	v29 =	vor.u32 v3, v34;
	v10 =	vand.u32 $0xFFFFFC00, v10;
	v22 =	vor.u32 v9, v18  }
0x43: {  	v23 =	vor.u32 v15, v10;
	v10 =	vshll.u32 v25, $0x3;
	v30 =	vadd.s32 s2, v0  }
0x44: {  	v15 =	vand.u32 $0x7F, v25;
	v10 =	vand.u32 $0xFFFFFC00, v10;
	v18 =	vand.u32 $0x1F, v30  }
0x45: {  	v55 =	vor.u32 v6, v34;
	v15 =	vor.u32 v15, v10;
	v18 =	vor.u32 v11, v18  }
0x46: {  	v25 =	vshll.u32 v31, $0x3;
	v10 =	vadd.s32 v27, v36;
	[tilespmem:v19+s20+$0x0] =	vst.idx.msk $0xffff, v12;
	v19 =	vor.u32 v1, v18  }
0x47: {  	v48 =	vadd.s32 v20, v36;
	v25 =	vand.u32 $0xFFFFFC00, v25;
	v37 =	vor.u32 v9, v10  }
0x48: {  	v10 =	vadd.s32 v26, v36;
	[tilespmem:v22+s21+$0x0] =	vst.idx.msk $0xffff, v12;
	v22 =	vand.u32 $0x7F, v31;
	v12 =	vshll.u32 v30, $0xA  }
0x49: {  	v31 =	vor.u32 v9, v10;
	v10 =	vshll.u32 v30, $0x7;
	v29 =	vld.idx.msk [tilespmem:v29+s16+$0x0], $0xffff;
	v12 =	vand.u32 $0x6000, v12  }
0x4a: {  	v30 =	vor.u32 v4, v34;
	v10 =	vand.u32 $0x380, v10;
	v38 =	vadd.s32 v14, v12  }
0x4b: {  	v25 =	vor.u32 v22, v25;
	v38 =	vor.u32 v10, v38;
	v22 =	vld.idx.msk [tilespmem:v19+s16+$0x0], $0xffff;
	v19 =	vadd.s32 v13, v12  }
0x4c: {  	v49 =	vadd.s32 v23, v36;
	v63 =	vor.u32 v3, v18;
	v40 =	vor.u32 v10, v19  }
0x4d: {  	v56 =	vadd.s32 v27, v12;
	v19 =	vand.u32 $0xFFFFFC00, v28;
	v28 =	vor.u32 v2, v18  }
0x4e: {  	v32 =	vshll.u32 v32, $0x3;
	v57 =	vadd.s32 v26, v12;
	v52 =	vadd.s32 v25, v36;
	[tilespmem:v37+s20+$0x0] =	vst.idx.msk $0xffff, v29  }
0x4f: {  	v32 =	vand.u32 $0xFFFFFC00, v32;
	v54 =	vadd.s32 v24, v12;
	[tilespmem:v31+s21+$0x0] =	vst.idx.msk $0xffff, v29;
	v29 =	vadd.s32 v24, v36  }
0x50: {  	s0 =	simm.s32 $0x2;
	v37 =	vld.idx.msk [tilespmem:v30+s16+$0x0], $0xffff;
	v29 =	vor.u32 v9, v29;
	v30 =	vadd.s32 v21, v36;
	[tilespmem:v38+s20+$0x0] =	vst.idx.msk $0xffff, v22  }
0x51: {  	v41 =	vadd.s32 s0, v0;
	v42 =	vor.u32 v9, v30;
	[tilespmem:v40+s21+$0x0] =	vst.idx.msk $0xffff, v22;
	v22 =	vadd.s32 v16, v12  }
0x52: {  	v45 =	vor.u32 v10, v57;
	v28 =	vld.idx.msk [tilespmem:v28+s16+$0x0], $0xffff;
	v60 =	vor.u32 v10, v22;
	v22 =	vadd.s32 v17, v12  }
0x53: {  	v57 =	vadd.s32 v21, v12;
	v31 =	vand.u32 $0x1F, v41;
	v43 =	vor.u32 v10, v22  }
0x54: {  	v19 =	vor.u32 v39, v19;
	v31 =	vor.u32 v11, v31;
	v30 =	vshll.u32 v33, $0x3  }
0x55: {  	v61 =	vor.u32 v1, v31;
	v46 =	vor.u32 v2, v31;
	v30 =	vand.u32 $0xFFFFFC00, v30;
	[tilespmem:v29+s20+$0x0] =	vst.idx.msk $0xffff, v37  }
0x56: {  	v62 =	vshll.u32 v41, $0x7;
	v40 =	vor.u32 v9, v52;
	v30 =	vor.u32 v58, v30;
	[tilespmem:v42+s21+$0x0] =	vst.idx.msk $0xffff, v37  }
0x57: {  	v58 =	vand.u32 $0x7F, v35;
	v22 =	vshll.u32 v41, $0xA;
	v37 =	vor.u32 v9, v48;
	v33 =	vld.idx.msk [tilespmem:v59+s16+$0x0], $0xffff;
	[tilespmem:v60+s20+$0x0] =	vst.idx.msk $0xffff, v28  }
0x58: {  	v35 =	vshll.u32 v35, $0x3;
	v29 =	vand.u32 $0x6000, v22;
	v42 =	vor.u32 v9, v49;
	[tilespmem:v43+s21+$0x0] =	vst.idx.msk $0xffff, v28  }
0x59: {  	v22 =	vand.u32 $0x380, v62;
	v62 =	vadd.s32 v15, v36;
	v43 =	vor.u32 v10, v56;
	v41 =	vld.idx.msk [tilespmem:v63+s16+$0x0], $0xffff  }
0x5a: {  	v50 =	vadd.s32 v14, v29;
	v51 =	vld.idx.msk [tilespmem:v61+s16+$0x0], $0xffff;
	v61 =	vadd.s32 v13, v29;
	v47 =	vor.u32 v9, v62  }
0x5b: {  	v48 =	vadd.s32 v17, v29;
	v39 =	vor.u32 v22, v50;
	v60 =	vor.u32 v4, v18  }
0x5c: {  	v59 =	vand.u32 $0xFFFFFC00, v35;
	v50 =	vor.u32 v3, v31;
	v28 =	vor.u32 v44, v32;
	[tilespmem:v37+s20+$0x0] =	vst.idx.msk $0xffff, v33  }
0x5d: {  	v32 =	vor.u32 v58, v59;
	v37 =	vor.u32 v22, v61;
	[tilespmem:v42+s21+$0x0] =	vst.idx.msk $0xffff, v33  }
0x5e: {  	v58 =	vor.u32 v10, v57;
	v59 =	vadd.s32 v19, v36;
	v63 =	vld.idx.msk [tilespmem:v55+s16+$0x0], $0xffff;
	[tilespmem:v43+s20+$0x0] =	vst.idx.msk $0xffff, v41  }
0x5f: {  	s2 =	simm.s32 $0x3;
	v56 =	vadd.s32 v30, v36;
	v57 =	vor.u32 v9, v59;
	[tilespmem:v45+s21+$0x0] =	vst.idx.msk $0xffff, v41  }
0x60: {  	v42 =	vadd.s32 s2, v0;
	v55 =	vor.u32 v7, v34;
	v41 =	vor.u32 v10, v54;
	v35 =	vld.idx.msk [tilespmem:v60+s16+$0x0], $0xffff  }
0x61: {  	v52 =	vadd.s32 v28, v36;
	[tilespmem:v39+s20+$0x0] =	vst.idx.msk $0xffff, v51;
	v61 =	vor.u32 v5, v18;
	v53 =	vand.u32 $0x1F, v42  }
0x62: {  	v62 =	vshll.u32 v42, $0x7;
	v33 =	vor.u32 v11, v53;
	[tilespmem:v37+s21+$0x0] =	vst.idx.msk $0xffff, v51;
	v60 =	vadd.s32 v16, v29  }
0x63: {  	v39 =	vor.u32 v1, v33;
	v44 =	vld.idx.msk [tilespmem:v46+s16+$0x0], $0xffff;
	v45 =	vor.u32 v22, v60;
	[tilespmem:v47+s20+$0x0] =	vst.idx.msk $0xffff, v63  }
0x64: {  	v42 =	vshll.u32 v42, $0xA;
	v53 =	vor.u32 v8, v34;
	[tilespmem:v40+s21+$0x0] =	vst.idx.msk $0xffff, v63;
	v63 =	vor.u32 v22, v48  }
0x65: {  	v34 =	vand.u32 $0x6000, v42;
	v42 =	vor.u32 v9, v52;
	v49 =	vld.idx.msk [tilespmem:v55+s16+$0x0], $0xffff;
	[tilespmem:v41+s20+$0x0] =	vst.idx.msk $0xffff, v35  }
0x66: {  	v51 =	vor.u32 v9, v56;
	[tilespmem:v58+s21+$0x0] =	vst.idx.msk $0xffff, v35;
	v58 =	vadd.s32 v20, v12  }
0x67: {  	v37 =	vor.u32 v6, v18;
	v60 =	vadd.s32 v23, v12;
	v38 =	vld.idx.msk [tilespmem:v61+s16+$0x0], $0xffff;
	v59 =	vor.u32 v10, v58  }
0x68: {  	v47 =	vor.u32 v4, v31;
	v40 =	vor.u32 v10, v60;
	v43 =	vld.idx.msk [tilespmem:v39+s16+$0x0], $0xffff;
	[tilespmem:v45+s20+$0x0] =	vst.idx.msk $0xffff, v44  }
0x69: {  	v39 =	vadd.s32 v32, v36;
	v35 =	vand.u32 $0x380, v62;
	v61 =	vadd.s32 v14, v34;
	[tilespmem:v63+s21+$0x0] =	vst.idx.msk $0xffff, v44  }
0x6a: {  	v62 =	vadd.s32 v27, v29;
	v48 =	vor.u32 v35, v61;
	[tilespmem:v57+s20+$0x0] =	vst.idx.msk $0xffff, v49  }
0x6b: {  	v45 =	vor.u32 v22, v62;
	v63 =	vadd.s32 v26, v29;
	v44 =	vld.idx.msk [tilespmem:v50+s16+$0x0], $0xffff;
	[tilespmem:v51+s21+$0x0] =	vst.idx.msk $0xffff, v49  }
0x6c: {  	s31 =	sshrl.u32 s29, $0x3;
	s4 =	simm.s32 $0x4;
	v41 =	vadd.s32 v15, v12;
	v46 =	vor.u32 v22, v63;
	v36 =	vld.idx.msk [tilespmem:v53+s16+$0x0], $0xffff;
	[tilespmem:v59+s20+$0x0] =	vst.idx.msk $0xffff, v38  }
.LBB2_3:
0x6d: {  	v49 =	vadd.s32 s4, v0;
	v50 =	vadd.s32 v13, v34;
	[tilespmem:v40+s21+$0x0] =	vst.idx.msk $0xffff, v38;
	v38 =	vor.u32 v9, v39  }
0x6e: {  	p1 =	sne.s32 s4, $0x1F;
	v51 =	vmovc v33;
	v9 =	vmovc v10;
	v10 =	vmov v22;
	v22 =	vmov v35;
	v39 =	vmov v12  }
0x6f: {  	[tilespmem:v48+s20+$0x0] =	vst.idx.msk $0xffff, v43;
	v35 =	vor.u32 v22, v50;
	v37 =	vld.idx.msk [tilespmem:v37+s16+$0x0], $0xffff;
	v48 =	vadd.s32 v25, v39  }
0x70: {  	v33 =	vand.u32 $0x1F, v49;
	v40 =	vor.u32 v2, v51;
	v41 =	vor.u32 v9, v41;
	[tilespmem:v45+s20+$0x0] =	vst.idx.msk $0xffff, v44  }
0x71: {  	v12 =	vmov v29;
	v33 =	vor.u32 v11, v33;
	[tilespmem:v46+s21+$0x0] =	vst.idx.msk $0xffff, v44;
	v44 =	vor.u32 v9, v48  }
0x72: {  	v48 =	vadd.s32 v24, v12;
	v46 =	vor.u32 v7, v18;
	v45 =	vld.idx.msk [tilespmem:v47+s16+$0x0], $0xffff;
	[tilespmem:v42+s20+$0x0] =	vst.idx.msk $0xffff, v36  }
0x73: {  	v29 =	vmov v34;
	v42 =	vor.u32 v10, v48;
	v47 =	vadd.s32 v21, v12;
	[tilespmem:v38+s21+$0x0] =	vst.idx.msk $0xffff, v36  }
0x74: {  	v34 =	vor.u32 v10, v47;
	[tilespmem:v35+s21+$0x0] =	vst.idx.msk $0xffff, v43;
	v35 =	vadd.s32 v19, v39  }
0x75: {  	v38 =	vadd.s32 v16, v29;
	v36 =	vld.idx.msk [tilespmem:v40+s16+$0x0], $0xffff;
	v40 =	vor.u32 v5, v31;
	[tilespmem:v41+s20+$0x0] =	vst.idx.msk $0xffff, v37  }
0x76: {  	v43 =	vor.u32 v22, v38;
	v38 =	vadd.s32 v17, v29;
	v41 =	vshll.u32 v49, $0x7;
	[tilespmem:v44+s21+$0x0] =	vst.idx.msk $0xffff, v37  }
0x77: {  	v47 =	vor.u32 v22, v38;
	v44 =	vor.u32 v1, v33;
	v37 =	vadd.s32 v30, v39;
	v46 =	vld.idx.msk [tilespmem:v46+s16+$0x0], $0xffff  }
0x78: {  	v48 =	vshll.u32 v49, $0xA;
	v49 =	vor.u32 v3, v51;
	[tilespmem:v42+s20+$0x0] =	vst.idx.msk $0xffff, v45;
	v42 =	vor.u32 v9, v35  }
0x79: {  	v50 =	vadd.s32 v28, v39;
	v35 =	vand.u32 $0x380, v41;
	v41 =	vor.u32 v9, v37;
	[tilespmem:v34+s21+$0x0] =	vst.idx.msk $0xffff, v45  }
0x7a: {  	v52 =	vor.u32 v8, v18;
	v37 =	vor.u32 v6, v31;
	v38 =	vld.idx.msk [tilespmem:v40+s16+$0x0], $0xffff;
	v40 =	vadd.s32 v20, v12  }
0x7b: {  	v18 =	vadd.s32 v23, v12;
	v34 =	vand.u32 $0x6000, v48;
	[tilespmem:v43+s20+$0x0] =	vst.idx.msk $0xffff, v36;
	v53 =	vor.u32 v10, v40  }
.Ltmp0:
0x7c: {  	v40 =	vor.u32 v10, v18;
	v43 =	vld.idx.msk [tilespmem:v44+s16+$0x0], $0xffff;
	v44 =	vadd.s32 v14, v34;
	[tilespmem:v47+s21+$0x0] =	vst.idx.msk $0xffff, v36;
	(pc) =	sbr.rel @p1 .LBB2_3-.Ltmp0, $4  }
0x7d: {  	v47 =	vadd.s32 v27, v29;
	v48 =	vor.u32 v35, v44;
	v44 =	vld.idx.msk [tilespmem:v49+s16+$0x0], $0xffff;
	[tilespmem:v42+s20+$0x0] =	vst.idx.msk $0xffff, v46  }
0x7e: {  	v18 =	vmov v31;
	v36 =	vadd.s32 v26, v29;
	v45 =	vor.u32 v22, v47;
	[tilespmem:v41+s21+$0x0] =	vst.idx.msk $0xffff, v46  }
0x7f: {  	v39 =	vadd.s32 v32, v39;
	v46 =	vor.u32 v22, v36;
	v41 =	vadd.s32 v15, v12;
	v36 =	vld.idx.msk [tilespmem:v52+s16+$0x0], $0xffff  }
0x80: {  	s4 =	sadd.s32 $0x1, s4;
	v31 =	vmov v51;
	v47 =	vor.u32 v4, v51;
	v42 =	vor.u32 v9, v50;
	[tilespmem:v53+s20+$0x0] =	vst.idx.msk $0xffff, v38  }
0x81: {  	v11 =	vadd.s32 v13, v34  }
0x82: {  	v11 =	vor.u32 v35, v11  }
0x83: {  	v13 =	vor.u32 v2, v33;
	_ =	sdelay $0x2  }
0x84: {  	[tilespmem:v48+s20+$0x0] =	vst.idx.msk $0xffff, v43  }
0x85: {  	[tilespmem:v11+s21+$0x0] =	vst.idx.msk $0xffff, v43;
	v11 =	vadd.s32 v16, v34  }
0x86: {  	v14 =	vadd.s32 v17, v34;
	v13 =	vld.idx.msk [tilespmem:v13+s16+$0x0], $0xffff;
	v11 =	vor.u32 v35, v11  }
0x87: {  	v14 =	vor.u32 v35, v14  }
0x88: {  	v16 =	vor.u32 v3, v33;
	_ =	sdelay $0x2  }
0x89: {  	[tilespmem:v11+s20+$0x0] =	vst.idx.msk $0xffff, v13  }
0x8a: {  	v11 =	vadd.s32 v27, v34;
	[tilespmem:v14+s21+$0x0] =	vst.idx.msk $0xffff, v13  }
0x8b: {  	v11 =	vor.u32 v35, v11;
	v14 =	vadd.s32 v26, v34;
	v13 =	vld.idx.msk [tilespmem:v16+s16+$0x0], $0xffff  }
0x8c: {  	v14 =	vor.u32 v35, v14  }
0x8d: {  	v16 =	vor.u32 v4, v33  }
0x8e: {  	[tilespmem:v45+s20+$0x0] =	vst.idx.msk $0xffff, v44  }
0x8f: {  	v17 =	vadd.s32 v24, v29;
	[tilespmem:v46+s21+$0x0] =	vst.idx.msk $0xffff, v44  }
0x90: {  	v17 =	vor.u32 v22, v17;
	v27 =	vadd.s32 v21, v29;
	v26 =	vld.idx.msk [tilespmem:v47+s16+$0x0], $0xffff;
	[tilespmem:v11+s20+$0x0] =	vst.idx.msk $0xffff, v13  }
0x91: {  	v11 =	vor.u32 v22, v27;
	[tilespmem:v14+s21+$0x0] =	vst.idx.msk $0xffff, v13;
	v13 =	vadd.s32 v24, v34  }
0x92: {  	v21 =	vadd.s32 v21, v34;
	v14 =	vor.u32 v5, v31;
	v16 =	vld.idx.msk [tilespmem:v16+s16+$0x0], $0xffff;
	v13 =	vor.u32 v35, v13  }
0x93: {  	v21 =	vor.u32 v35, v21  }
0x94: {  	[tilespmem:v40+s21+$0x0] =	vst.idx.msk $0xffff, v38;
	v24 =	vor.u32 v5, v33  }
0x95: {  	[tilespmem:v17+s20+$0x0] =	vst.idx.msk $0xffff, v26  }
0x96: {  	[tilespmem:v11+s21+$0x0] =	vst.idx.msk $0xffff, v26;
	v11 =	vadd.s32 v20, v29  }
0x97: {  	v17 =	vadd.s32 v23, v29;
	v14 =	vld.idx.msk [tilespmem:v14+s16+$0x0], $0xffff;
	v11 =	vor.u32 v22, v11;
	[tilespmem:v13+s20+$0x0] =	vst.idx.msk $0xffff, v16  }
0x98: {  	v13 =	vor.u32 v22, v17;
	[tilespmem:v21+s21+$0x0] =	vst.idx.msk $0xffff, v16;
	v16 =	vadd.s32 v20, v34  }
0x99: {  	v17 =	vor.u32 v6, v31;
	v21 =	vadd.s32 v23, v34;
	v20 =	vld.idx.msk [tilespmem:v24+s16+$0x0], $0xffff;
	v16 =	vor.u32 v35, v16  }
0x9a: {  	[tilespmem:v42+s20+$0x0] =	vst.idx.msk $0xffff, v36;
	v21 =	vor.u32 v35, v21  }
0x9b: {  	v27 =	vor.u32 v10, v41;
	v26 =	vld.idx.msk [tilespmem:v37+s16+$0x0], $0xffff;
	v23 =	vadd.s32 v25, v12;
	v24 =	vor.u32 v6, v33  }
0x9c: {  	v46 =	vadd.s32 v15, v29;
	v23 =	vor.u32 v10, v23;
	[tilespmem:v11+s20+$0x0] =	vst.idx.msk $0xffff, v14  }
0x9d: {  	v15 =	vadd.s32 v15, v34;
	v11 =	vor.u32 v7, v18;
	[tilespmem:v13+s21+$0x0] =	vst.idx.msk $0xffff, v14  }
0x9e: {  	v14 =	vadd.s32 v25, v29;
	v13 =	vld.idx.msk [tilespmem:v17+s16+$0x0], $0xffff;
	v17 =	vor.u32 v22, v46;
	[tilespmem:v16+s20+$0x0] =	vst.idx.msk $0xffff, v20  }
0x9f: {  	v15 =	vor.u32 v35, v15;
	v14 =	vor.u32 v22, v14;
	[tilespmem:v21+s21+$0x0] =	vst.idx.msk $0xffff, v20  }
0xa0: {  	[tilespmem:v27+s20+$0x0] =	vst.idx.msk $0xffff, v26;
	v16 =	vor.u32 v7, v31;
	v21 =	vadd.s32 v25, v34;
	v20 =	vld.idx.msk [tilespmem:v24+s16+$0x0], $0xffff  }
0xa1: {  	[tilespmem:v23+s21+$0x0] =	vst.idx.msk $0xffff, v26;
	v21 =	vor.u32 v35, v21  }
0xa2: {  	v23 =	vadd.s32 v30, v12;
	v25 =	vor.u32 v7, v33;
	v24 =	vadd.s32 v19, v12  }
0xa3: {  	v23 =	vor.u32 v10, v23;
	v11 =	vld.idx.msk [tilespmem:v11+s16+$0x0], $0xffff;
	v24 =	vor.u32 v10, v24;
	[tilespmem:v17+s20+$0x0] =	vst.idx.msk $0xffff, v13  }
0xa4: {  	v17 =	vor.u32 v8, v18;
	v18 =	vadd.s32 v19, v29;
	[tilespmem:v14+s21+$0x0] =	vst.idx.msk $0xffff, v13  }
0xa5: {  	v14 =	vadd.s32 v30, v29;
	v13 =	vld.idx.msk [tilespmem:v16+s16+$0x0], $0xffff;
	v16 =	vor.u32 v22, v18;
	[tilespmem:v15+s20+$0x0] =	vst.idx.msk $0xffff, v20  }
0xa6: {  	v14 =	vor.u32 v22, v14;
	v15 =	vadd.s32 v19, v34;
	[tilespmem:v21+s21+$0x0] =	vst.idx.msk $0xffff, v20  }
0xa7: {  	v18 =	vor.u32 v8, v31;
	v20 =	vadd.s32 v30, v34;
	v15 =	vor.u32 v35, v15;
	v19 =	vld.idx.msk [tilespmem:v25+s16+$0x0], $0xffff  }
0xa8: {  	v9 =	vor.u32 v9, v39;
	[tilespmem:v24+s20+$0x0] =	vst.idx.msk $0xffff, v11;
	v20 =	vor.u32 v35, v20  }
0xa9: {  	s4 =	smin.u32 s29, $0xBC;
	v21 =	vadd.s32 v28, v12;
	[tilespmem:v23+s21+$0x0] =	vst.idx.msk $0xffff, v11;
	v11 =	vor.u32 v8, v33  }
0xaa: {  	s4 =	sadd.s32 $0x3, s4;
	v12 =	vadd.s32 v32, v12;
	v21 =	vor.u32 v10, v21;
	v17 =	vld.idx.msk [tilespmem:v17+s16+$0x0], $0xffff;
	[tilespmem:v16+s20+$0x0] =	vst.idx.msk $0xffff, v13  }
0xab: {  	s0 =	sand.u32 $0x18, s4;
	v10 =	vor.u32 v10, v12;
	v12 =	vadd.s32 v28, v29;
	[tilespmem:v14+s21+$0x0] =	vst.idx.msk $0xffff, v13  }
0xac: {  	p1 =	slt.u32 s28, $0x2;
	p2 =	sne.s32 s0, $0x0;
	v12 =	vor.u32 v22, v12;
	v14 =	vadd.s32 v32, v29;
	v13 =	vld.idx.msk [tilespmem:v18+s16+$0x0], $0xffff;
	[tilespmem:v15+s20+$0x0] =	vst.idx.msk $0xffff, v19  }
0xad: {  	s2 =	sshll.u32 s4, $0x2;
	p2 =	por !p1, !p2;
	v14 =	vor.u32 v22, v14;
	v15 =	vadd.s32 v28, v34;
	[tilespmem:v20+s21+$0x0] =	vst.idx.msk $0xffff, v19  }
0xae: {  	s0 =	sand.u32 $0x1C, s2;
	s2 =	simm.s32 $0x1;
	[tilespmem:v9+s21+$0x0] =	vst.idx.msk $0xffff, v36;
	p2 =	por !p2, !p2;
	v15 =	vor.u32 v35, v15;
	v9 =	vld.idx.msk [tilespmem:v11+s16+$0x0], $0xffff;
	v11 =	vadd.s32 v32, v34  }
0xaf: {  	s4 =	sshrl.u32 s4, $0x5;
	s0 =	smul.u32 $0x6000, s0;
	s2 =	simm.s32 @!p2 $0x0;
	[tilespmem:v21+s20+$0x0] =	vst.idx.msk $0xffff, v17;
	v11 =	vor.u32 v35, v11  }
0xb0: {  	s2 =	ssub.s32 s4, s2;
	[tilespmem:v10+s21+$0x0] =	vst.idx.msk $0xffff, v17  }
0xb1: {  	s0 =	sadd.s32 s7, s0;
	s2 =	sshll.u32 s2, $0xA;
	[tilespmem:v12+s20+$0x0] =	vst.idx.msk $0xffff, v13  }
0xb2: {  	s0 =	sadd.s32 s2, s0;
	[tilespmem:v14+s21+$0x0] =	vst.idx.msk $0xffff, v13  }
0xb3: {  	s0 =	sshrl.u32 s0, $0x3;
	[tilespmem:v15+s20+$0x0] =	vst.idx.msk $0xffff, v9  }
0xb4: {  	p2 =	sne.s32 s30, $0x7;
	s0 =	sadd.s32 s1, s0;
	[tilespmem:v11+s21+$0x0] =	vst.idx.msk $0xffff, v9  }
0xb5: {  	[tilespmem:s16], [sflag:$0x1] =	stream.strided.gather [hbm4b:s0+s14], $0x4000, s15, s14, $0x38;
	[tilespmem:$0x1C800] =	vst v63  }
0xb6: {  	s0 =	sshll.u32 @!p2 s31, $0xF  }
0xb7: {  	s0 =	sadd.s32 @!p2 s7, s0  }
0xb8: {  	s0 =	sshrl.u32 @!p2 s0, $0x3  }
0xb9: {  	s4 =	simm.s32 @!p2 $0x0;
	s30 =	simm.s32 @!p2 $0xC800;
	s2 =	sadd.s32 @!p2 s5, s0  }
0xba: {  	[hbm4b:s2+s4] =	stream.linear.scatter @!p2 [tilespmem:s30], [sflag:$0x4], $0x8000, $0x38;
	[tilespmem:$0x1C800] =	vst v63  }
0xbb: {  	s31 =	sadd.s32 $0x1, s29;
	s0 =	sadd.s32 @!p2 s6, s0;
	s2 =	simm.s32 @!p2 $0x14800  }
0xbc: {  	[hbm4b:s0+s4] =	stream.linear.scatter @!p2 [tilespmem:s2], [sflag:$0x5], $0x8000, $0x38;
	[tilespmem:$0x1C800] =	vst v63  }
0xbd: {  	s30 =	sand.u32 $0x7, s31;
	_ =	swait.ge [sflag:s22], $0x4000  }
0xbe: {  	p2 =	sne.s32 s30, $0x0;
	[sflag:s22] =	ssyncset.done $0x0  }
0xbf: {  	s0 =	simm.s32 @!p2 $0x4;
	[sflag:s22] =	ssyncadd.s32 $0xFFFFC000  }
0xc0: {  	_ =	swait.ge @!p2 [sflag:s0], $0x8000  }
0xc1: {  	[sflag:s0] =	ssyncset.done @!p2 $0x0  }
0xc2: {  	[sflag:s0] =	ssyncadd.s32 @!p2 $0xFFFF8000;
	s0 =	simm.s32 @!p2 $0x5  }
0xc3: {  	_ =	swait.ge @!p2 [sflag:s0], $0x8000  }
0xc4: {  	[sflag:s0] =	ssyncset.done @!p2 $0x0  }
0xc5: {  	[sflag:s0] =	ssyncadd.s32 @!p2 $0xFFFF8000;
	s0 =	sshll.u32 s30, $0x7  }
0xc6: {  	v9 =	vld [tilespmem:s0+$0x0]  }
0xc7: {  	v10 =	vld [tilespmem:s0+$0x400]  }
0xc8: {  	s4 =	sshll.u32 s31, $0x2;
	v21 =	vld [tilespmem:s0+$0x420]  }
0xc9: {  	s2 =	sand.u32 $0x60, s4;
	s4 =	simm.s32 $0x0  }
0xca: {  	v19 =	vadd.s32 s4, v0;
	s4 =	simm.s32 $0x1  }
0xcb: {  	v11 =	vmov s2;
	v48 =	vadd.s32 s4, v0;
	v12 =	vld [tilespmem:s0+$0x10]  }
0xcc: {  	v15 =	vld [tilespmem:s0+$0x410];
	v13 =	vshll.u32 v9, $0x3;
	v9 =	vand.u32 $0x7F, v9;
	v14 =	vshll.u32 v10, $0x3  }
0xcd: {  	v10 =	vand.u32 $0x7F, v10;
	v24 =	vshll.u32 v21, $0x3;
	v21 =	vand.u32 $0x7F, v21  }
0xce: {  	v13 =	vand.u32 $0xFFFFFC00, v13;
	v16 =	vand.u32 $0xFFFFFC00, v14;
	v24 =	vand.u32 $0xFFFFFC00, v24  }
0xcf: {  	v18 =	vld [tilespmem:s0+$0x20];
	v14 =	vor.u32 v9, v13;
	v13 =	vor.u32 v10, v16;
	v9 =	vand.u32 $0x1F, v19  }
0xd0: {  	v16 =	vand.u32 $0x7F, v12;
	v12 =	vshll.u32 v12, $0x3;
	v34 =	vor.u32 v11, v9  }
0xd1: {  	v20 =	vld [tilespmem:s0+$0x30];
	v9 =	vand.u32 $0xFFFFFC00, v12;
	v12 =	vshll.u32 v15, $0x3;
	v22 =	vor.u32 v1, v34  }
0xd2: {  	v23 =	vld [tilespmem:s0+$0x50];
	v16 =	vor.u32 v16, v9;
	v9 =	vand.u32 $0x7F, v15;
	v12 =	vand.u32 $0xFFFFFC00, v12  }
0xd3: {  	v26 =	vor.u32 v21, v24;
	v15 =	vld [tilespmem:s0+$0x430];
	v17 =	vor.u32 v9, v12;
	v9 =	vshll.u32 v19, $0xA  }
0xd4: {  	v28 =	vld [tilespmem:s0+$0x60];
	v12 =	vand.u32 $0x7F, v18;
	v19 =	vshll.u32 v19, $0x7;
	v36 =	vand.u32 $0x6000, v9  }
0xd5: {  	v10 =	vld [tilespmem:s0+$0x40];
	v18 =	vshll.u32 v18, $0x3;
	v9 =	vand.u32 $0x380, v19;
	v19 =	vadd.s32 v14, v36  }
0xd6: {  	v18 =	vand.u32 $0xFFFFFC00, v18;
	v25 =	vadd.s32 v13, v36;
	v19 =	vor.u32 v9, v19;
	v22 =	vld.idx.msk [tilespmem:v22+s17+$0x0], $0xffff  }
0xd7: {  	v30 =	vld [tilespmem:s0+$0x70];
	v27 =	vor.u32 v12, v18;
	v12 =	vor.u32 v2, v34;
	v25 =	vor.u32 v9, v25  }
0xd8: {  	v29 =	vld [tilespmem:s0+$0x440];
	v18 =	vand.u32 $0x7F, v20;
	v20 =	vshll.u32 v20, $0x3;
	v21 =	vshll.u32 v15, $0x3  }
0xd9: {  	v31 =	vld [tilespmem:s0+$0x450];
	v20 =	vand.u32 $0xFFFFFC00, v20;
	v15 =	vand.u32 $0x7F, v15;
	v21 =	vand.u32 $0xFFFFFC00, v21  }
0xda: {  	s2 =	simm.s32 $0x2;
	v47 =	vld [tilespmem:s0+$0x460];
	v21 =	vor.u32 v15, v21;
	v15 =	vand.u32 $0x7F, v10;
	v10 =	vshll.u32 v10, $0x3  }
0xdb: {  	v56 =	vadd.s32 s2, v0;
	v33 =	vld [tilespmem:s0+$0x470];
	v24 =	vor.u32 v18, v20;
	v10 =	vand.u32 $0xFFFFFC00, v10;
	[tilespmem:v19+s20+$0x0] =	vst.idx.msk $0xffff, v22  }
0xdc: {  	v61 =	vshll.u32 v56, $0x7;
	v18 =	vadd.s32 v16, v36;
	v20 =	vor.u32 v15, v10;
	[tilespmem:v25+s21+$0x0] =	vst.idx.msk $0xffff, v22  }
0xdd: {  	v10 =	vshll.u32 v29, $0x3;
	v19 =	vor.u32 v9, v18;
	v18 =	vadd.s32 v17, v36;
	v12 =	vld.idx.msk [tilespmem:v12+s17+$0x0], $0xffff  }
0xde: {  	v15 =	vand.u32 $0x7F, v29;
	v10 =	vand.u32 $0xFFFFFC00, v10;
	v25 =	vor.u32 v9, v18  }
0xdf: {  	v29 =	vor.u32 v3, v34;
	v22 =	vor.u32 v15, v10;
	v10 =	vshll.u32 v23, $0x3  }
0xe0: {  	v15 =	vand.u32 $0x7F, v23;
	v18 =	vand.u32 $0x1F, v48;
	v10 =	vand.u32 $0xFFFFFC00, v10  }
0xe1: {  	v52 =	vand.u32 $0x7F, v28;
	v18 =	vor.u32 v11, v18;
	v15 =	vor.u32 v15, v10  }
0xe2: {  	v28 =	vshll.u32 v28, $0x3;
	v10 =	vadd.s32 v27, v36;
	[tilespmem:v19+s20+$0x0] =	vst.idx.msk $0xffff, v12;
	v19 =	vor.u32 v1, v18  }
0xe3: {  	v50 =	vor.u32 v4, v34;
	v23 =	vand.u32 $0x7F, v31;
	v49 =	vor.u32 v9, v10;
	[tilespmem:v25+s21+$0x0] =	vst.idx.msk $0xffff, v12  }
0xe4: {  	v10 =	vadd.s32 v26, v36;
	v25 =	vshll.u32 v31, $0x3;
	v12 =	vshll.u32 v48, $0xA;
	v29 =	vld.idx.msk [tilespmem:v29+s17+$0x0], $0xffff  }
0xe5: {  	v31 =	vor.u32 v9, v10;
	v10 =	vshll.u32 v48, $0x7;
	v12 =	vand.u32 $0x6000, v12  }
0xe6: {  	v25 =	vand.u32 $0xFFFFFC00, v25;
	v10 =	vand.u32 $0x380, v10;
	v51 =	vadd.s32 v14, v12  }
0xe7: {  	v25 =	vor.u32 v23, v25;
	v38 =	vor.u32 v10, v51;
	v23 =	vld.idx.msk [tilespmem:v19+s17+$0x0], $0xffff;
	v19 =	vadd.s32 v13, v12  }
0xe8: {  	v58 =	vor.u32 v5, v34;
	v45 =	vadd.s32 v20, v36;
	v53 =	vor.u32 v10, v19  }
0xe9: {  	v46 =	vadd.s32 v22, v36;
	v19 =	vand.u32 $0xFFFFFC00, v28;
	v28 =	vor.u32 v2, v18;
	[tilespmem:v49+s20+$0x0] =	vst.idx.msk $0xffff, v29  }
0xea: {  	v55 =	vand.u32 $0x7F, v47;
	v63 =	vor.u32 v3, v18;
	[tilespmem:v31+s21+$0x0] =	vst.idx.msk $0xffff, v29;
	v29 =	vadd.s32 v24, v36  }
0xeb: {  	v48 =	vand.u32 $0x7F, v30;
	v35 =	vld.idx.msk [tilespmem:v50+s17+$0x0], $0xffff;
	v54 =	vor.u32 v9, v29;
	v29 =	vadd.s32 v21, v36  }
0xec: {  	v30 =	vshll.u32 v30, $0x3;
	v31 =	vand.u32 $0x1F, v56;
	v57 =	vor.u32 v9, v29;
	[tilespmem:v38+s20+$0x0] =	vst.idx.msk $0xffff, v23  }
0xed: {  	v30 =	vand.u32 $0xFFFFFC00, v30;
	v31 =	vor.u32 v11, v31;
	[tilespmem:v53+s21+$0x0] =	vst.idx.msk $0xffff, v23;
	v23 =	vadd.s32 v16, v12  }
0xee: {  	v60 =	vor.u32 v1, v31;
	v38 =	vld.idx.msk [tilespmem:v28+s17+$0x0], $0xffff;
	v59 =	vor.u32 v10, v23;
	v23 =	vadd.s32 v17, v12  }
0xef: {  	v41 =	vor.u32 v9, v46;
	v30 =	vor.u32 v48, v30;
	v62 =	vor.u32 v10, v23  }
0xf0: {  	v51 =	vadd.s32 v27, v12;
	v19 =	vor.u32 v52, v19;
	v23 =	vshll.u32 v56, $0xA;
	[tilespmem:v54+s20+$0x0] =	vst.idx.msk $0xffff, v35  }
0xf1: {  	v52 =	vadd.s32 v26, v12;
	v29 =	vshll.u32 v47, $0x3;
	v28 =	vand.u32 $0x6000, v23;
	[tilespmem:v57+s21+$0x0] =	vst.idx.msk $0xffff, v35  }
0xf2: {  	v23 =	vand.u32 $0x380, v61;
	v35 =	vor.u32 v9, v45;
	v47 =	vadd.s32 v14, v28;
	v32 =	vld.idx.msk [tilespmem:v58+s17+$0x0], $0xffff  }
0xf3: {  	v42 =	vor.u32 v10, v52;
	v49 =	vld.idx.msk [tilespmem:v60+s17+$0x0], $0xffff;
	v39 =	vor.u32 v23, v47;
	[tilespmem:v59+s20+$0x0] =	vst.idx.msk $0xffff, v38  }
0xf4: {  	v52 =	vadd.s32 v24, v12;
	v50 =	vor.u32 v6, v34;
	v29 =	vand.u32 $0xFFFFFC00, v29;
	[tilespmem:v62+s21+$0x0] =	vst.idx.msk $0xffff, v38  }
0xf5: {  	v29 =	vor.u32 v55, v29;
	v56 =	vadd.s32 v15, v36;
	v38 =	vor.u32 v10, v51;
	v37 =	vld.idx.msk [tilespmem:v63+s17+$0x0], $0xffff  }
0xf6: {  	v54 =	vor.u32 v4, v18;
	v61 =	vor.u32 v9, v56;
	v56 =	vadd.s32 v29, v36  }
0xf7: {  	v53 =	vand.u32 $0x7F, v33;
	v55 =	vadd.s32 v13, v28;
	v60 =	vor.u32 v2, v31;
	[tilespmem:v35+s20+$0x0] =	vst.idx.msk $0xffff, v32  }
0xf8: {  	v33 =	vshll.u32 v33, $0x3;
	v58 =	vor.u32 v23, v55;
	v47 =	vor.u32 v4, v31;
	[tilespmem:v39+s20+$0x0] =	vst.idx.msk $0xffff, v49  }
0xf9: {  	v33 =	vand.u32 $0xFFFFFC00, v33;
	v59 =	vadd.s32 v25, v36;
	v51 =	vadd.s32 v30, v36;
	[tilespmem:v41+s21+$0x0] =	vst.idx.msk $0xffff, v32  }
0xfa: {  	s4 =	simm.s32 $0x3;
	v63 =	vor.u32 v9, v59;
	v59 =	vadd.s32 v16, v28;
	v43 =	vld.idx.msk [tilespmem:v50+s17+$0x0], $0xffff;
	[tilespmem:v38+s20+$0x0] =	vst.idx.msk $0xffff, v37  }
0xfb: {  	v57 =	vadd.s32 s4, v0;
	v45 =	vor.u32 v23, v59;
	v32 =	vor.u32 v53, v33;
	[tilespmem:v42+s21+$0x0] =	vst.idx.msk $0xffff, v37  }
0xfc: {  	v53 =	vor.u32 v7, v34;
	v37 =	vor.u32 v10, v52;
	v35 =	vld.idx.msk [tilespmem:v54+s17+$0x0], $0xffff;
	v54 =	vadd.s32 v21, v12  }
0xfd: {  	v62 =	vand.u32 $0x1F, v57;
	v59 =	vadd.s32 v20, v12;
	[tilespmem:v58+s21+$0x0] =	vst.idx.msk $0xffff, v49;
	v55 =	vor.u32 v10, v54  }
0xfe: {  	v33 =	vor.u32 v11, v62;
	v58 =	vadd.s32 v19, v36;
	v44 =	vld.idx.msk [tilespmem:v60+s17+$0x0], $0xffff;
	v60 =	vor.u32 v5, v18  }
0xff: {  	v62 =	vadd.s32 v17, v28;
	v49 =	vor.u32 v3, v31;
	[tilespmem:v61+s20+$0x0] =	vst.idx.msk $0xffff, v43  }
0x100: {  	v41 =	vadd.s32 v15, v12;
	v48 =	vor.u32 v23, v62;
	[tilespmem:v63+s21+$0x0] =	vst.idx.msk $0xffff, v43  }
0x101: {  	v50 =	vor.u32 v9, v58;
	v63 =	vor.u32 v1, v33;
	v42 =	vld.idx.msk [tilespmem:v53+s17+$0x0], $0xffff;
	[tilespmem:v37+s20+$0x0] =	vst.idx.msk $0xffff, v35  }
0x102: {  	v58 =	vor.u32 v9, v56;
	v52 =	vor.u32 v8, v34;
	v61 =	vshll.u32 v57, $0x7;
	[tilespmem:v55+s21+$0x0] =	vst.idx.msk $0xffff, v35  }
0x103: {  	v57 =	vshll.u32 v57, $0xA;
	v53 =	vor.u32 v10, v59;
	v38 =	vld.idx.msk [tilespmem:v60+s17+$0x0], $0xffff;
	v60 =	vadd.s32 v22, v12  }
0x104: {  	v62 =	vadd.s32 v27, v28;
	[tilespmem:v45+s20+$0x0] =	vst.idx.msk $0xffff, v44;
	v34 =	vand.u32 $0x6000, v57;
	v40 =	vor.u32 v10, v60  }
0x105: {  	v39 =	vadd.s32 v32, v36;
	[tilespmem:v48+s21+$0x0] =	vst.idx.msk $0xffff, v44;
	v35 =	vand.u32 $0x380, v61;
	v61 =	vadd.s32 v14, v34  }
0x106: {  	v37 =	vor.u32 v6, v18;
	v48 =	vor.u32 v35, v61;
	v43 =	vld.idx.msk [tilespmem:v63+s17+$0x0], $0xffff;
	[tilespmem:v50+s20+$0x0] =	vst.idx.msk $0xffff, v42  }
0x107: {  	v45 =	vor.u32 v23, v62;
	v44 =	vld.idx.msk [tilespmem:v49+s17+$0x0], $0xffff;
	v63 =	vadd.s32 v26, v28;
	[tilespmem:v58+s21+$0x0] =	vst.idx.msk $0xffff, v42  }
0x108: {  	s31 =	sshrl.u32 s31, $0x3;
	s4 =	simm.s32 $0x4;
	v46 =	vor.u32 v23, v63;
	v42 =	vor.u32 v9, v51;
	v36 =	vld.idx.msk [tilespmem:v52+s17+$0x0], $0xffff;
	[tilespmem:v53+s20+$0x0] =	vst.idx.msk $0xffff, v38  }
.LBB2_5:
0x109: {  	v49 =	vadd.s32 s4, v0;
	v50 =	vadd.s32 v13, v34;
	[tilespmem:v40+s21+$0x0] =	vst.idx.msk $0xffff, v38;
	v38 =	vor.u32 v9, v39  }
0x10a: {  	p2 =	sne.s32 s4, $0x1F;
	v51 =	vmovc v33;
	v9 =	vmovc v10;
	v10 =	vmov v23;
	v23 =	vmov v35;
	v39 =	vmov v12  }
0x10b: {  	[tilespmem:v48+s20+$0x0] =	vst.idx.msk $0xffff, v43;
	v35 =	vor.u32 v23, v50;
	v37 =	vld.idx.msk [tilespmem:v37+s17+$0x0], $0xffff;
	v48 =	vadd.s32 v25, v39  }
0x10c: {  	v33 =	vand.u32 $0x1F, v49;
	v40 =	vor.u32 v2, v51;
	v41 =	vor.u32 v9, v41;
	[tilespmem:v45+s20+$0x0] =	vst.idx.msk $0xffff, v44  }
0x10d: {  	v12 =	vmov v28;
	v33 =	vor.u32 v11, v33;
	[tilespmem:v46+s21+$0x0] =	vst.idx.msk $0xffff, v44;
	v44 =	vor.u32 v9, v48  }
0x10e: {  	v48 =	vadd.s32 v24, v12;
	v46 =	vor.u32 v7, v18;
	v45 =	vld.idx.msk [tilespmem:v47+s17+$0x0], $0xffff;
	[tilespmem:v42+s20+$0x0] =	vst.idx.msk $0xffff, v36  }
0x10f: {  	v28 =	vmov v34;
	v42 =	vor.u32 v10, v48;
	v47 =	vadd.s32 v21, v12;
	[tilespmem:v38+s21+$0x0] =	vst.idx.msk $0xffff, v36  }
0x110: {  	v34 =	vor.u32 v10, v47;
	[tilespmem:v35+s21+$0x0] =	vst.idx.msk $0xffff, v43;
	v35 =	vadd.s32 v19, v39  }
0x111: {  	v38 =	vadd.s32 v16, v28;
	v36 =	vld.idx.msk [tilespmem:v40+s17+$0x0], $0xffff;
	v40 =	vor.u32 v5, v31;
	[tilespmem:v41+s20+$0x0] =	vst.idx.msk $0xffff, v37  }
0x112: {  	v43 =	vor.u32 v23, v38;
	v38 =	vadd.s32 v17, v28;
	v41 =	vshll.u32 v49, $0x7;
	[tilespmem:v44+s21+$0x0] =	vst.idx.msk $0xffff, v37  }
0x113: {  	v47 =	vor.u32 v23, v38;
	v44 =	vor.u32 v1, v33;
	v37 =	vadd.s32 v29, v39;
	v46 =	vld.idx.msk [tilespmem:v46+s17+$0x0], $0xffff  }
0x114: {  	v48 =	vshll.u32 v49, $0xA;
	v49 =	vor.u32 v3, v51;
	[tilespmem:v42+s20+$0x0] =	vst.idx.msk $0xffff, v45;
	v42 =	vor.u32 v9, v35  }
0x115: {  	v50 =	vadd.s32 v30, v39;
	v35 =	vand.u32 $0x380, v41;
	v41 =	vor.u32 v9, v37;
	[tilespmem:v34+s21+$0x0] =	vst.idx.msk $0xffff, v45  }
0x116: {  	v52 =	vor.u32 v8, v18;
	v37 =	vor.u32 v6, v31;
	v38 =	vld.idx.msk [tilespmem:v40+s17+$0x0], $0xffff;
	v40 =	vadd.s32 v20, v12  }
0x117: {  	v18 =	vadd.s32 v22, v12;
	v34 =	vand.u32 $0x6000, v48;
	[tilespmem:v43+s20+$0x0] =	vst.idx.msk $0xffff, v36;
	v53 =	vor.u32 v10, v40  }
.Ltmp1:
0x118: {  	v40 =	vor.u32 v10, v18;
	v43 =	vld.idx.msk [tilespmem:v44+s17+$0x0], $0xffff;
	v44 =	vadd.s32 v14, v34;
	[tilespmem:v47+s21+$0x0] =	vst.idx.msk $0xffff, v36;
	(pc) =	sbr.rel @p2 .LBB2_5-.Ltmp1, $4  }
0x119: {  	v47 =	vadd.s32 v27, v28;
	v48 =	vor.u32 v35, v44;
	v44 =	vld.idx.msk [tilespmem:v49+s17+$0x0], $0xffff;
	[tilespmem:v42+s20+$0x0] =	vst.idx.msk $0xffff, v46  }
0x11a: {  	v18 =	vmov v31;
	v36 =	vadd.s32 v26, v28;
	v45 =	vor.u32 v23, v47;
	[tilespmem:v41+s21+$0x0] =	vst.idx.msk $0xffff, v46  }
0x11b: {  	v39 =	vadd.s32 v32, v39;
	v46 =	vor.u32 v23, v36;
	v41 =	vadd.s32 v15, v12;
	v36 =	vld.idx.msk [tilespmem:v52+s17+$0x0], $0xffff  }
0x11c: {  	s4 =	sadd.s32 $0x1, s4;
	v31 =	vmov v51;
	v47 =	vor.u32 v4, v51;
	v42 =	vor.u32 v9, v50;
	[tilespmem:v53+s20+$0x0] =	vst.idx.msk $0xffff, v38  }
0x11d: {  	v11 =	vadd.s32 v13, v34  }
0x11e: {  	v11 =	vor.u32 v35, v11  }
0x11f: {  	v13 =	vor.u32 v2, v33;
	_ =	sdelay $0x2  }
0x120: {  	[tilespmem:v48+s20+$0x0] =	vst.idx.msk $0xffff, v43  }
0x121: {  	[tilespmem:v11+s21+$0x0] =	vst.idx.msk $0xffff, v43;
	v11 =	vadd.s32 v16, v34  }
0x122: {  	v14 =	vadd.s32 v17, v34;
	v13 =	vld.idx.msk [tilespmem:v13+s17+$0x0], $0xffff;
	v11 =	vor.u32 v35, v11  }
0x123: {  	v14 =	vor.u32 v35, v14  }
0x124: {  	v16 =	vor.u32 v3, v33;
	_ =	sdelay $0x2  }
0x125: {  	[tilespmem:v11+s20+$0x0] =	vst.idx.msk $0xffff, v13  }
0x126: {  	v11 =	vadd.s32 v27, v34;
	[tilespmem:v14+s21+$0x0] =	vst.idx.msk $0xffff, v13  }
0x127: {  	v11 =	vor.u32 v35, v11;
	v14 =	vadd.s32 v26, v34;
	v13 =	vld.idx.msk [tilespmem:v16+s17+$0x0], $0xffff  }
0x128: {  	v14 =	vor.u32 v35, v14  }
0x129: {  	v16 =	vor.u32 v4, v33  }
0x12a: {  	[tilespmem:v45+s20+$0x0] =	vst.idx.msk $0xffff, v44  }
0x12b: {  	v17 =	vadd.s32 v24, v28;
	[tilespmem:v46+s21+$0x0] =	vst.idx.msk $0xffff, v44  }
0x12c: {  	v17 =	vor.u32 v23, v17;
	v27 =	vadd.s32 v21, v28;
	v26 =	vld.idx.msk [tilespmem:v47+s17+$0x0], $0xffff;
	[tilespmem:v11+s20+$0x0] =	vst.idx.msk $0xffff, v13  }
0x12d: {  	v11 =	vor.u32 v23, v27;
	[tilespmem:v14+s21+$0x0] =	vst.idx.msk $0xffff, v13;
	v13 =	vadd.s32 v24, v34  }
0x12e: {  	v21 =	vadd.s32 v21, v34;
	v14 =	vor.u32 v5, v31;
	v16 =	vld.idx.msk [tilespmem:v16+s17+$0x0], $0xffff;
	v13 =	vor.u32 v35, v13  }
0x12f: {  	v21 =	vor.u32 v35, v21  }
0x130: {  	[tilespmem:v40+s21+$0x0] =	vst.idx.msk $0xffff, v38;
	v24 =	vor.u32 v5, v33  }
0x131: {  	[tilespmem:v17+s20+$0x0] =	vst.idx.msk $0xffff, v26  }
0x132: {  	[tilespmem:v11+s21+$0x0] =	vst.idx.msk $0xffff, v26;
	v11 =	vadd.s32 v20, v28  }
0x133: {  	v17 =	vadd.s32 v22, v28;
	v14 =	vld.idx.msk [tilespmem:v14+s17+$0x0], $0xffff;
	v11 =	vor.u32 v23, v11;
	[tilespmem:v13+s20+$0x0] =	vst.idx.msk $0xffff, v16  }
0x134: {  	v13 =	vor.u32 v23, v17;
	[tilespmem:v21+s21+$0x0] =	vst.idx.msk $0xffff, v16;
	v16 =	vadd.s32 v20, v34  }
0x135: {  	v17 =	vor.u32 v6, v31;
	v21 =	vadd.s32 v22, v34;
	v20 =	vld.idx.msk [tilespmem:v24+s17+$0x0], $0xffff;
	v16 =	vor.u32 v35, v16  }
0x136: {  	[tilespmem:v42+s20+$0x0] =	vst.idx.msk $0xffff, v36;
	v21 =	vor.u32 v35, v21  }
0x137: {  	v27 =	vor.u32 v10, v41;
	v26 =	vld.idx.msk [tilespmem:v37+s17+$0x0], $0xffff;
	v22 =	vadd.s32 v25, v12;
	v24 =	vor.u32 v6, v33  }
0x138: {  	v46 =	vadd.s32 v15, v28;
	v22 =	vor.u32 v10, v22;
	[tilespmem:v11+s20+$0x0] =	vst.idx.msk $0xffff, v14  }
0x139: {  	v15 =	vadd.s32 v15, v34;
	v11 =	vor.u32 v7, v18;
	[tilespmem:v13+s21+$0x0] =	vst.idx.msk $0xffff, v14  }
0x13a: {  	v14 =	vadd.s32 v25, v28;
	v13 =	vld.idx.msk [tilespmem:v17+s17+$0x0], $0xffff;
	v17 =	vor.u32 v23, v46;
	[tilespmem:v16+s20+$0x0] =	vst.idx.msk $0xffff, v20  }
0x13b: {  	v15 =	vor.u32 v35, v15;
	v14 =	vor.u32 v23, v14;
	[tilespmem:v21+s21+$0x0] =	vst.idx.msk $0xffff, v20  }
0x13c: {  	[tilespmem:v27+s20+$0x0] =	vst.idx.msk $0xffff, v26;
	v16 =	vor.u32 v7, v31;
	v21 =	vadd.s32 v25, v34;
	v20 =	vld.idx.msk [tilespmem:v24+s17+$0x0], $0xffff  }
0x13d: {  	[tilespmem:v22+s21+$0x0] =	vst.idx.msk $0xffff, v26;
	v21 =	vor.u32 v35, v21  }
0x13e: {  	v22 =	vadd.s32 v29, v12;
	v25 =	vor.u32 v7, v33;
	v24 =	vadd.s32 v19, v12  }
0x13f: {  	v22 =	vor.u32 v10, v22;
	v11 =	vld.idx.msk [tilespmem:v11+s17+$0x0], $0xffff;
	v24 =	vor.u32 v10, v24;
	[tilespmem:v17+s20+$0x0] =	vst.idx.msk $0xffff, v13  }
0x140: {  	v17 =	vor.u32 v8, v18;
	v18 =	vadd.s32 v19, v28;
	[tilespmem:v14+s21+$0x0] =	vst.idx.msk $0xffff, v13  }
0x141: {  	v14 =	vadd.s32 v29, v28;
	v13 =	vld.idx.msk [tilespmem:v16+s17+$0x0], $0xffff;
	v16 =	vor.u32 v23, v18;
	[tilespmem:v15+s20+$0x0] =	vst.idx.msk $0xffff, v20  }
0x142: {  	v14 =	vor.u32 v23, v14;
	v15 =	vadd.s32 v19, v34;
	[tilespmem:v21+s21+$0x0] =	vst.idx.msk $0xffff, v20  }
0x143: {  	v18 =	vor.u32 v8, v31;
	v20 =	vadd.s32 v29, v34;
	v15 =	vor.u32 v35, v15;
	v19 =	vld.idx.msk [tilespmem:v25+s17+$0x0], $0xffff  }
0x144: {  	v9 =	vor.u32 v9, v39;
	[tilespmem:v24+s20+$0x0] =	vst.idx.msk $0xffff, v11;
	v20 =	vor.u32 v35, v20  }
0x145: {  	s0 =	smin.u32 s29, $0xBB;
	v21 =	vadd.s32 v30, v12;
	[tilespmem:v22+s21+$0x0] =	vst.idx.msk $0xffff, v11;
	v11 =	vor.u32 v8, v33  }
0x146: {  	s0 =	sadd.s32 $0x4, s0;
	v12 =	vadd.s32 v32, v12;
	v21 =	vor.u32 v10, v21;
	v17 =	vld.idx.msk [tilespmem:v17+s17+$0x0], $0xffff;
	[tilespmem:v16+s20+$0x0] =	vst.idx.msk $0xffff, v13  }
0x147: {  	s2 =	sand.u32 $0x18, s0;
	v10 =	vor.u32 v10, v12;
	v12 =	vadd.s32 v30, v28;
	[tilespmem:v14+s21+$0x0] =	vst.idx.msk $0xffff, v13  }
0x148: {  	p2 =	sne.s32 s2, $0x0;
	v12 =	vor.u32 v23, v12;
	v14 =	vadd.s32 v32, v28;
	v13 =	vld.idx.msk [tilespmem:v18+s17+$0x0], $0xffff;
	[tilespmem:v15+s20+$0x0] =	vst.idx.msk $0xffff, v19  }
0x149: {  	s4 =	sshll.u32 s0, $0x2;
	p1 =	por !p1, !p2;
	v14 =	vor.u32 v23, v14;
	v15 =	vadd.s32 v30, v34;
	[tilespmem:v20+s21+$0x0] =	vst.idx.msk $0xffff, v19  }
0x14a: {  	s2 =	sand.u32 $0x1C, s4;
	s4 =	simm.s32 $0x1;
	[tilespmem:v9+s21+$0x0] =	vst.idx.msk $0xffff, v36;
	p1 =	por !p1, !p1;
	v15 =	vor.u32 v35, v15;
	v9 =	vld.idx.msk [tilespmem:v11+s17+$0x0], $0xffff;
	v11 =	vadd.s32 v32, v34  }
0x14b: {  	s0 =	sshrl.u32 s0, $0x5;
	s2 =	smul.u32 $0x6000, s2;
	s4 =	simm.s32 @!p1 $0x0;
	[tilespmem:v21+s20+$0x0] =	vst.idx.msk $0xffff, v17;
	v11 =	vor.u32 v35, v11  }
0x14c: {  	s0 =	ssub.s32 s0, s4;
	[tilespmem:v10+s21+$0x0] =	vst.idx.msk $0xffff, v17  }
0x14d: {  	s2 =	sadd.s32 s7, s2;
	s0 =	sshll.u32 s0, $0xA;
	[tilespmem:v12+s20+$0x0] =	vst.idx.msk $0xffff, v13  }
0x14e: {  	s0 =	sadd.s32 s0, s2;
	[tilespmem:v14+s21+$0x0] =	vst.idx.msk $0xffff, v13  }
0x14f: {  	s0 =	sshrl.u32 s0, $0x3;
	[tilespmem:v15+s20+$0x0] =	vst.idx.msk $0xffff, v9  }
0x150: {  	p1 =	sne.s32 s30, $0x7;
	s0 =	sadd.s32 s1, s0;
	[tilespmem:v11+s21+$0x0] =	vst.idx.msk $0xffff, v9  }
0x151: {  	[tilespmem:s17], [sflag:$0x2] =	stream.strided.gather [hbm4b:s0+s14], $0x4000, s15, s14, $0x38;
	[tilespmem:$0x1C800] =	vst v63  }
0x152: {  	s0 =	sshll.u32 @!p1 s31, $0xF  }
0x153: {  	s0 =	sadd.s32 @!p1 s7, s0  }
0x154: {  	s0 =	sshrl.u32 @!p1 s0, $0x3  }
0x155: {  	s4 =	simm.s32 @!p1 $0x0;
	s30 =	simm.s32 @!p1 $0xC800;
	s2 =	sadd.s32 @!p1 s5, s0  }
0x156: {  	[hbm4b:s2+s4] =	stream.linear.scatter @!p1 [tilespmem:s30], [sflag:$0x4], $0x8000, $0x38;
	[tilespmem:$0x1C800] =	vst v63  }
0x157: {  	s31 =	sadd.s32 $0x2, s29;
	s0 =	sadd.s32 @!p1 s6, s0;
	s2 =	simm.s32 @!p1 $0x14800  }
0x158: {  	[hbm4b:s0+s4] =	stream.linear.scatter @!p1 [tilespmem:s2], [sflag:$0x5], $0x8000, $0x38;
	[tilespmem:$0x1C800] =	vst v63  }
0x159: {  	s30 =	sand.u32 $0x7, s31;
	_ =	swait.ge [sflag:s23], $0x4000  }
0x15a: {  	p1 =	sne.s32 s30, $0x0;
	[sflag:s23] =	ssyncset.done $0x0  }
0x15b: {  	s0 =	simm.s32 @!p1 $0x4;
	[sflag:s23] =	ssyncadd.s32 $0xFFFFC000  }
0x15c: {  	_ =	swait.ge @!p1 [sflag:s0], $0x8000  }
0x15d: {  	[sflag:s0] =	ssyncset.done @!p1 $0x0  }
0x15e: {  	[sflag:s0] =	ssyncadd.s32 @!p1 $0xFFFF8000;
	s0 =	simm.s32 @!p1 $0x5  }
0x15f: {  	_ =	swait.ge @!p1 [sflag:s0], $0x8000  }
0x160: {  	[sflag:s0] =	ssyncset.done @!p1 $0x0  }
0x161: {  	[sflag:s0] =	ssyncadd.s32 @!p1 $0xFFFF8000;
	s0 =	sshll.u32 s30, $0x7  }
0x162: {  	v9 =	vld [tilespmem:s0+$0x0]  }
0x163: {  	v10 =	vld [tilespmem:s0+$0x400]  }
0x164: {  	s4 =	sshll.u32 s31, $0x2;
	v21 =	vld [tilespmem:s0+$0x420]  }
0x165: {  	s2 =	sand.u32 $0x60, s4;
	s4 =	simm.s32 $0x0  }
0x166: {  	v19 =	vadd.s32 s4, v0;
	s4 =	simm.s32 $0x1  }
0x167: {  	v11 =	vmov s2;
	v48 =	vadd.s32 s4, v0;
	v12 =	vld [tilespmem:s0+$0x10]  }
0x168: {  	v15 =	vld [tilespmem:s0+$0x410];
	v13 =	vshll.u32 v9, $0x3;
	v9 =	vand.u32 $0x7F, v9;
	v14 =	vshll.u32 v10, $0x3  }
0x169: {  	v10 =	vand.u32 $0x7F, v10;
	v24 =	vshll.u32 v21, $0x3;
	v21 =	vand.u32 $0x7F, v21  }
0x16a: {  	v13 =	vand.u32 $0xFFFFFC00, v13;
	v16 =	vand.u32 $0xFFFFFC00, v14;
	v24 =	vand.u32 $0xFFFFFC00, v24  }
0x16b: {  	v18 =	vld [tilespmem:s0+$0x20];
	v14 =	vor.u32 v9, v13;
	v13 =	vor.u32 v10, v16;
	v9 =	vand.u32 $0x1F, v19  }
0x16c: {  	v16 =	vand.u32 $0x7F, v12;
	v12 =	vshll.u32 v12, $0x3;
	v34 =	vor.u32 v11, v9  }
0x16d: {  	v20 =	vld [tilespmem:s0+$0x30];
	v9 =	vand.u32 $0xFFFFFC00, v12;
	v12 =	vshll.u32 v15, $0x3;
	v22 =	vor.u32 v1, v34  }
0x16e: {  	v23 =	vld [tilespmem:s0+$0x50];
	v16 =	vor.u32 v16, v9;
	v9 =	vand.u32 $0x7F, v15;
	v12 =	vand.u32 $0xFFFFFC00, v12  }
0x16f: {  	v26 =	vor.u32 v21, v24;
	v15 =	vld [tilespmem:s0+$0x430];
	v17 =	vor.u32 v9, v12;
	v9 =	vshll.u32 v19, $0xA  }
0x170: {  	v28 =	vld [tilespmem:s0+$0x60];
	v12 =	vand.u32 $0x7F, v18;
	v19 =	vshll.u32 v19, $0x7;
	v36 =	vand.u32 $0x6000, v9  }
0x171: {  	v10 =	vld [tilespmem:s0+$0x40];
	v18 =	vshll.u32 v18, $0x3;
	v9 =	vand.u32 $0x380, v19;
	v19 =	vadd.s32 v14, v36  }
0x172: {  	v18 =	vand.u32 $0xFFFFFC00, v18;
	v25 =	vadd.s32 v13, v36;
	v19 =	vor.u32 v9, v19;
	v22 =	vld.idx.msk [tilespmem:v22+s18+$0x0], $0xffff  }
0x173: {  	v30 =	vld [tilespmem:s0+$0x70];
	v27 =	vor.u32 v12, v18;
	v12 =	vor.u32 v2, v34;
	v25 =	vor.u32 v9, v25  }
0x174: {  	v29 =	vld [tilespmem:s0+$0x440];
	v18 =	vand.u32 $0x7F, v20;
	v20 =	vshll.u32 v20, $0x3;
	v21 =	vshll.u32 v15, $0x3  }
0x175: {  	v31 =	vld [tilespmem:s0+$0x450];
	v20 =	vand.u32 $0xFFFFFC00, v20;
	v15 =	vand.u32 $0x7F, v15;
	v21 =	vand.u32 $0xFFFFFC00, v21  }
0x176: {  	s2 =	simm.s32 $0x2;
	v47 =	vld [tilespmem:s0+$0x460];
	v21 =	vor.u32 v15, v21;
	v15 =	vand.u32 $0x7F, v10;
	v10 =	vshll.u32 v10, $0x3  }
0x177: {  	v56 =	vadd.s32 s2, v0;
	v33 =	vld [tilespmem:s0+$0x470];
	v24 =	vor.u32 v18, v20;
	v10 =	vand.u32 $0xFFFFFC00, v10;
	[tilespmem:v19+s20+$0x0] =	vst.idx.msk $0xffff, v22  }
0x178: {  	v61 =	vshll.u32 v56, $0x7;
	v18 =	vadd.s32 v16, v36;
	v20 =	vor.u32 v15, v10;
	[tilespmem:v25+s21+$0x0] =	vst.idx.msk $0xffff, v22  }
0x179: {  	v10 =	vshll.u32 v29, $0x3;
	v19 =	vor.u32 v9, v18;
	v18 =	vadd.s32 v17, v36;
	v12 =	vld.idx.msk [tilespmem:v12+s18+$0x0], $0xffff  }
0x17a: {  	v15 =	vand.u32 $0x7F, v29;
	v10 =	vand.u32 $0xFFFFFC00, v10;
	v25 =	vor.u32 v9, v18  }
0x17b: {  	v29 =	vor.u32 v3, v34;
	v22 =	vor.u32 v15, v10;
	v10 =	vshll.u32 v23, $0x3  }
0x17c: {  	v15 =	vand.u32 $0x7F, v23;
	v18 =	vand.u32 $0x1F, v48;
	v10 =	vand.u32 $0xFFFFFC00, v10  }
0x17d: {  	v52 =	vand.u32 $0x7F, v28;
	v18 =	vor.u32 v11, v18;
	v15 =	vor.u32 v15, v10  }
0x17e: {  	v28 =	vshll.u32 v28, $0x3;
	v10 =	vadd.s32 v27, v36;
	[tilespmem:v19+s20+$0x0] =	vst.idx.msk $0xffff, v12;
	v19 =	vor.u32 v1, v18  }
0x17f: {  	v50 =	vor.u32 v4, v34;
	v23 =	vand.u32 $0x7F, v31;
	v49 =	vor.u32 v9, v10;
	[tilespmem:v25+s21+$0x0] =	vst.idx.msk $0xffff, v12  }
0x180: {  	v10 =	vadd.s32 v26, v36;
	v25 =	vshll.u32 v31, $0x3;
	v12 =	vshll.u32 v48, $0xA;
	v29 =	vld.idx.msk [tilespmem:v29+s18+$0x0], $0xffff  }
0x181: {  	v31 =	vor.u32 v9, v10;
	v10 =	vshll.u32 v48, $0x7;
	v12 =	vand.u32 $0x6000, v12  }
0x182: {  	v25 =	vand.u32 $0xFFFFFC00, v25;
	v10 =	vand.u32 $0x380, v10;
	v51 =	vadd.s32 v14, v12  }
0x183: {  	v25 =	vor.u32 v23, v25;
	v38 =	vor.u32 v10, v51;
	v23 =	vld.idx.msk [tilespmem:v19+s18+$0x0], $0xffff;
	v19 =	vadd.s32 v13, v12  }
0x184: {  	v58 =	vor.u32 v5, v34;
	v45 =	vadd.s32 v20, v36;
	v53 =	vor.u32 v10, v19  }
0x185: {  	v46 =	vadd.s32 v22, v36;
	v19 =	vand.u32 $0xFFFFFC00, v28;
	v28 =	vor.u32 v2, v18;
	[tilespmem:v49+s20+$0x0] =	vst.idx.msk $0xffff, v29  }
0x186: {  	v55 =	vand.u32 $0x7F, v47;
	v63 =	vor.u32 v3, v18;
	[tilespmem:v31+s21+$0x0] =	vst.idx.msk $0xffff, v29;
	v29 =	vadd.s32 v24, v36  }
0x187: {  	v48 =	vand.u32 $0x7F, v30;
	v35 =	vld.idx.msk [tilespmem:v50+s18+$0x0], $0xffff;
	v54 =	vor.u32 v9, v29;
	v29 =	vadd.s32 v21, v36  }
0x188: {  	v30 =	vshll.u32 v30, $0x3;
	v31 =	vand.u32 $0x1F, v56;
	v57 =	vor.u32 v9, v29;
	[tilespmem:v38+s20+$0x0] =	vst.idx.msk $0xffff, v23  }
0x189: {  	v30 =	vand.u32 $0xFFFFFC00, v30;
	v31 =	vor.u32 v11, v31;
	[tilespmem:v53+s21+$0x0] =	vst.idx.msk $0xffff, v23;
	v23 =	vadd.s32 v16, v12  }
0x18a: {  	v60 =	vor.u32 v1, v31;
	v38 =	vld.idx.msk [tilespmem:v28+s18+$0x0], $0xffff;
	v59 =	vor.u32 v10, v23;
	v23 =	vadd.s32 v17, v12  }
0x18b: {  	v41 =	vor.u32 v9, v46;
	v30 =	vor.u32 v48, v30;
	v62 =	vor.u32 v10, v23  }
0x18c: {  	v51 =	vadd.s32 v27, v12;
	v19 =	vor.u32 v52, v19;
	v23 =	vshll.u32 v56, $0xA;
	[tilespmem:v54+s20+$0x0] =	vst.idx.msk $0xffff, v35  }
0x18d: {  	v52 =	vadd.s32 v26, v12;
	v29 =	vshll.u32 v47, $0x3;
	v28 =	vand.u32 $0x6000, v23;
	[tilespmem:v57+s21+$0x0] =	vst.idx.msk $0xffff, v35  }
0x18e: {  	v23 =	vand.u32 $0x380, v61;
	v35 =	vor.u32 v9, v45;
	v47 =	vadd.s32 v14, v28;
	v32 =	vld.idx.msk [tilespmem:v58+s18+$0x0], $0xffff  }
0x18f: {  	v42 =	vor.u32 v10, v52;
	v49 =	vld.idx.msk [tilespmem:v60+s18+$0x0], $0xffff;
	v39 =	vor.u32 v23, v47;
	[tilespmem:v59+s20+$0x0] =	vst.idx.msk $0xffff, v38  }
0x190: {  	v52 =	vadd.s32 v24, v12;
	v50 =	vor.u32 v6, v34;
	v29 =	vand.u32 $0xFFFFFC00, v29;
	[tilespmem:v62+s21+$0x0] =	vst.idx.msk $0xffff, v38  }
0x191: {  	v29 =	vor.u32 v55, v29;
	v56 =	vadd.s32 v15, v36;
	v38 =	vor.u32 v10, v51;
	v37 =	vld.idx.msk [tilespmem:v63+s18+$0x0], $0xffff  }
0x192: {  	v54 =	vor.u32 v4, v18;
	v61 =	vor.u32 v9, v56;
	v56 =	vadd.s32 v29, v36  }
0x193: {  	v53 =	vand.u32 $0x7F, v33;
	v55 =	vadd.s32 v13, v28;
	v60 =	vor.u32 v2, v31;
	[tilespmem:v35+s20+$0x0] =	vst.idx.msk $0xffff, v32  }
0x194: {  	v33 =	vshll.u32 v33, $0x3;
	v58 =	vor.u32 v23, v55;
	v47 =	vor.u32 v4, v31;
	[tilespmem:v39+s20+$0x0] =	vst.idx.msk $0xffff, v49  }
0x195: {  	v33 =	vand.u32 $0xFFFFFC00, v33;
	v59 =	vadd.s32 v25, v36;
	v51 =	vadd.s32 v30, v36;
	[tilespmem:v41+s21+$0x0] =	vst.idx.msk $0xffff, v32  }
0x196: {  	s4 =	simm.s32 $0x3;
	v63 =	vor.u32 v9, v59;
	v59 =	vadd.s32 v16, v28;
	v43 =	vld.idx.msk [tilespmem:v50+s18+$0x0], $0xffff;
	[tilespmem:v38+s20+$0x0] =	vst.idx.msk $0xffff, v37  }
0x197: {  	v57 =	vadd.s32 s4, v0;
	v45 =	vor.u32 v23, v59;
	v32 =	vor.u32 v53, v33;
	[tilespmem:v42+s21+$0x0] =	vst.idx.msk $0xffff, v37  }
0x198: {  	v53 =	vor.u32 v7, v34;
	v37 =	vor.u32 v10, v52;
	v35 =	vld.idx.msk [tilespmem:v54+s18+$0x0], $0xffff;
	v54 =	vadd.s32 v21, v12  }
0x199: {  	v62 =	vand.u32 $0x1F, v57;
	v59 =	vadd.s32 v20, v12;
	[tilespmem:v58+s21+$0x0] =	vst.idx.msk $0xffff, v49;
	v55 =	vor.u32 v10, v54  }
0x19a: {  	v33 =	vor.u32 v11, v62;
	v58 =	vadd.s32 v19, v36;
	v44 =	vld.idx.msk [tilespmem:v60+s18+$0x0], $0xffff;
	v60 =	vor.u32 v5, v18  }
0x19b: {  	v62 =	vadd.s32 v17, v28;
	v49 =	vor.u32 v3, v31;
	[tilespmem:v61+s20+$0x0] =	vst.idx.msk $0xffff, v43  }
0x19c: {  	v41 =	vadd.s32 v15, v12;
	v48 =	vor.u32 v23, v62;
	[tilespmem:v63+s21+$0x0] =	vst.idx.msk $0xffff, v43  }
0x19d: {  	v50 =	vor.u32 v9, v58;
	v63 =	vor.u32 v1, v33;
	v42 =	vld.idx.msk [tilespmem:v53+s18+$0x0], $0xffff;
	[tilespmem:v37+s20+$0x0] =	vst.idx.msk $0xffff, v35  }
0x19e: {  	v58 =	vor.u32 v9, v56;
	v52 =	vor.u32 v8, v34;
	v61 =	vshll.u32 v57, $0x7;
	[tilespmem:v55+s21+$0x0] =	vst.idx.msk $0xffff, v35  }
0x19f: {  	v57 =	vshll.u32 v57, $0xA;
	v53 =	vor.u32 v10, v59;
	v38 =	vld.idx.msk [tilespmem:v60+s18+$0x0], $0xffff;
	v60 =	vadd.s32 v22, v12  }
0x1a0: {  	v62 =	vadd.s32 v27, v28;
	[tilespmem:v45+s20+$0x0] =	vst.idx.msk $0xffff, v44;
	v34 =	vand.u32 $0x6000, v57;
	v40 =	vor.u32 v10, v60  }
0x1a1: {  	v39 =	vadd.s32 v32, v36;
	[tilespmem:v48+s21+$0x0] =	vst.idx.msk $0xffff, v44;
	v35 =	vand.u32 $0x380, v61;
	v61 =	vadd.s32 v14, v34  }
0x1a2: {  	v37 =	vor.u32 v6, v18;
	v48 =	vor.u32 v35, v61;
	v43 =	vld.idx.msk [tilespmem:v63+s18+$0x0], $0xffff;
	[tilespmem:v50+s20+$0x0] =	vst.idx.msk $0xffff, v42  }
0x1a3: {  	v45 =	vor.u32 v23, v62;
	v44 =	vld.idx.msk [tilespmem:v49+s18+$0x0], $0xffff;
	v63 =	vadd.s32 v26, v28;
	[tilespmem:v58+s21+$0x0] =	vst.idx.msk $0xffff, v42  }
0x1a4: {  	s31 =	sshrl.u32 s31, $0x3;
	s4 =	simm.s32 $0x4;
	v46 =	vor.u32 v23, v63;
	v42 =	vor.u32 v9, v51;
	v36 =	vld.idx.msk [tilespmem:v52+s18+$0x0], $0xffff;
	[tilespmem:v53+s20+$0x0] =	vst.idx.msk $0xffff, v38  }
.LBB2_7:
0x1a5: {  	v49 =	vadd.s32 s4, v0;
	v50 =	vadd.s32 v13, v34;
	[tilespmem:v40+s21+$0x0] =	vst.idx.msk $0xffff, v38;
	v38 =	vor.u32 v9, v39  }
0x1a6: {  	p1 =	sne.s32 s4, $0x1F;
	v51 =	vmovc v33;
	v9 =	vmovc v10;
	v10 =	vmov v23;
	v23 =	vmov v35;
	v39 =	vmov v12  }
0x1a7: {  	[tilespmem:v48+s20+$0x0] =	vst.idx.msk $0xffff, v43;
	v35 =	vor.u32 v23, v50;
	v37 =	vld.idx.msk [tilespmem:v37+s18+$0x0], $0xffff;
	v48 =	vadd.s32 v25, v39  }
0x1a8: {  	v33 =	vand.u32 $0x1F, v49;
	v40 =	vor.u32 v2, v51;
	v41 =	vor.u32 v9, v41;
	[tilespmem:v45+s20+$0x0] =	vst.idx.msk $0xffff, v44  }
0x1a9: {  	v12 =	vmov v28;
	v33 =	vor.u32 v11, v33;
	[tilespmem:v46+s21+$0x0] =	vst.idx.msk $0xffff, v44;
	v44 =	vor.u32 v9, v48  }
0x1aa: {  	v48 =	vadd.s32 v24, v12;
	v46 =	vor.u32 v7, v18;
	v45 =	vld.idx.msk [tilespmem:v47+s18+$0x0], $0xffff;
	[tilespmem:v42+s20+$0x0] =	vst.idx.msk $0xffff, v36  }
0x1ab: {  	v28 =	vmov v34;
	v42 =	vor.u32 v10, v48;
	v47 =	vadd.s32 v21, v12;
	[tilespmem:v38+s21+$0x0] =	vst.idx.msk $0xffff, v36  }
0x1ac: {  	v34 =	vor.u32 v10, v47;
	[tilespmem:v35+s21+$0x0] =	vst.idx.msk $0xffff, v43;
	v35 =	vadd.s32 v19, v39  }
0x1ad: {  	v38 =	vadd.s32 v16, v28;
	v36 =	vld.idx.msk [tilespmem:v40+s18+$0x0], $0xffff;
	v40 =	vor.u32 v5, v31;
	[tilespmem:v41+s20+$0x0] =	vst.idx.msk $0xffff, v37  }
0x1ae: {  	v43 =	vor.u32 v23, v38;
	v38 =	vadd.s32 v17, v28;
	v41 =	vshll.u32 v49, $0x7;
	[tilespmem:v44+s21+$0x0] =	vst.idx.msk $0xffff, v37  }
0x1af: {  	v47 =	vor.u32 v23, v38;
	v44 =	vor.u32 v1, v33;
	v37 =	vadd.s32 v29, v39;
	v46 =	vld.idx.msk [tilespmem:v46+s18+$0x0], $0xffff  }
0x1b0: {  	v48 =	vshll.u32 v49, $0xA;
	v49 =	vor.u32 v3, v51;
	[tilespmem:v42+s20+$0x0] =	vst.idx.msk $0xffff, v45;
	v42 =	vor.u32 v9, v35  }
0x1b1: {  	v50 =	vadd.s32 v30, v39;
	v35 =	vand.u32 $0x380, v41;
	v41 =	vor.u32 v9, v37;
	[tilespmem:v34+s21+$0x0] =	vst.idx.msk $0xffff, v45  }
0x1b2: {  	v52 =	vor.u32 v8, v18;
	v37 =	vor.u32 v6, v31;
	v38 =	vld.idx.msk [tilespmem:v40+s18+$0x0], $0xffff;
	v40 =	vadd.s32 v20, v12  }
0x1b3: {  	v18 =	vadd.s32 v22, v12;
	v34 =	vand.u32 $0x6000, v48;
	[tilespmem:v43+s20+$0x0] =	vst.idx.msk $0xffff, v36;
	v53 =	vor.u32 v10, v40  }
.Ltmp2:
0x1b4: {  	v40 =	vor.u32 v10, v18;
	v43 =	vld.idx.msk [tilespmem:v44+s18+$0x0], $0xffff;
	v44 =	vadd.s32 v14, v34;
	[tilespmem:v47+s21+$0x0] =	vst.idx.msk $0xffff, v36;
	(pc) =	sbr.rel @p1 .LBB2_7-.Ltmp2, $4  }
0x1b5: {  	v47 =	vadd.s32 v27, v28;
	v48 =	vor.u32 v35, v44;
	v44 =	vld.idx.msk [tilespmem:v49+s18+$0x0], $0xffff;
	[tilespmem:v42+s20+$0x0] =	vst.idx.msk $0xffff, v46  }
0x1b6: {  	v18 =	vmov v31;
	v36 =	vadd.s32 v26, v28;
	v45 =	vor.u32 v23, v47;
	[tilespmem:v41+s21+$0x0] =	vst.idx.msk $0xffff, v46  }
0x1b7: {  	v39 =	vadd.s32 v32, v39;
	v46 =	vor.u32 v23, v36;
	v41 =	vadd.s32 v15, v12;
	v36 =	vld.idx.msk [tilespmem:v52+s18+$0x0], $0xffff  }
0x1b8: {  	s4 =	sadd.s32 $0x1, s4;
	v31 =	vmov v51;
	v47 =	vor.u32 v4, v51;
	v42 =	vor.u32 v9, v50;
	[tilespmem:v53+s20+$0x0] =	vst.idx.msk $0xffff, v38  }
0x1b9: {  	v11 =	vadd.s32 v13, v34  }
0x1ba: {  	v11 =	vor.u32 v35, v11  }
0x1bb: {  	v62 =	vor.u32 v2, v33;
	_ =	sdelay $0x2  }
0x1bc: {  	[tilespmem:v48+s20+$0x0] =	vst.idx.msk $0xffff, v43  }
0x1bd: {  	[tilespmem:v11+s21+$0x0] =	vst.idx.msk $0xffff, v43;
	v11 =	vadd.s32 v16, v34  }
0x1be: {  	v14 =	vadd.s32 v17, v34;
	v13 =	vld.idx.msk [tilespmem:v62+s18+$0x0], $0xffff;
	v11 =	vor.u32 v35, v11  }
0x1bf: {  	v14 =	vor.u32 v35, v14  }
0x1c0: {  	v63 =	vor.u32 v3, v33;
	_ =	sdelay $0x2  }
0x1c1: {  	[tilespmem:v11+s20+$0x0] =	vst.idx.msk $0xffff, v13  }
0x1c2: {  	v11 =	vadd.s32 v27, v34;
	[tilespmem:v14+s21+$0x0] =	vst.idx.msk $0xffff, v13  }
0x1c3: {  	v43 =	vadd.s32 v26, v34;
	v11 =	vor.u32 v35, v11;
	v13 =	vld.idx.msk [tilespmem:v63+s18+$0x0], $0xffff  }
0x1c4: {  	v14 =	vor.u32 v35, v43  }
0x1c5: {  	v48 =	vor.u32 v4, v33  }
0x1c6: {  	[tilespmem:v45+s20+$0x0] =	vst.idx.msk $0xffff, v44  }
0x1c7: {  	v49 =	vadd.s32 v24, v28;
	[tilespmem:v46+s21+$0x0] =	vst.idx.msk $0xffff, v44  }
0x1c8: {  	v51 =	vadd.s32 v21, v28;
	v17 =	vor.u32 v23, v49;
	v50 =	vld.idx.msk [tilespmem:v47+s18+$0x0], $0xffff;
	[tilespmem:v11+s20+$0x0] =	vst.idx.msk $0xffff, v13  }
0x1c9: {  	v52 =	vadd.s32 v24, v34;
	v11 =	vor.u32 v23, v51;
	[tilespmem:v14+s21+$0x0] =	vst.idx.msk $0xffff, v13  }
0x1ca: {  	v53 =	vor.u32 v5, v31;
	v54 =	vadd.s32 v21, v34;
	v13 =	vor.u32 v35, v52;
	v16 =	vld.idx.msk [tilespmem:v48+s18+$0x0], $0xffff  }
0x1cb: {  	v21 =	vor.u32 v35, v54  }
0x1cc: {  	v55 =	vor.u32 v5, v33  }
0x1cd: {  	[tilespmem:v17+s20+$0x0] =	vst.idx.msk $0xffff, v50  }
0x1ce: {  	[tilespmem:v11+s21+$0x0] =	vst.idx.msk $0xffff, v50;
	v11 =	vadd.s32 v20, v28  }
0x1cf: {  	v56 =	vadd.s32 v22, v28;
	v14 =	vld.idx.msk [tilespmem:v53+s18+$0x0], $0xffff;
	v11 =	vor.u32 v23, v11;
	[tilespmem:v13+s20+$0x0] =	vst.idx.msk $0xffff, v16  }
0x1d0: {  	v58 =	vadd.s32 v20, v34;
	v57 =	vor.u32 v23, v56;
	[tilespmem:v21+s21+$0x0] =	vst.idx.msk $0xffff, v16  }
0x1d1: {  	v59 =	vor.u32 v6, v31;
	v61 =	vadd.s32 v22, v34;
	v16 =	vor.u32 v35, v58;
	v60 =	vld.idx.msk [tilespmem:v55+s18+$0x0], $0xffff  }
0x1d2: {  	[tilespmem:v40+s21+$0x0] =	vst.idx.msk $0xffff, v38;
	v21 =	vor.u32 v35, v61  }
0x1d3: {  	v41 =	vor.u32 v10, v41;
	[tilespmem:v42+s20+$0x0] =	vst.idx.msk $0xffff, v36;
	v63 =	vor.u32 v6, v33  }
0x1d4: {  	v40 =	vld.idx.msk [tilespmem:v37+s18+$0x0], $0xffff;
	v42 =	vadd.s32 v15, v28;
	v62 =	vadd.s32 v25, v12;
	[tilespmem:v11+s20+$0x0] =	vst.idx.msk $0xffff, v14  }
0x1d5: {  	v44 =	vor.u32 v23, v42;
	v22 =	vor.u32 v10, v62;
	[tilespmem:v57+s21+$0x0] =	vst.idx.msk $0xffff, v14  }
0x1d6: {  	v43 =	vadd.s32 v25, v28;
	v11 =	vor.u32 v7, v18;
	v13 =	vld.idx.msk [tilespmem:v59+s18+$0x0], $0xffff;
	[tilespmem:v16+s20+$0x0] =	vst.idx.msk $0xffff, v60  }
0x1d7: {  	v45 =	vadd.s32 v15, v34;
	v14 =	vor.u32 v23, v43;
	[tilespmem:v21+s21+$0x0] =	vst.idx.msk $0xffff, v60  }
0x1d8: {  	v46 =	vor.u32 v7, v31;
	v47 =	vadd.s32 v25, v34;
	v15 =	vor.u32 v35, v45;
	v20 =	vld.idx.msk [tilespmem:v63+s18+$0x0], $0xffff  }
0x1d9: {  	v49 =	vadd.s32 v29, v12;
	[tilespmem:v41+s20+$0x0] =	vst.idx.msk $0xffff, v40;
	v21 =	vor.u32 v35, v47  }
0x1da: {  	[tilespmem:v22+s21+$0x0] =	vst.idx.msk $0xffff, v40;
	v48 =	vadd.s32 v19, v12;
	v50 =	vor.u32 v7, v33  }
0x1db: {  	v22 =	vor.u32 v10, v49;
	v24 =	vor.u32 v10, v48;
	v11 =	vld.idx.msk [tilespmem:v11+s18+$0x0], $0xffff;
	[tilespmem:v44+s20+$0x0] =	vst.idx.msk $0xffff, v13  }
0x1dc: {  	v51 =	vor.u32 v8, v18;
	v52 =	vadd.s32 v19, v28;
	[tilespmem:v14+s21+$0x0] =	vst.idx.msk $0xffff, v13  }
0x1dd: {  	v54 =	vor.u32 v23, v52;
	v53 =	vadd.s32 v29, v28;
	v13 =	vld.idx.msk [tilespmem:v46+s18+$0x0], $0xffff;
	[tilespmem:v15+s20+$0x0] =	vst.idx.msk $0xffff, v20  }
0x1de: {  	v55 =	vadd.s32 v19, v34;
	v14 =	vor.u32 v23, v53;
	[tilespmem:v21+s21+$0x0] =	vst.idx.msk $0xffff, v20  }
0x1df: {  	v56 =	vor.u32 v8, v31;
	v58 =	vadd.s32 v29, v34;
	v15 =	vor.u32 v35, v55;
	v57 =	vld.idx.msk [tilespmem:v50+s18+$0x0], $0xffff  }
0x1e0: {  	v9 =	vor.u32 v9, v39;
	[tilespmem:v24+s20+$0x0] =	vst.idx.msk $0xffff, v11;
	v20 =	vor.u32 v35, v58  }
0x1e1: {  	s0 =	smin.u32 s29, $0xBA;
	v59 =	vadd.s32 v30, v12;
	[tilespmem:v22+s21+$0x0] =	vst.idx.msk $0xffff, v11;
	v11 =	vor.u32 v8, v33  }
0x1e2: {  	s0 =	sadd.s32 $0x5, s0;
	v60 =	vadd.s32 v32, v12;
	v21 =	vor.u32 v10, v59;
	v17 =	vld.idx.msk [tilespmem:v51+s18+$0x0], $0xffff;
	[tilespmem:v54+s20+$0x0] =	vst.idx.msk $0xffff, v13  }
0x1e3: {  	s2 =	sand.u32 $0x18, s0;
	v61 =	vadd.s32 v30, v28;
	v10 =	vor.u32 v10, v60;
	[tilespmem:v14+s21+$0x0] =	vst.idx.msk $0xffff, v13  }
0x1e4: {  	p1 =	sne.s32 s2, $0x0;
	v62 =	vadd.s32 v32, v28;
	v12 =	vor.u32 v23, v61;
	v13 =	vld.idx.msk [tilespmem:v56+s18+$0x0], $0xffff;
	[tilespmem:v15+s20+$0x0] =	vst.idx.msk $0xffff, v57  }
0x1e5: {  	s29 =	sshll.u32 s0, $0x2;
	p0 =	por !p0, !p1;
	v63 =	vadd.s32 v30, v34;
	v14 =	vor.u32 v23, v62;
	[tilespmem:v20+s21+$0x0] =	vst.idx.msk $0xffff, v57  }
0x1e6: {  	s4 =	simm.s32 $0x1;
	s2 =	sand.u32 $0x1C, s29;
	[tilespmem:v9+s21+$0x0] =	vst.idx.msk $0xffff, v36;
	p0 =	por !p0, !p0;
	v15 =	vor.u32 v35, v63;
	v9 =	vld.idx.msk [tilespmem:v11+s18+$0x0], $0xffff;
	v11 =	vadd.s32 v32, v34  }
0x1e7: {  	s0 =	sshrl.u32 s0, $0x5;
	s2 =	smul.u32 $0x6000, s2;
	s4 =	simm.s32 @!p0 $0x0;
	[tilespmem:v21+s20+$0x0] =	vst.idx.msk $0xffff, v17;
	v11 =	vor.u32 v35, v11  }
0x1e8: {  	s0 =	ssub.s32 s0, s4;
	[tilespmem:v10+s21+$0x0] =	vst.idx.msk $0xffff, v17  }
0x1e9: {  	s2 =	sadd.s32 s7, s2;
	s0 =	sshll.u32 s0, $0xA;
	[tilespmem:v12+s20+$0x0] =	vst.idx.msk $0xffff, v13  }
0x1ea: {  	s0 =	sadd.s32 s0, s2;
	[tilespmem:v14+s21+$0x0] =	vst.idx.msk $0xffff, v13  }
0x1eb: {  	s0 =	sshrl.u32 s0, $0x3;
	[tilespmem:v15+s20+$0x0] =	vst.idx.msk $0xffff, v9  }
0x1ec: {  	p0 =	sne.s32 s30, $0x7;
	s0 =	sadd.s32 s1, s0;
	[tilespmem:v11+s21+$0x0] =	vst.idx.msk $0xffff, v9  }
0x1ed: {  	[tilespmem:s18], [sflag:$0x3] =	stream.strided.gather [hbm4b:s0+s14], $0x4000, s15, s14, $0x38;
	[tilespmem:$0x1C800] =	vst v63  }
0x1ee: {  	s0 =	sshll.u32 @!p0 s31, $0xF  }
0x1ef: {  	s0 =	sadd.s32 @!p0 s7, s0  }
0x1f0: {  	s0 =	sshrl.u32 @!p0 s0, $0x3  }
0x1f1: {  	s4 =	simm.s32 @!p0 $0x0;
	s29 =	simm.s32 @!p0 $0xC800;
	s2 =	sadd.s32 @!p0 s5, s0  }
0x1f2: {  	[hbm4b:s2+s4] =	stream.linear.scatter @!p0 [tilespmem:s29], [sflag:$0x4], $0x8000, $0x38;
	[tilespmem:$0x1C800] =	vst v63  }
0x1f3: {  	s28 =	sadd.s32 $0x1, s28;
	s0 =	sadd.s32 @!p0 s6, s0;
	s2 =	simm.s32 @!p0 $0x14800  }
0x1f4: {  	[hbm4b:s0+s4] =	stream.linear.scatter @!p0 [tilespmem:s2], [sflag:$0x5], $0x8000, $0x38;
	[tilespmem:$0x1C800] =	vst v63  }
0x1f5: {  	p0 =	sne.s32 s28, $0x40  }
.Ltmp3:
0x1f6: {  	_ = 	snop;
	(pc) =	sbr.rel @p0 .LBB2_2-.Ltmp3, $1  }
0x1f7: {  	_ =	sdelay $0x3  }
0x1f8: {  	_ =	swait.ge [sflag:s19], $0x4000  }
0x1f9: {  	[sflag:s19] =	ssyncset.done $0x0  }
0x1fa: {  	[sflag:s19] =	ssyncadd.s32 $0xFFFFC000  }
0x1fb: {  	_ =	swait.ge [sflag:s22], $0x4000  }
0x1fc: {  	[sflag:s22] =	ssyncset.done $0x0  }
0x1fd: {  	[sflag:s22] =	ssyncadd.s32 $0xFFFFC000  }
0x1fe: {  	_ =	swait.ge [sflag:s23], $0x4000  }
0x1ff: {  	[sflag:s23] =	ssyncset.done $0x0  }
0x200: {  	s26 =	sadd.s32 $0x1, s26;
	[sflag:s23] =	ssyncadd.s32 $0xFFFFC000  }
0x201: {  	p0 =	sne.s32 s26, s12;
	_ =	swait.ge [sflag:s24], $0x8000  }
.Ltmp4:
0x202: {  	[sflag:s24] =	ssyncset.done $0x0;
	(pc) =	sbr.rel @p0 .LBB2_1-.Ltmp4, $4  }
0x203: {  	[sflag:s24] =	ssyncadd.s32 $0xFFFF8000  }
0x204: {  	_ =	swait.ge [sflag:s25], $0x8000  }
0x205: {  	[sflag:s25] =	ssyncset.done $0x0  }
0x206: {  	[sflag:s25] =	ssyncadd.s32 $0xFFFF8000  }
0x207: {  	_ =	sfence.sel $0x180000  }
0x208: {  	[bflag:$0x0] =	sbarrier.arrive $0xFFFF  }
0x209: {  	_ =	strace $0x90000047  }
0x20a: {  	s0 =	stileid.u32;
	[bflag:$0x2] =	sbarrier.arrive $0xFFFF  }
0x20b: {  	p0 =	sne.s32 s0, $0x0;
	s0 =	rddreg [dreg:$0x5]  }
0x20c: {  	s0 =	sadd.s32 @!p0 $0x100000, s0  }
0x20d: {  	[sflag:s0] =	ssyncadd.tile.s32 @!p0 $0x1;
	_ =	shalt  }
.Lfunc_end2:
_tile_overlayer_lowered:
.L_overlay_start_2:
0x20e: {  	(tag) =	ssettag $0x2  }
0x20f: {  	s0 =	rddreg [dreg:$0x0];
	s2 =	stileid.u32  }
0x210: {  	s1 =	rddreg [dreg:$0x1];
	p0 =	sne.s32 s2, $0x0  }
0x211: {  	s3 =	rddreg [dreg:$0x2];
	[bflag:$0x3] =	sbarrier.arrive $0xFFFF;
	s2 =	simm.s32 @!p0 $0x1C06  }
0x212: {  	[timem:s3], [sflag:s2] =	dma.local @!p0 [hbm:s0], s1  }
0x213: {  	s0 =	simm.s32 @!p0 $0x6  }
0x214: {  	_ =	swait.ge @!p0 [sflag:s0], s1  }
0x215: {  	s1 =	ssub.s32 @!p0 $0x0, s1;
	[sflag:s0] =	ssyncset.done @!p0 $0x0  }
0x216: {  	[sflag:s0] =	ssyncadd.s32 @!p0 s1  }
0x217: {  	[bflag:$0x3] =	sbarrier.arrive $0xFFFF  }
0x218: {  	_ =	shalt  }

</sc_bundles>
